<compile_context>
chip_gen: v7x
topology: tpu7x:2x2x1
jax: 0.10.2.dev20260603
libtpu: 0.0.44.dev20260713+nightly
codegen_flags: <defaults>
</compile_context>

<pallas_src>
import functools

import jax
import jax.numpy as jnp
from jax import lax
from jax.experimental import pallas as pl
from jax.experimental.pallas import tpu as pltpu
from jax.experimental.pallas import tpu_sc as plsc

N = 10000
E = 320000
D = 128
R = 8
NCLS = 8

NC = 2
NS = 16
NW = NC * NS

E_PAD = 327680
PAD_N = 10240
ROWS_PER_TILE = PAD_N // NS
SUPER = 16
PPS = SUPER // 2
TOT_SUPER = E_PAD // (SUPER * 128)
N0 = 5
N1 = (TOT_SUPER - NS * N0) // NS

ROW_BLK = 2000
GRID = N // ROW_BLK



def _store_table(x, wf_ref, hw_ref):
    wide = jnp.dot(x, wf_ref[...], preferred_element_type=jnp.float32)
    for r in range(R):
        hw_ref[:, r, :] = wide[:, r * D:(r + 1) * D]


def _transform_body(h_ref, wf_ref, ws_ref, b_ref, hw_ref, self_ref):
    h = h_ref[...]
    _store_table(h, wf_ref, hw_ref)
    self_ref[...] = (
        jnp.dot(h, ws_ref[...], preferred_element_type=jnp.float32) + b_ref[...]
    )


def _transform(h, wf, ws, b):
    return pl.pallas_call(
        _transform_body,
        grid=(GRID,),
        in_specs=[
            pl.BlockSpec((ROW_BLK, D), lambda i: (i, 0)),
            pl.BlockSpec((D, R * D), lambda i: (0, 0)),
            pl.BlockSpec((D, D), lambda i: (0, 0)),
            pl.BlockSpec((1, D), lambda i: (0, 0)),
        ],
        out_specs=[
            pl.BlockSpec((ROW_BLK, R, D), lambda i: (i, 0, 0)),
            pl.BlockSpec((ROW_BLK, D), lambda i: (i, 0)),
        ],
        out_shape=[
            jax.ShapeDtypeStruct((N, R, D), jnp.float32),
            jax.ShapeDtypeStruct((N, D), jnp.float32),
        ],
    )(h, wf, ws, b)


def _combine_transform_body(parts_ref, s_ref, wf_ref, ws_ref, b_ref,
                            hw_ref, self_ref):
    x = jax.nn.relu(parts_ref[0] + parts_ref[1] + s_ref[...])
    _store_table(x, wf_ref, hw_ref)
    self_ref[...] = (
        jnp.dot(x, ws_ref[...], preferred_element_type=jnp.float32) + b_ref[...]
    )


def _combine_transform(parts, s, wf, ws, b):
    return pl.pallas_call(
        _combine_transform_body,
        grid=(GRID,),
        in_specs=[
            pl.BlockSpec((NC, ROW_BLK, D), lambda i: (0, i, 0)),
            pl.BlockSpec((ROW_BLK, D), lambda i: (i, 0)),
            pl.BlockSpec((D, R * D), lambda i: (0, 0)),
            pl.BlockSpec((D, D), lambda i: (0, 0)),
            pl.BlockSpec((1, D), lambda i: (0, 0)),
        ],
        out_specs=[
            pl.BlockSpec((ROW_BLK, R, D), lambda i: (i, 0, 0)),
            pl.BlockSpec((ROW_BLK, D), lambda i: (i, 0)),
        ],
        out_shape=[
            jax.ShapeDtypeStruct((N, R, D), jnp.float32),
            jax.ShapeDtypeStruct((N, D), jnp.float32),
        ],
    )(parts, s, wf, ws, b)


def _final_body(parts_ref, s_ref, wc_ref, bc_ref, sum_ref, prob_ref):
    i = pl.program_id(0)
    x = jax.nn.relu(parts_ref[0] + parts_ref[1] + s_ref[...])
    cs = jnp.sum(x, axis=0, keepdims=True)

    @pl.when(i == 0)
    def _():
        sum_ref[...] = cs

    @pl.when(i > 0)
    def _():
        sum_ref[...] = sum_ref[...] + cs

    @pl.when(i == GRID - 1)
    def _():
        hg = sum_ref[...] * (1.0 / N)
        logits = (
            jnp.dot(hg, wc_ref[...], preferred_element_type=jnp.float32)
            + bc_ref[...]
        )
        m = jnp.max(logits, axis=1, keepdims=True)
        e = jnp.exp(logits - m)
        prob_ref[...] = e / jnp.sum(e, axis=1, keepdims=True)


def _final(parts, s, wc_pad, bc_pad):
    return pl.pallas_call(
        _final_body,
        grid=(GRID,),
        in_specs=[
            pl.BlockSpec((NC, ROW_BLK, D), lambda i: (0, i, 0)),
            pl.BlockSpec((ROW_BLK, D), lambda i: (i, 0)),
            pl.BlockSpec((D, D), lambda i: (0, 0)),
            pl.BlockSpec((1, D), lambda i: (0, 0)),
        ],
        out_specs=[
            pl.BlockSpec((1, D), lambda i: (0, 0)),
            pl.BlockSpec((1, D), lambda i: (0, 0)),
        ],
        out_shape=[
            jax.ShapeDtypeStruct((1, D), jnp.float32),
            jax.ShapeDtypeStruct((1, D), jnp.float32),
        ],
    )(parts, s, wc_pad, bc_pad)


EROWS = E // 128
PROWS = E_PAD // 128


def _idx_prep_body(e_ref, rel_ref, flat_ref, dstp_ref):
    e = e_ref[...]
    rel = rel_ref[...]
    flat = e[0] * R + rel
    dstv = e[1]
    npad = PROWS - EROWS
    iota_r = lax.broadcasted_iota(jnp.int32, (npad, 128), 0)
    iota_c = lax.broadcasted_iota(jnp.int32, (npad, 128), 1)
    pid = iota_r * 128 + iota_c
    flat_ref[...] = jnp.concatenate([flat, (pid * 41) % (N * R)], axis=0)
    dstp_ref[...] = jnp.concatenate([dstv, N + pid % (PAD_N - N)], axis=0)


def _idx_prep(e3, rel3):
    return pl.pallas_call(
        _idx_prep_body,
        in_specs=[
            pl.BlockSpec((2, EROWS, 128), lambda: (0, 0, 0)),
            pl.BlockSpec((EROWS, 128), lambda: (0, 0)),
        ],
        out_specs=[
            pl.BlockSpec((PROWS, 128), lambda: (0, 0)),
            pl.BlockSpec((PROWS, 128), lambda: (0, 0)),
        ],
        out_shape=[
            jax.ShapeDtypeStruct((PROWS, 128), jnp.int32),
            jax.ShapeDtypeStruct((PROWS, 128), jnp.int32),
        ],
    )(e3, rel3)



def _sc_agg_body(table_hbm, idx_hbm, dst_hbm, zeros_hbm, out_hbm,
                 idx_v, dst_v, rows_v, acc_s, sem0, sem1, isem, zsem):
    cid = lax.axis_index("c")
    sid = lax.axis_index("s")

    zcp = pltpu.async_copy(
        zeros_hbm, acc_s.at[pl.ds(sid * ROWS_PER_TILE, ROWS_PER_TILE)], zsem)

    super0 = jnp.where(cid == 0, sid * N0, NS * N0 + sid * N1)
    nsuper = jnp.where(cid == 0, N0, N1)
    row0 = super0 * SUPER
    sems = (sem0, sem1)

    def gather(b, k, buf):
        return pltpu.async_copy(
            table_hbm.at[idx_v.at[b, k]],
            rows_v.at[pl.ds(buf * 128, 128)],
            sems[buf],
        )

    def wait_gather(buf):
        pltpu.make_async_copy(
            table_hbm.at[idx_v.at[0, 0]],
            rows_v.at[pl.ds(buf * 128, 128)],
            sems[buf],
        ).wait()

    def scatter(b, k, buf):
        pltpu.sync_copy(
            rows_v.at[pl.ds(buf * 128, 128)],
            acc_s.at[dst_v.at[b, k]],
            add=True,
        )

    def load_idx(sc, b):
        r = row0 + sc * SUPER
        pltpu.async_copy(idx_hbm.at[pl.ds(r, SUPER)], idx_v.at[b], isem)
        pltpu.async_copy(dst_hbm.at[pl.ds(r, SUPER)], dst_v.at[b], isem)

    def wait_idx(b):
        pltpu.make_async_copy(
            idx_hbm.at[pl.ds(0, SUPER)], idx_v.at[b], isem).wait()
        pltpu.make_async_copy(
            dst_hbm.at[pl.ds(0, SUPER)], dst_v.at[b], isem).wait()

    load_idx(0, 0)
    wait_idx(0)

    @pl.when(nsuper > 1)
    def _():
        load_idx(1, 1)

    gather(0, 0, 0)
    zcp.wait()
    plsc.subcore_barrier()
    npairs = nsuper * PPS

    def pair(p, carry):
        sc = p // PPS
        j = p - sc * PPS
        bs = sc % 2
        k0 = 2 * j
        cp1 = gather(bs, k0 + 1, 1)
        wait_gather(0)
        scatter(bs, k0, 0)

        @pl.when(j < PPS - 1)
        def _():
            gather(bs, k0 + 2, 0)

        @pl.when(jnp.logical_and(j == PPS - 1, sc + 1 < nsuper))
        def _():
            wait_idx(1 - bs)
            gather(1 - bs, 0, 0)

        cp1.wait()
        scatter(bs, k0 + 1, 1)

        @pl.when(jnp.logical_and(j == PPS - 1, sc + 2 < nsuper))
        def _():
            load_idx(sc + 2, bs)

        return carry

    lax.fori_loop(0, npairs, pair, 0)

    plsc.subcore_barrier()
    pltpu.sync_copy(
        acc_s.at[pl.ds(sid * ROWS_PER_TILE, ROWS_PER_TILE)],
        out_hbm.at[cid].at[pl.ds(sid * ROWS_PER_TILE, ROWS_PER_TILE)],
    )


@functools.partial(
    pl.kernel,
    out_type=jax.ShapeDtypeStruct((NC, PAD_N, D), jnp.float32),
    mesh=plsc.VectorSubcoreMesh(
        core_axis_name="c", subcore_axis_name="s", num_cores=NC, num_subcores=NS
    ),
    scratch_types=[
        pltpu.VMEM((2, SUPER, 128), jnp.int32),
        pltpu.VMEM((2, SUPER, 128), jnp.int32),
        pltpu.VMEM((2 * 128, D), jnp.float32),
        pltpu.VMEM_SHARED((PAD_N, D), jnp.float32),
        pltpu.SemaphoreType.DMA,
        pltpu.SemaphoreType.DMA,
        pltpu.SemaphoreType.DMA,
        pltpu.SemaphoreType.DMA,
    ],
)
def _sc_agg(table_hbm, idx_hbm, dst_hbm, zeros_hbm, out_hbm,
            idx_v, dst_v, rows_v, acc_s, sem0, sem1, isem, zsem):
    _sc_agg_body(table_hbm, idx_hbm, dst_hbm, zeros_hbm, out_hbm,
                 idx_v, dst_v, rows_v, acc_s, sem0, sem1, isem, zsem)



def kernel(h, edge_index, rel_types, W1, Ws1, b1, W2, Ws2, b2, Wc, bc):
    h = h.astype(jnp.float32)
    flat_p, dst_p = _idx_prep(
        edge_index.reshape(2, EROWS, 128), rel_types.reshape(EROWS, 128))
    zeros = jnp.zeros((ROWS_PER_TILE, D), jnp.float32)

    w1f = jnp.transpose(W1, (1, 0, 2)).reshape(D, R * D)
    w2f = jnp.transpose(W2, (1, 0, 2)).reshape(D, R * D)
    wc_pad = jnp.zeros((D, D), jnp.float32).at[:, :NCLS].set(Wc)
    bc_pad = jnp.full((1, D), -1e30, jnp.float32).at[0, :NCLS].set(bc)

    hw1, self1 = _transform(h, w1f, Ws1, b1.reshape(1, D))
    parts1 = _sc_agg(hw1.reshape(N * R, D), flat_p, dst_p, zeros)

    hw2, self2 = _combine_transform(parts1, self1, w2f, Ws2, b2.reshape(1, D))
    parts2 = _sc_agg(hw2.reshape(N * R, D), flat_p, dst_p, zeros)

    _, probs = _final(parts2, self2, wc_pad, bc_pad)
    return probs[:, :NCLS]

# --- scband reference (transcript-rebuilt; emitter-appended) ---
"""Pipeline reference for scband-classifier-grid-search-69879117906561 (READ-ONLY COPY).

The authoritative reference and input builder live on the scoring server;
editing this copy changes nothing except your own understanding.
"""

import jax, jax.numpy as jnp
import numpy as np

N_NODES = 10000
N_EDGES = 320000
IN_DIM = 128
HID = 128
N_CLASSES = 8
N_REL = 8  # stand-in for QueryPlan.max_relations


def setup_inputs(seed: int = 0) -> dict:
    key = jax.random.key(seed)
    ks = jax.random.split(key, 12)
    h = jax.random.normal(ks[0], (N_NODES, IN_DIM), dtype=jnp.float32)
    edge_index = jax.random.randint(ks[1], (2, N_EDGES), 0, N_NODES, dtype=jnp.int32)
    rel_types = jax.random.randint(ks[2], (N_EDGES,), 0, N_REL, dtype=jnp.int32)
    s_in = 1.0 / np.sqrt(IN_DIM)
    s_hid = 1.0 / np.sqrt(HID)
    W1 = jax.random.normal(ks[3], (N_REL, IN_DIM, HID), dtype=jnp.float32) * s_in
    Ws1 = jax.random.normal(ks[4], (IN_DIM, HID), dtype=jnp.float32) * s_in
    b1 = jnp.zeros((HID,), dtype=jnp.float32)
    W2 = jax.random.normal(ks[5], (N_REL, HID, HID), dtype=jnp.float32) * s_hid
    Ws2 = jax.random.normal(ks[6], (HID, HID), dtype=jnp.float32) * s_hid
    b2 = jnp.zeros((HID,), dtype=jnp.float32)
    Wc = jax.random.normal(ks[7], (HID, N_CLASSES), dtype=jnp.float32) * s_hid
    bc = jnp.zeros((N_CLASSES,), dtype=jnp.float32)
    return {"h": h, "edge_index": edge_index, "rel_types": rel_types,
            "W1": W1, "Ws1": Ws1, "b1": b1,
            "W2": W2, "Ws2": Ws2, "b2": b2,
            "Wc": Wc, "bc": bc}


def _rgcn_layer(h, src, dst, rel, W, Ws, b):
    # RelGraphConv: per-relation linear transform, sum aggregation over in-edges,
    # plus self-loop transform and bias (DGL default config).
    # Equivalent-but-efficient form: transform each node under every relation,
    # then gather the (src, rel) pair per edge.
    hW = jnp.einsum('ni,rio->nro', h, W)          # [N, R, out]
    msg = hW[src, rel]                            # [E, out] gather
    agg = jnp.zeros((h.shape[0], W.shape[2]), dtype=h.dtype).at[dst].add(msg)  # scatter-add
    return agg + h @ Ws + b


def reference(h, edge_index, rel_types, W1, Ws1, b1, W2, Ws2, b2, Wc, bc):
    h = h.astype(jnp.float32)
    src = edge_index[0]
    dst = edge_index[1]
    h1 = jax.nn.relu(_rgcn_layer(h, src, dst, rel_types, W1, Ws1, b1))
    h2 = jax.nn.relu(_rgcn_layer(h1, src, dst, rel_types, W2, Ws2, b2))
    # dgl.mean_nodes over a single graph -> mean over all nodes
    hg = jnp.mean(h2, axis=0, keepdims=True)      # [1, HID]
    logits = hg @ Wc + bc
    return jax.nn.softmax(logits, axis=1)

if __name__ == "__main__":
    import jax
    _d = setup_inputs()
    print(jax.jit(kernel)(*tuple(_d.values())))

</pallas_src>

<mosaic_0001>
#map = affine_map<(d0, d1) -> (0, 0)>
#map1 = affine_map<(d0, d1) -> (0, 0, 0)>
module attributes {stable_mosaic.version = 14 : i64} {
  func.func @_sc_agg(%arg0: i32, %arg1: i32, %arg2: memref<80000x128xf32, #tpu.memory_space<hbm>>, %arg3: memref<2560x128xi32, #tpu.memory_space<hbm>>, %arg4: memref<2560x128xi32, #tpu.memory_space<hbm>>, %arg5: memref<640x128xf32, #tpu.memory_space<hbm>>, %arg6: memref<2x10240x128xf32, #tpu.memory_space<hbm>>, %arg7: memref<2x16x128xi32, #tpu.memory_space<vmem>>, %arg8: memref<2x16x128xi32, #tpu.memory_space<vmem>>, %arg9: memref<256x128xf32, #tpu.memory_space<vmem>>, %arg10: memref<10240x128xf32, #tpu.memory_space<vmem_shared>>, %arg11: memref<!tpu.dma_semaphore, #tpu.memory_space<semaphore_mem>>, %arg12: memref<!tpu.dma_semaphore, #tpu.memory_space<semaphore_mem>>, %arg13: memref<!tpu.dma_semaphore, #tpu.memory_space<semaphore_mem>>, %arg14: memref<!tpu.dma_semaphore, #tpu.memory_space<semaphore_mem>>) attributes {dimension_semantics = [#tpu.dimension_semantics<core_parallel>, #tpu.dimension_semantics<subcore_parallel>], iteration_bounds = array<i64: 2, 16>, scalar_prefetch = 0 : i64, scratch_operands = 8 : i64, tpu.core_type = #tpu.core_type<sc_vector_subcore>, window_params = [{transform_indices = #map}, {transform_indices = #map}, {transform_indices = #map}, {transform_indices = #map}, {transform_indices = #map1}]} {
    %mul3A = arith.constant 640 : i32
    %mul3A_0 = arith.muli %arg1, %mul3A : i32
    %dma_start3A = arith.constant 0 : i32
    %dma_start3A_1 = tpu.memref_slice %arg10[%mul3A_0, %dma_start3A] : memref<10240x128xf32, #tpu.memory_space<vmem_shared>> -> memref<640x128xf32, #tpu.memory_space<vmem_shared>>
    tpu.enqueue_dma source(%arg5 : memref<640x128xf32, #tpu.memory_space<hbm>>) target(%dma_start3A_1 : memref<640x128xf32, #tpu.memory_space<vmem_shared>>) target_semaphore(%arg14 : memref<!tpu.dma_semaphore, #tpu.memory_space<semaphore_mem>>)
    %eq3A = arith.constant 0 : i32
    %eq3A_2 = arith.cmpi eq, %arg0, %eq3A : i32
    %mul3A_3 = arith.constant 5 : i32
    %mul3A_4 = arith.muli %arg1, %mul3A_3 : i32
    %mul3A_5 = arith.constant 5 : i32
    %mul3A_6 = arith.muli %arg1, %mul3A_5 : i32
    %add3A = arith.constant 80 : i32
    %add3A_7 = arith.addi %add3A, %mul3A_6 : i32
    %select_n3A = arith.select %eq3A_2, %mul3A_4, %add3A_7 : i32
    %eq3A_8 = arith.constant 0 : i32
    %eq3A_9 = arith.cmpi eq, %arg0, %eq3A_8 : i32
    %jit3A = arith.constant 5 : i32
    %jit3A_10 = arith.constant 5 : i32
    %select_n3A_11 = arith.select %eq3A_9, %jit3A, %jit3A_10 : i32
    %mul3A_12 = arith.constant 16 : i32
    %mul3A_13 = arith.muli %select_n3A, %mul3A_12 : i32
    %add3A_14 = arith.constant 0 : i32
    %add3A_15 = arith.addi %mul3A_13, %add3A_14 : i32
    %dma_start3A_16 = arith.constant 0 : i32
    %dma_start3A_17 = arith.constant 0 : i32
    %dma_start3A_18 = arith.constant 0 : i32
    %dma_start3A_19 = tpu.memref_slice %arg7[%dma_start3A_16, %dma_start3A_17, %dma_start3A_18] : memref<2x16x128xi32, #tpu.memory_space<vmem>> -> memref<1x16x128xi32, #tpu.memory_space<vmem>>
    %dma_start3A_20 = tpu.memref_squeeze %dma_start3A_19 : memref<1x16x128xi32, #tpu.memory_space<vmem>> -> memref<16x128xi32, #tpu.memory_space<vmem>>
    %dma_start3A_21 = arith.constant 0 : i32
    %dma_start3A_22 = tpu.memref_slice %arg3[%add3A_15, %dma_start3A_21] : memref<2560x128xi32, #tpu.memory_space<hbm>> -> memref<16x128xi32, #tpu.memory_space<hbm>>
    %dma_start3A_23 = arith.constant 0 : i32
    %dma_start3A_24 = arith.constant 0 : i32
    %dma_start3A_25 = tpu.memref_slice %arg7[%dma_start3A_16, %dma_start3A_23, %dma_start3A_24] : memref<2x16x128xi32, #tpu.memory_space<vmem>> -> memref<1x16x128xi32, #tpu.memory_space<vmem>>
    %dma_start3A_26 = tpu.memref_squeeze %dma_start3A_25 : memref<1x16x128xi32, #tpu.memory_space<vmem>> -> memref<16x128xi32, #tpu.memory_space<vmem>>
    %dma_start3A_27 = arith.constant 0 : i32
    %dma_start3A_28 = tpu.memref_slice %arg3[%add3A_15, %dma_start3A_27] : memref<2560x128xi32, #tpu.memory_space<hbm>> -> memref<16x128xi32, #tpu.memory_space<hbm>>
    tpu.enqueue_dma source(%dma_start3A_28 : memref<16x128xi32, #tpu.memory_space<hbm>>) target(%dma_start3A_26 : memref<16x128xi32, #tpu.memory_space<vmem>>) target_semaphore(%arg13 : memref<!tpu.dma_semaphore, #tpu.memory_space<semaphore_mem>>)
    %dma_start3A_29 = arith.constant 0 : i32
    %dma_start3A_30 = arith.constant 0 : i32
    %dma_start3A_31 = arith.constant 0 : i32
    %dma_start3A_32 = tpu.memref_slice %arg8[%dma_start3A_29, %dma_start3A_30, %dma_start3A_31] : memref<2x16x128xi32, #tpu.memory_space<vmem>> -> memref<1x16x128xi32, #tpu.memory_space<vmem>>
    %dma_start3A_33 = tpu.memref_squeeze %dma_start3A_32 : memref<1x16x128xi32, #tpu.memory_space<vmem>> -> memref<16x128xi32, #tpu.memory_space<vmem>>
    %dma_start3A_34 = arith.constant 0 : i32
    %dma_start3A_35 = tpu.memref_slice %arg4[%add3A_15, %dma_start3A_34] : memref<2560x128xi32, #tpu.memory_space<hbm>> -> memref<16x128xi32, #tpu.memory_space<hbm>>
    %dma_start3A_36 = arith.constant 0 : i32
    %dma_start3A_37 = arith.constant 0 : i32
    %dma_start3A_38 = tpu.memref_slice %arg8[%dma_start3A_29, %dma_start3A_36, %dma_start3A_37] : memref<2x16x128xi32, #tpu.memory_space<vmem>> -> memref<1x16x128xi32, #tpu.memory_space<vmem>>
    %dma_start3A_39 = tpu.memref_squeeze %dma_start3A_38 : memref<1x16x128xi32, #tpu.memory_space<vmem>> -> memref<16x128xi32, #tpu.memory_space<vmem>>
    %dma_start3A_40 = arith.constant 0 : i32
    %dma_start3A_41 = tpu.memref_slice %arg4[%add3A_15, %dma_start3A_40] : memref<2560x128xi32, #tpu.memory_space<hbm>> -> memref<16x128xi32, #tpu.memory_space<hbm>>
    tpu.enqueue_dma source(%dma_start3A_41 : memref<16x128xi32, #tpu.memory_space<hbm>>) target(%dma_start3A_39 : memref<16x128xi32, #tpu.memory_space<vmem>>) target_semaphore(%arg13 : memref<!tpu.dma_semaphore, #tpu.memory_space<semaphore_mem>>)
    %dma_wait3A = arith.constant 0 : i32
    %dma_wait3A_42 = arith.constant 0 : i32
    %dma_wait3A_43 = arith.constant 0 : i32
    %dma_wait3A_44 = tpu.memref_slice %arg7[%dma_wait3A, %dma_wait3A_42, %dma_wait3A_43] : memref<2x16x128xi32, #tpu.memory_space<vmem>> -> memref<1x16x128xi32, #tpu.memory_space<vmem>>
    %dma_wait3A_45 = tpu.memref_squeeze %dma_wait3A_44 : memref<1x16x128xi32, #tpu.memory_space<vmem>> -> memref<16x128xi32, #tpu.memory_space<vmem>>
    %dma_wait3A_46 = arith.constant 0 : i32
    %dma_wait3A_47 = arith.constant 0 : i32
    %dma_wait3A_48 = tpu.memref_slice %arg3[%dma_wait3A_46, %dma_wait3A_47] : memref<2560x128xi32, #tpu.memory_space<hbm>> -> memref<16x128xi32, #tpu.memory_space<hbm>>
    %dma_wait3A_49 = arith.constant 0 : i32
    %dma_wait3A_50 = arith.constant 0 : i32
    %dma_wait3A_51 = tpu.memref_slice %arg7[%dma_wait3A, %dma_wait3A_49, %dma_wait3A_50] : memref<2x16x128xi32, #tpu.memory_space<vmem>> -> memref<1x16x128xi32, #tpu.memory_space<vmem>>
    %dma_wait3A_52 = tpu.memref_squeeze %dma_wait3A_51 : memref<1x16x128xi32, #tpu.memory_space<vmem>> -> memref<16x128xi32, #tpu.memory_space<vmem>>
    %dma_wait3A_53 = arith.constant 0 : i32
    %dma_wait3A_54 = arith.constant 0 : i32
    %dma_wait3A_55 = tpu.memref_slice %arg3[%dma_wait3A_53, %dma_wait3A_54] : memref<2560x128xi32, #tpu.memory_space<hbm>> -> memref<16x128xi32, #tpu.memory_space<hbm>>
    tpu.wait_dma2 semaphore(%arg13 : memref<!tpu.dma_semaphore, #tpu.memory_space<semaphore_mem>>) src(%dma_wait3A_55 : memref<16x128xi32, #tpu.memory_space<hbm>>) dst(%dma_wait3A_52 : memref<16x128xi32, #tpu.memory_space<vmem>>)
    %dma_wait3A_56 = arith.constant 0 : i32
    %dma_wait3A_57 = arith.constant 0 : i32
    %dma_wait3A_58 = arith.constant 0 : i32
    %dma_wait3A_59 = tpu.memref_slice %arg8[%dma_wait3A_56, %dma_wait3A_57, %dma_wait3A_58] : memref<2x16x128xi32, #tpu.memory_space<vmem>> -> memref<1x16x128xi32, #tpu.memory_space<vmem>>
    %dma_wait3A_60 = tpu.memref_squeeze %dma_wait3A_59 : memref<1x16x128xi32, #tpu.memory_space<vmem>> -> memref<16x128xi32, #tpu.memory_space<vmem>>
    %dma_wait3A_61 = arith.constant 0 : i32
    %dma_wait3A_62 = arith.constant 0 : i32
    %dma_wait3A_63 = tpu.memref_slice %arg4[%dma_wait3A_61, %dma_wait3A_62] : memref<2560x128xi32, #tpu.memory_space<hbm>> -> memref<16x128xi32, #tpu.memory_space<hbm>>
    %dma_wait3A_64 = arith.constant 0 : i32
    %dma_wait3A_65 = arith.constant 0 : i32
    %dma_wait3A_66 = tpu.memref_slice %arg8[%dma_wait3A_56, %dma_wait3A_64, %dma_wait3A_65] : memref<2x16x128xi32, #tpu.memory_space<vmem>> -> memref<1x16x128xi32, #tpu.memory_space<vmem>>
    %dma_wait3A_67 = tpu.memref_squeeze %dma_wait3A_66 : memref<1x16x128xi32, #tpu.memory_space<vmem>> -> memref<16x128xi32, #tpu.memory_space<vmem>>
    %dma_wait3A_68 = arith.constant 0 : i32
    %dma_wait3A_69 = arith.constant 0 : i32
    %dma_wait3A_70 = tpu.memref_slice %arg4[%dma_wait3A_68, %dma_wait3A_69] : memref<2560x128xi32, #tpu.memory_space<hbm>> -> memref<16x128xi32, #tpu.memory_space<hbm>>
    tpu.wait_dma2 semaphore(%arg13 : memref<!tpu.dma_semaphore, #tpu.memory_space<semaphore_mem>>) src(%dma_wait3A_70 : memref<16x128xi32, #tpu.memory_space<hbm>>) dst(%dma_wait3A_67 : memref<16x128xi32, #tpu.memory_space<vmem>>)
    %gt3A = arith.constant 1 : i32
    %gt3A_71 = arith.cmpi sgt, %select_n3A_11, %gt3A : i32
    %convert_element_type3A = arith.extui %gt3A_71 : i1 to i32
    %cond3A = arith.constant 0 : i32
    %cond3A_72 = arith.cmpi ne, %convert_element_type3A, %cond3A : i32
    scf.if %cond3A_72 {
      %add3A_102 = arith.constant 16 : i32
      %add3A_103 = arith.addi %mul3A_13, %add3A_102 : i32
      %dma_start3A_104 = arith.constant 1 : i32
      %dma_start3A_105 = arith.constant 0 : i32
      %dma_start3A_106 = arith.constant 0 : i32
      %dma_start3A_107 = tpu.memref_slice %arg7[%dma_start3A_104, %dma_start3A_105, %dma_start3A_106] : memref<2x16x128xi32, #tpu.memory_space<vmem>> -> memref<1x16x128xi32, #tpu.memory_space<vmem>>
      %dma_start3A_108 = tpu.memref_squeeze %dma_start3A_107 : memref<1x16x128xi32, #tpu.memory_space<vmem>> -> memref<16x128xi32, #tpu.memory_space<vmem>>
      %dma_start3A_109 = arith.constant 0 : i32
      %dma_start3A_110 = tpu.memref_slice %arg3[%add3A_103, %dma_start3A_109] : memref<2560x128xi32, #tpu.memory_space<hbm>> -> memref<16x128xi32, #tpu.memory_space<hbm>>
      %dma_start3A_111 = arith.constant 0 : i32
      %dma_start3A_112 = arith.constant 0 : i32
      %dma_start3A_113 = tpu.memref_slice %arg7[%dma_start3A_104, %dma_start3A_111, %dma_start3A_112] : memref<2x16x128xi32, #tpu.memory_space<vmem>> -> memref<1x16x128xi32, #tpu.memory_space<vmem>>
      %dma_start3A_114 = tpu.memref_squeeze %dma_start3A_113 : memref<1x16x128xi32, #tpu.memory_space<vmem>> -> memref<16x128xi32, #tpu.memory_space<vmem>>
      %dma_start3A_115 = arith.constant 0 : i32
      %dma_start3A_116 = tpu.memref_slice %arg3[%add3A_103, %dma_start3A_115] : memref<2560x128xi32, #tpu.memory_space<hbm>> -> memref<16x128xi32, #tpu.memory_space<hbm>>
      tpu.enqueue_dma source(%dma_start3A_116 : memref<16x128xi32, #tpu.memory_space<hbm>>) target(%dma_start3A_114 : memref<16x128xi32, #tpu.memory_space<vmem>>) target_semaphore(%arg13 : memref<!tpu.dma_semaphore, #tpu.memory_space<semaphore_mem>>)
      %dma_start3A_117 = arith.constant 1 : i32
      %dma_start3A_118 = arith.constant 0 : i32
      %dma_start3A_119 = arith.constant 0 : i32
      %dma_start3A_120 = tpu.memref_slice %arg8[%dma_start3A_117, %dma_start3A_118, %dma_start3A_119] : memref<2x16x128xi32, #tpu.memory_space<vmem>> -> memref<1x16x128xi32, #tpu.memory_space<vmem>>
      %dma_start3A_121 = tpu.memref_squeeze %dma_start3A_120 : memref<1x16x128xi32, #tpu.memory_space<vmem>> -> memref<16x128xi32, #tpu.memory_space<vmem>>
      %dma_start3A_122 = arith.constant 0 : i32
      %dma_start3A_123 = tpu.memref_slice %arg4[%add3A_103, %dma_start3A_122] : memref<2560x128xi32, #tpu.memory_space<hbm>> -> memref<16x128xi32, #tpu.memory_space<hbm>>
      %dma_start3A_124 = arith.constant 0 : i32
      %dma_start3A_125 = arith.constant 0 : i32
      %dma_start3A_126 = tpu.memref_slice %arg8[%dma_start3A_117, %dma_start3A_124, %dma_start3A_125] : memref<2x16x128xi32, #tpu.memory_space<vmem>> -> memref<1x16x128xi32, #tpu.memory_space<vmem>>
      %dma_start3A_127 = tpu.memref_squeeze %dma_start3A_126 : memref<1x16x128xi32, #tpu.memory_space<vmem>> -> memref<16x128xi32, #tpu.memory_space<vmem>>
      %dma_start3A_128 = arith.constant 0 : i32
      %dma_start3A_129 = tpu.memref_slice %arg4[%add3A_103, %dma_start3A_128] : memref<2560x128xi32, #tpu.memory_space<hbm>> -> memref<16x128xi32, #tpu.memory_space<hbm>>
      tpu.enqueue_dma source(%dma_start3A_129 : memref<16x128xi32, #tpu.memory_space<hbm>>) target(%dma_start3A_127 : memref<16x128xi32, #tpu.memory_space<vmem>>) target_semaphore(%arg13 : memref<!tpu.dma_semaphore, #tpu.memory_space<semaphore_mem>>)
    } else {
    }
    %dma_start3A_73 = arith.constant 0 : i32
    %dma_start3A_74 = arith.constant 0 : i32
    %dma_start3A_75 = arith.constant 0 : i32
    %dma_start3A_76 = arith.constant 0 : i32
    %dma_start3A_77 = tpu.memref_slice %arg9[%dma_start3A_75, %dma_start3A_76] : memref<256x128xf32, #tpu.memory_space<vmem>> -> memref<128x128xf32, #tpu.memory_space<vmem>>
    %dma_start3A_78 = arith.constant 0 : i32
    %dma_start3A_79 = tpu.memref_slice %arg7[%dma_start3A_73, %dma_start3A_74, %dma_start3A_78] : memref<2x16x128xi32, #tpu.memory_space<vmem>> -> memref<1x1x128xi32, #tpu.memory_space<vmem>>
    %dma_start3A_80 = tpu.memref_squeeze %dma_start3A_79 : memref<1x1x128xi32, #tpu.memory_space<vmem>> -> memref<128xi32, #tpu.memory_space<vmem>>
    %dma_start3A_81 = arith.constant 0 : i32
    %dma_start3A_82 = arith.constant 0 : i32
    %dma_start3A_83 = tpu.memref_slice %arg2[%dma_start3A_81, %dma_start3A_82] : memref<80000x128xf32, #tpu.memory_space<hbm>> -> memref<80000x128xf32, #tpu.memory_space<hbm>>
    tpu.enqueue_indirect_dma source(%dma_start3A_83 : memref<80000x128xf32, #tpu.memory_space<hbm>>) target(%dma_start3A_77 : memref<128x128xf32, #tpu.memory_space<vmem>>) offsets(%dma_start3A_80 : memref<128xi32, #tpu.memory_space<vmem>>) semaphore(%arg11 : memref<!tpu.dma_semaphore, #tpu.memory_space<semaphore_mem>>)
    %dma_wait3A_84 = arith.constant 0 : i32
    %dma_wait3A_85 = tpu.memref_slice %arg10[%mul3A_0, %dma_wait3A_84] : memref<10240x128xf32, #tpu.memory_space<vmem_shared>> -> memref<640x128xf32, #tpu.memory_space<vmem_shared>>
    tpu.wait_dma2 semaphore(%arg14 : memref<!tpu.dma_semaphore, #tpu.memory_space<semaphore_mem>>) src(%arg5 : memref<640x128xf32, #tpu.memory_space<hbm>>) dst(%dma_wait3A_85 : memref<640x128xf32, #tpu.memory_space<vmem_shared>>)
    %barrier3A = arith.constant 0 : index
    tpu.barrier barrier_id(%barrier3A)
    %mul3A_86 = arith.constant 8 : i32
    %mul3A_87 = arith.muli %select_n3A_11, %mul3A_86 : i32
    %while3A = arith.constant 0 : i32
    %while3A_88 = arith.constant 0 : i32
    %while3A_89 = arith.subi %mul3A_87, %while3A_88 : i32
    %while3A_90 = arith.addi %while3A_88, %while3A_89 : i32
    %while3A_91 = arith.constant 1 : i32
    %while3A_92 = arith.divsi %while3A_89, %while3A_91 : i32
    %while3A_93 = arith.muli %while3A_92, %while3A_91 : i32
    %while3A_94 = arith.addi %while3A_88, %while3A_93 : i32
    %while3A_95 = arith.constant 1 : i32
    scf.for %while3A_102 = %while3A_88 to %while3A_94 step %while3A_95  : i32 {
      %jit3A_103 = arith.constant 8 : i32
      %div3A = arith.divsi %while3A_102, %jit3A_103 : i32
      %sign3A = arith.constant 0 : i32
      %sign3A_104 = arith.cmpi sgt, %while3A_102, %sign3A : i32
      %sign3A_105 = arith.extui %sign3A_104 : i1 to i32
      %sign3A_106 = arith.constant 0 : i32
      %sign3A_107 = arith.cmpi slt, %while3A_102, %sign3A_106 : i32
      %sign3A_108 = arith.extui %sign3A_107 : i1 to i32
      %sign3A_109 = arith.subi %sign3A_105, %sign3A_108 : i32
      %sign3A_110 = arith.constant 0 : i32
      %sign3A_111 = arith.cmpi sgt, %jit3A_103, %sign3A_110 : i32
      %sign3A_112 = arith.extui %sign3A_111 : i1 to i32
      %sign3A_113 = arith.constant 0 : i32
      %sign3A_114 = arith.cmpi slt, %jit3A_103, %sign3A_113 : i32
      %sign3A_115 = arith.extui %sign3A_114 : i1 to i32
      %sign3A_116 = arith.subi %sign3A_112, %sign3A_115 : i32
      %ne3A = arith.cmpi ne, %sign3A_109, %sign3A_116 : i32
      %rem3A = arith.remsi %while3A_102, %jit3A_103 : i32
      %ne3A_117 = arith.constant 0 : i32
      %ne3A_118 = arith.cmpi ne, %rem3A, %ne3A_117 : i32
      %and3A = arith.andi %ne3A, %ne3A_118 : i1
      %sub3A = arith.constant 1 : i32
      %sub3A_119 = arith.subi %div3A, %sub3A : i32
      %select_n3A_120 = arith.select %and3A, %sub3A_119, %div3A : i32
      %mul3A_121 = arith.constant 8 : i32
      %mul3A_122 = arith.muli %select_n3A_120, %mul3A_121 : i32
      %sub3A_123 = arith.subi %while3A_102, %mul3A_122 : i32
      %jit3A_124 = arith.constant 2 : i32
      %eq3A_125 = arith.constant 0 : i32
      %eq3A_126 = arith.cmpi eq, %jit3A_124, %eq3A_125 : i32
      %jit3A_127 = arith.constant 1 : i32
      %select_n3A_128 = arith.select %eq3A_126, %jit3A_127, %jit3A_124 : i32
      %rem3A_129 = arith.remsi %select_n3A_120, %select_n3A_128 : i32
      %ne3A_130 = arith.constant 0 : i32
      %ne3A_131 = arith.cmpi ne, %rem3A_129, %ne3A_130 : i32
      %lt3A = arith.constant 0 : i32
      %lt3A_132 = arith.cmpi slt, %rem3A_129, %lt3A : i32
      %lt3A_133 = arith.constant 0 : i32
      %lt3A_134 = arith.cmpi slt, %select_n3A_128, %lt3A_133 : i32
      %ne3A_135 = arith.xori %lt3A_132, %lt3A_134 : i1
      %and3A_136 = arith.andi %ne3A_135, %ne3A_131 : i1
      %add3A_137 = arith.addi %rem3A_129, %select_n3A_128 : i32
      %select_n3A_138 = arith.select %and3A_136, %add3A_137, %rem3A_129 : i32
      %mul3A_139 = arith.constant 2 : i32
      %mul3A_140 = arith.muli %mul3A_139, %sub3A_123 : i32
      %add3A_141 = arith.constant 1 : i32
      %add3A_142 = arith.addi %mul3A_140, %add3A_141 : i32
      %dma_start3A_143 = arith.constant 128 : i32
      %dma_start3A_144 = arith.constant 0 : i32
      %dma_start3A_145 = tpu.memref_slice %arg9[%dma_start3A_143, %dma_start3A_144] : memref<256x128xf32, #tpu.memory_space<vmem>> -> memref<128x128xf32, #tpu.memory_space<vmem>>
      %dma_start3A_146 = arith.constant 0 : i32
      %dma_start3A_147 = tpu.memref_slice %arg7[%select_n3A_138, %add3A_142, %dma_start3A_146] : memref<2x16x128xi32, #tpu.memory_space<vmem>> -> memref<1x1x128xi32, #tpu.memory_space<vmem>>
      %dma_start3A_148 = tpu.memref_squeeze %dma_start3A_147 : memref<1x1x128xi32, #tpu.memory_space<vmem>> -> memref<128xi32, #tpu.memory_space<vmem>>
      %dma_start3A_149 = arith.constant 0 : i32
      %dma_start3A_150 = arith.constant 0 : i32
      %dma_start3A_151 = tpu.memref_slice %arg2[%dma_start3A_149, %dma_start3A_150] : memref<80000x128xf32, #tpu.memory_space<hbm>> -> memref<80000x128xf32, #tpu.memory_space<hbm>>
      tpu.enqueue_indirect_dma source(%dma_start3A_151 : memref<80000x128xf32, #tpu.memory_space<hbm>>) target(%dma_start3A_145 : memref<128x128xf32, #tpu.memory_space<vmem>>) offsets(%dma_start3A_148 : memref<128xi32, #tpu.memory_space<vmem>>) semaphore(%arg12 : memref<!tpu.dma_semaphore, #tpu.memory_space<semaphore_mem>>)
      %dma_wait3A_152 = arith.constant 0 : i32
      %dma_wait3A_153 = arith.constant 0 : i32
      %dma_wait3A_154 = arith.constant 0 : i32
      %dma_wait3A_155 = arith.constant 0 : i32
      %dma_wait3A_156 = tpu.memref_slice %arg9[%dma_wait3A_154, %dma_wait3A_155] : memref<256x128xf32, #tpu.memory_space<vmem>> -> memref<128x128xf32, #tpu.memory_space<vmem>>
      %dma_wait3A_157 = arith.constant 0 : i32
      %dma_wait3A_158 = tpu.memref_slice %arg7[%dma_wait3A_152, %dma_wait3A_153, %dma_wait3A_157] : memref<2x16x128xi32, #tpu.memory_space<vmem>> -> memref<1x1x128xi32, #tpu.memory_space<vmem>>
      %dma_wait3A_159 = tpu.memref_squeeze %dma_wait3A_158 : memref<1x1x128xi32, #tpu.memory_space<vmem>> -> memref<128xi32, #tpu.memory_space<vmem>>
      %dma_wait3A_160 = arith.constant 0 : i32
      %dma_wait3A_161 = arith.constant 0 : i32
      %dma_wait3A_162 = tpu.memref_slice %arg2[%dma_wait3A_160, %dma_wait3A_161] : memref<80000x128xf32, #tpu.memory_space<hbm>> -> memref<80000x128xf32, #tpu.memory_space<hbm>>
      tpu.wait_indirect_dma semaphore(%arg11 : memref<!tpu.dma_semaphore, #tpu.memory_space<semaphore_mem>>) src(%dma_wait3A_162 : memref<80000x128xf32, #tpu.memory_space<hbm>>) dst(%dma_wait3A_156 : memref<128x128xf32, #tpu.memory_space<vmem>>)
      "tpu.region"() ({
        %run_scoped3A = tpu.sem_alloc : memref<!tpu.dma_semaphore, #tpu.memory_space<semaphore_mem>>
        %dma_start3A_197 = arith.constant 0 : i32
        %dma_start3A_198 = arith.constant 0 : i32
        %dma_start3A_199 = tpu.memref_slice %arg9[%dma_start3A_197, %dma_start3A_198] : memref<256x128xf32, #tpu.memory_space<vmem>> -> memref<128x128xf32, #tpu.memory_space<vmem>>
        %dma_start3A_200 = arith.constant 0 : i32
        %dma_start3A_201 = tpu.memref_slice %arg8[%select_n3A_138, %mul3A_140, %dma_start3A_200] : memref<2x16x128xi32, #tpu.memory_space<vmem>> -> memref<1x1x128xi32, #tpu.memory_space<vmem>>
        %dma_start3A_202 = tpu.memref_squeeze %dma_start3A_201 : memref<1x1x128xi32, #tpu.memory_space<vmem>> -> memref<128xi32, #tpu.memory_space<vmem>>
        %dma_start3A_203 = arith.constant 0 : i32
        %dma_start3A_204 = arith.constant 0 : i32
        %dma_start3A_205 = tpu.memref_slice %arg10[%dma_start3A_203, %dma_start3A_204] : memref<10240x128xf32, #tpu.memory_space<vmem_shared>> -> memref<10240x128xf32, #tpu.memory_space<vmem_shared>>
        tpu.enqueue_indirect_dma source(%dma_start3A_199 : memref<128x128xf32, #tpu.memory_space<vmem>>) target(%dma_start3A_205 : memref<10240x128xf32, #tpu.memory_space<vmem_shared>>) offsets(%dma_start3A_202 : memref<128xi32, #tpu.memory_space<vmem>>) semaphore(%run_scoped3A : memref<!tpu.dma_semaphore, #tpu.memory_space<semaphore_mem>>) {add = true}
        %dma_wait3A_206 = arith.constant 0 : i32
        %dma_wait3A_207 = arith.constant 0 : i32
        %dma_wait3A_208 = tpu.memref_slice %arg9[%dma_wait3A_206, %dma_wait3A_207] : memref<256x128xf32, #tpu.memory_space<vmem>> -> memref<128x128xf32, #tpu.memory_space<vmem>>
        %dma_wait3A_209 = arith.constant 0 : i32
        %dma_wait3A_210 = tpu.memref_slice %arg8[%select_n3A_138, %mul3A_140, %dma_wait3A_209] : memref<2x16x128xi32, #tpu.memory_space<vmem>> -> memref<1x1x128xi32, #tpu.memory_space<vmem>>
        %dma_wait3A_211 = tpu.memref_squeeze %dma_wait3A_210 : memref<1x1x128xi32, #tpu.memory_space<vmem>> -> memref<128xi32, #tpu.memory_space<vmem>>
        %dma_wait3A_212 = arith.constant 0 : i32
        %dma_wait3A_213 = arith.constant 0 : i32
        %dma_wait3A_214 = tpu.memref_slice %arg10[%dma_wait3A_212, %dma_wait3A_213] : memref<10240x128xf32, #tpu.memory_space<vmem_shared>> -> memref<10240x128xf32, #tpu.memory_space<vmem_shared>>
        tpu.wait_indirect_dma semaphore(%run_scoped3A : memref<!tpu.dma_semaphore, #tpu.memory_space<semaphore_mem>>) src(%dma_wait3A_208 : memref<128x128xf32, #tpu.memory_space<vmem>>) dst(%dma_wait3A_214 : memref<10240x128xf32, #tpu.memory_space<vmem_shared>>)
        tpu.yield
      }) : () -> ()
      %lt3A_163 = arith.constant 7 : i32
      %lt3A_164 = arith.cmpi slt, %sub3A_123, %lt3A_163 : i32
      %convert_element_type3A_165 = arith.extui %lt3A_164 : i1 to i32
      %cond3A_166 = arith.constant 0 : i32
      %cond3A_167 = arith.cmpi ne, %convert_element_type3A_165, %cond3A_166 : i32
      scf.if %cond3A_167 {
        %add3A_197 = arith.constant 2 : i32
        %add3A_198 = arith.addi %mul3A_140, %add3A_197 : i32
        %dma_start3A_199 = arith.constant 0 : i32
        %dma_start3A_200 = arith.constant 0 : i32
        %dma_start3A_201 = tpu.memref_slice %arg9[%dma_start3A_199, %dma_start3A_200] : memref<256x128xf32, #tpu.memory_space<vmem>> -> memref<128x128xf32, #tpu.memory_space<vmem>>
        %dma_start3A_202 = arith.constant 0 : i32
        %dma_start3A_203 = tpu.memref_slice %arg7[%select_n3A_138, %add3A_198, %dma_start3A_202] : memref<2x16x128xi32, #tpu.memory_space<vmem>> -> memref<1x1x128xi32, #tpu.memory_space<vmem>>
        %dma_start3A_204 = tpu.memref_squeeze %dma_start3A_203 : memref<1x1x128xi32, #tpu.memory_space<vmem>> -> memref<128xi32, #tpu.memory_space<vmem>>
        %dma_start3A_205 = arith.constant 0 : i32
        %dma_start3A_206 = arith.constant 0 : i32
        %dma_start3A_207 = tpu.memref_slice %arg2[%dma_start3A_205, %dma_start3A_206] : memref<80000x128xf32, #tpu.memory_space<hbm>> -> memref<80000x128xf32, #tpu.memory_space<hbm>>
        tpu.enqueue_indirect_dma source(%dma_start3A_207 : memref<80000x128xf32, #tpu.memory_space<hbm>>) target(%dma_start3A_201 : memref<128x128xf32, #tpu.memory_space<vmem>>) offsets(%dma_start3A_204 : memref<128xi32, #tpu.memory_space<vmem>>) semaphore(%arg11 : memref<!tpu.dma_semaphore, #tpu.memory_space<semaphore_mem>>)
      } else {
      }
      %eq3A_168 = arith.constant 7 : i32
      %eq3A_169 = arith.cmpi eq, %sub3A_123, %eq3A_168 : i32
      %add3A_170 = arith.constant 1 : i32
      %add3A_171 = arith.addi %select_n3A_120, %add3A_170 : i32
      %lt3A_172 = arith.cmpi slt, %add3A_171, %select_n3A_11 : i32
      %and3A_173 = arith.andi %eq3A_169, %lt3A_172 : i1
      %convert_element_type3A_174 = arith.extui %and3A_173 : i1 to i32
      %cond3A_175 = arith.constant 0 : i32
      %cond3A_176 = arith.cmpi ne, %convert_element_type3A_174, %cond3A_175 : i32
      scf.if %cond3A_176 {
        %sub3A_197 = arith.constant 1 : i32
        %sub3A_198 = arith.subi %sub3A_197, %select_n3A_138 : i32
        %dma_wait3A_199 = arith.constant 0 : i32
        %dma_wait3A_200 = arith.constant 0 : i32
        %dma_wait3A_201 = tpu.memref_slice %arg7[%sub3A_198, %dma_wait3A_199, %dma_wait3A_200] : memref<2x16x128xi32, #tpu.memory_space<vmem>> -> memref<1x16x128xi32, #tpu.memory_space<vmem>>
        %dma_wait3A_202 = tpu.memref_squeeze %dma_wait3A_201 : memref<1x16x128xi32, #tpu.memory_space<vmem>> -> memref<16x128xi32, #tpu.memory_space<vmem>>
        %dma_wait3A_203 = arith.constant 0 : i32
        %dma_wait3A_204 = arith.constant 0 : i32
        %dma_wait3A_205 = tpu.memref_slice %arg3[%dma_wait3A_203, %dma_wait3A_204] : memref<2560x128xi32, #tpu.memory_space<hbm>> -> memref<16x128xi32, #tpu.memory_space<hbm>>
        %dma_wait3A_206 = arith.constant 0 : i32
        %dma_wait3A_207 = arith.constant 0 : i32
        %dma_wait3A_208 = tpu.memref_slice %arg7[%sub3A_198, %dma_wait3A_206, %dma_wait3A_207] : memref<2x16x128xi32, #tpu.memory_space<vmem>> -> memref<1x16x128xi32, #tpu.memory_space<vmem>>
        %dma_wait3A_209 = tpu.memref_squeeze %dma_wait3A_208 : memref<1x16x128xi32, #tpu.memory_space<vmem>> -> memref<16x128xi32, #tpu.memory_space<vmem>>
        %dma_wait3A_210 = arith.constant 0 : i32
        %dma_wait3A_211 = arith.constant 0 : i32
        %dma_wait3A_212 = tpu.memref_slice %arg3[%dma_wait3A_210, %dma_wait3A_211] : memref<2560x128xi32, #tpu.memory_space<hbm>> -> memref<16x128xi32, #tpu.memory_space<hbm>>
        tpu.wait_dma2 semaphore(%arg13 : memref<!tpu.dma_semaphore, #tpu.memory_space<semaphore_mem>>) src(%dma_wait3A_212 : memref<16x128xi32, #tpu.memory_space<hbm>>) dst(%dma_wait3A_209 : memref<16x128xi32, #tpu.memory_space<vmem>>)
        %dma_wait3A_213 = arith.constant 0 : i32
        %dma_wait3A_214 = arith.constant 0 : i32
        %dma_wait3A_215 = tpu.memref_slice %arg8[%sub3A_198, %dma_wait3A_213, %dma_wait3A_214] : memref<2x16x128xi32, #tpu.memory_space<vmem>> -> memref<1x16x128xi32, #tpu.memory_space<vmem>>
        %dma_wait3A_216 = tpu.memref_squeeze %dma_wait3A_215 : memref<1x16x128xi32, #tpu.memory_space<vmem>> -> memref<16x128xi32, #tpu.memory_space<vmem>>
        %dma_wait3A_217 = arith.constant 0 : i32
        %dma_wait3A_218 = arith.constant 0 : i32
        %dma_wait3A_219 = tpu.memref_slice %arg4[%dma_wait3A_217, %dma_wait3A_218] : memref<2560x128xi32, #tpu.memory_space<hbm>> -> memref<16x128xi32, #tpu.memory_space<hbm>>
        %dma_wait3A_220 = arith.constant 0 : i32
        %dma_wait3A_221 = arith.constant 0 : i32
        %dma_wait3A_222 = tpu.memref_slice %arg8[%sub3A_198, %dma_wait3A_220, %dma_wait3A_221] : memref<2x16x128xi32, #tpu.memory_space<vmem>> -> memref<1x16x128xi32, #tpu.memory_space<vmem>>
        %dma_wait3A_223 = tpu.memref_squeeze %dma_wait3A_222 : memref<1x16x128xi32, #tpu.memory_space<vmem>> -> memref<16x128xi32, #tpu.memory_space<vmem>>
        %dma_wait3A_224 = arith.constant 0 : i32
        %dma_wait3A_225 = arith.constant 0 : i32
        %dma_wait3A_226 = tpu.memref_slice %arg4[%dma_wait3A_224, %dma_wait3A_225] : memref<2560x128xi32, #tpu.memory_space<hbm>> -> memref<16x128xi32, #tpu.memory_space<hbm>>
        tpu.wait_dma2 semaphore(%arg13 : memref<!tpu.dma_semaphore, #tpu.memory_space<semaphore_mem>>) src(%dma_wait3A_226 : memref<16x128xi32, #tpu.memory_space<hbm>>) dst(%dma_wait3A_223 : memref<16x128xi32, #tpu.memory_space<vmem>>)
        %sub3A_227 = arith.constant 1 : i32
        %sub3A_228 = arith.subi %sub3A_227, %select_n3A_138 : i32
        %dma_start3A_229 = arith.constant 0 : i32
        %dma_start3A_230 = arith.constant 0 : i32
        %dma_start3A_231 = arith.constant 0 : i32
        %dma_start3A_232 = tpu.memref_slice %arg9[%dma_start3A_230, %dma_start3A_231] : memref<256x128xf32, #tpu.memory_space<vmem>> -> memref<128x128xf32, #tpu.memory_space<vmem>>
        %dma_start3A_233 = arith.constant 0 : i32
        %dma_start3A_234 = tpu.memref_slice %arg7[%sub3A_228, %dma_start3A_229, %dma_start3A_233] : memref<2x16x128xi32, #tpu.memory_space<vmem>> -> memref<1x1x128xi32, #tpu.memory_space<vmem>>
        %dma_start3A_235 = tpu.memref_squeeze %dma_start3A_234 : memref<1x1x128xi32, #tpu.memory_space<vmem>> -> memref<128xi32, #tpu.memory_space<vmem>>
        %dma_start3A_236 = arith.constant 0 : i32
        %dma_start3A_237 = arith.constant 0 : i32
        %dma_start3A_238 = tpu.memref_slice %arg2[%dma_start3A_236, %dma_start3A_237] : memref<80000x128xf32, #tpu.memory_space<hbm>> -> memref<80000x128xf32, #tpu.memory_space<hbm>>
        tpu.enqueue_indirect_dma source(%dma_start3A_238 : memref<80000x128xf32, #tpu.memory_space<hbm>>) target(%dma_start3A_232 : memref<128x128xf32, #tpu.memory_space<vmem>>) offsets(%dma_start3A_235 : memref<128xi32, #tpu.memory_space<vmem>>) semaphore(%arg11 : memref<!tpu.dma_semaphore, #tpu.memory_space<semaphore_mem>>)
      } else {
      }
      %dma_wait3A_177 = arith.constant 128 : i32
      %dma_wait3A_178 = arith.constant 0 : i32
      %dma_wait3A_179 = tpu.memref_slice %arg9[%dma_wait3A_177, %dma_wait3A_178] : memref<256x128xf32, #tpu.memory_space<vmem>> -> memref<128x128xf32, #tpu.memory_space<vmem>>
      %dma_wait3A_180 = arith.constant 0 : i32
      %dma_wait3A_181 = tpu.memref_slice %arg7[%select_n3A_138, %add3A_142, %dma_wait3A_180] : memref<2x16x128xi32, #tpu.memory_space<vmem>> -> memref<1x1x128xi32, #tpu.memory_space<vmem>>
      %dma_wait3A_182 = tpu.memref_squeeze %dma_wait3A_181 : memref<1x1x128xi32, #tpu.memory_space<vmem>> -> memref<128xi32, #tpu.memory_space<vmem>>
      %dma_wait3A_183 = arith.constant 0 : i32
      %dma_wait3A_184 = arith.constant 0 : i32
      %dma_wait3A_185 = tpu.memref_slice %arg2[%dma_wait3A_183, %dma_wait3A_184] : memref<80000x128xf32, #tpu.memory_space<hbm>> -> memref<80000x128xf32, #tpu.memory_space<hbm>>
      tpu.wait_indirect_dma semaphore(%arg12 : memref<!tpu.dma_semaphore, #tpu.memory_space<semaphore_mem>>) src(%dma_wait3A_185 : memref<80000x128xf32, #tpu.memory_space<hbm>>) dst(%dma_wait3A_179 : memref<128x128xf32, #tpu.memory_space<vmem>>)
      %add3A_186 = arith.constant 1 : i32
      %add3A_187 = arith.addi %mul3A_140, %add3A_186 : i32
      "tpu.region"() ({
        %run_scoped3A = tpu.sem_alloc : memref<!tpu.dma_semaphore, #tpu.memory_space<semaphore_mem>>
        %dma_start3A_197 = arith.constant 128 : i32
        %dma_start3A_198 = arith.constant 0 : i32
        %dma_start3A_199 = tpu.memref_slice %arg9[%dma_start3A_197, %dma_start3A_198] : memref<256x128xf32, #tpu.memory_space<vmem>> -> memref<128x128xf32, #tpu.memory_space<vmem>>
        %dma_start3A_200 = arith.constant 0 : i32
        %dma_start3A_201 = tpu.memref_slice %arg8[%select_n3A_138, %add3A_187, %dma_start3A_200] : memref<2x16x128xi32, #tpu.memory_space<vmem>> -> memref<1x1x128xi32, #tpu.memory_space<vmem>>
        %dma_start3A_202 = tpu.memref_squeeze %dma_start3A_201 : memref<1x1x128xi32, #tpu.memory_space<vmem>> -> memref<128xi32, #tpu.memory_space<vmem>>
        %dma_start3A_203 = arith.constant 0 : i32
        %dma_start3A_204 = arith.constant 0 : i32
        %dma_start3A_205 = tpu.memref_slice %arg10[%dma_start3A_203, %dma_start3A_204] : memref<10240x128xf32, #tpu.memory_space<vmem_shared>> -> memref<10240x128xf32, #tpu.memory_space<vmem_shared>>
        tpu.enqueue_indirect_dma source(%dma_start3A_199 : memref<128x128xf32, #tpu.memory_space<vmem>>) target(%dma_start3A_205 : memref<10240x128xf32, #tpu.memory_space<vmem_shared>>) offsets(%dma_start3A_202 : memref<128xi32, #tpu.memory_space<vmem>>) semaphore(%run_scoped3A : memref<!tpu.dma_semaphore, #tpu.memory_space<semaphore_mem>>) {add = true}
        %dma_wait3A_206 = arith.constant 128 : i32
        %dma_wait3A_207 = arith.constant 0 : i32
        %dma_wait3A_208 = tpu.memref_slice %arg9[%dma_wait3A_206, %dma_wait3A_207] : memref<256x128xf32, #tpu.memory_space<vmem>> -> memref<128x128xf32, #tpu.memory_space<vmem>>
        %dma_wait3A_209 = arith.constant 0 : i32
        %dma_wait3A_210 = tpu.memref_slice %arg8[%select_n3A_138, %add3A_187, %dma_wait3A_209] : memref<2x16x128xi32, #tpu.memory_space<vmem>> -> memref<1x1x128xi32, #tpu.memory_space<vmem>>
        %dma_wait3A_211 = tpu.memref_squeeze %dma_wait3A_210 : memref<1x1x128xi32, #tpu.memory_space<vmem>> -> memref<128xi32, #tpu.memory_space<vmem>>
        %dma_wait3A_212 = arith.constant 0 : i32
        %dma_wait3A_213 = arith.constant 0 : i32
        %dma_wait3A_214 = tpu.memref_slice %arg10[%dma_wait3A_212, %dma_wait3A_213] : memref<10240x128xf32, #tpu.memory_space<vmem_shared>> -> memref<10240x128xf32, #tpu.memory_space<vmem_shared>>
        tpu.wait_indirect_dma semaphore(%run_scoped3A : memref<!tpu.dma_semaphore, #tpu.memory_space<semaphore_mem>>) src(%dma_wait3A_208 : memref<128x128xf32, #tpu.memory_space<vmem>>) dst(%dma_wait3A_214 : memref<10240x128xf32, #tpu.memory_space<vmem_shared>>)
        tpu.yield
      }) : () -> ()
      %eq3A_188 = arith.constant 7 : i32
      %eq3A_189 = arith.cmpi eq, %sub3A_123, %eq3A_188 : i32
      %add3A_190 = arith.constant 2 : i32
      %add3A_191 = arith.addi %select_n3A_120, %add3A_190 : i32
      %lt3A_192 = arith.cmpi slt, %add3A_191, %select_n3A_11 : i32
      %and3A_193 = arith.andi %eq3A_189, %lt3A_192 : i1
      %convert_element_type3A_194 = arith.extui %and3A_193 : i1 to i32
      %cond3A_195 = arith.constant 0 : i32
      %cond3A_196 = arith.cmpi ne, %convert_element_type3A_194, %cond3A_195 : i32
      scf.if %cond3A_196 {
        %add3A_197 = arith.constant 2 : i32
        %add3A_198 = arith.addi %select_n3A_120, %add3A_197 : i32
        %mul3A_199 = arith.constant 16 : i32
        %mul3A_200 = arith.muli %add3A_198, %mul3A_199 : i32
        %add3A_201 = arith.addi %mul3A_13, %mul3A_200 : i32
        %dma_start3A_202 = arith.constant 0 : i32
        %dma_start3A_203 = arith.constant 0 : i32
        %dma_start3A_204 = tpu.memref_slice %arg7[%select_n3A_138, %dma_start3A_202, %dma_start3A_203] : memref<2x16x128xi32, #tpu.memory_space<vmem>> -> memref<1x16x128xi32, #tpu.memory_space<vmem>>
        %dma_start3A_205 = tpu.memref_squeeze %dma_start3A_204 : memref<1x16x128xi32, #tpu.memory_space<vmem>> -> memref<16x128xi32, #tpu.memory_space<vmem>>
        %dma_start3A_206 = arith.constant 0 : i32
        %dma_start3A_207 = tpu.memref_slice %arg3[%add3A_201, %dma_start3A_206] : memref<2560x128xi32, #tpu.memory_space<hbm>> -> memref<16x128xi32, #tpu.memory_space<hbm>>
        %dma_start3A_208 = arith.constant 0 : i32
        %dma_start3A_209 = arith.constant 0 : i32
        %dma_start3A_210 = tpu.memref_slice %arg7[%select_n3A_138, %dma_start3A_208, %dma_start3A_209] : memref<2x16x128xi32, #tpu.memory_space<vmem>> -> memref<1x16x128xi32, #tpu.memory_space<vmem>>
        %dma_start3A_211 = tpu.memref_squeeze %dma_start3A_210 : memref<1x16x128xi32, #tpu.memory_space<vmem>> -> memref<16x128xi32, #tpu.memory_space<vmem>>
        %dma_start3A_212 = arith.constant 0 : i32
        %dma_start3A_213 = tpu.memref_slice %arg3[%add3A_201, %dma_start3A_212] : memref<2560x128xi32, #tpu.memory_space<hbm>> -> memref<16x128xi32, #tpu.memory_space<hbm>>
        tpu.enqueue_dma source(%dma_start3A_213 : memref<16x128xi32, #tpu.memory_space<hbm>>) target(%dma_start3A_211 : memref<16x128xi32, #tpu.memory_space<vmem>>) target_semaphore(%arg13 : memref<!tpu.dma_semaphore, #tpu.memory_space<semaphore_mem>>)
        %dma_start3A_214 = arith.constant 0 : i32
        %dma_start3A_215 = arith.constant 0 : i32
        %dma_start3A_216 = tpu.memref_slice %arg8[%select_n3A_138, %dma_start3A_214, %dma_start3A_215] : memref<2x16x128xi32, #tpu.memory_space<vmem>> -> memref<1x16x128xi32, #tpu.memory_space<vmem>>
        %dma_start3A_217 = tpu.memref_squeeze %dma_start3A_216 : memref<1x16x128xi32, #tpu.memory_space<vmem>> -> memref<16x128xi32, #tpu.memory_space<vmem>>
        %dma_start3A_218 = arith.constant 0 : i32
        %dma_start3A_219 = tpu.memref_slice %arg4[%add3A_201, %dma_start3A_218] : memref<2560x128xi32, #tpu.memory_space<hbm>> -> memref<16x128xi32, #tpu.memory_space<hbm>>
        %dma_start3A_220 = arith.constant 0 : i32
        %dma_start3A_221 = arith.constant 0 : i32
        %dma_start3A_222 = tpu.memref_slice %arg8[%select_n3A_138, %dma_start3A_220, %dma_start3A_221] : memref<2x16x128xi32, #tpu.memory_space<vmem>> -> memref<1x16x128xi32, #tpu.memory_space<vmem>>
        %dma_start3A_223 = tpu.memref_squeeze %dma_start3A_222 : memref<1x16x128xi32, #tpu.memory_space<vmem>> -> memref<16x128xi32, #tpu.memory_space<vmem>>
        %dma_start3A_224 = arith.constant 0 : i32
        %dma_start3A_225 = tpu.memref_slice %arg4[%add3A_201, %dma_start3A_224] : memref<2560x128xi32, #tpu.memory_space<hbm>> -> memref<16x128xi32, #tpu.memory_space<hbm>>
        tpu.enqueue_dma source(%dma_start3A_225 : memref<16x128xi32, #tpu.memory_space<hbm>>) target(%dma_start3A_223 : memref<16x128xi32, #tpu.memory_space<vmem>>) target_semaphore(%arg13 : memref<!tpu.dma_semaphore, #tpu.memory_space<semaphore_mem>>)
      } else {
      }
    }
    %while3A_96 = arith.constant 1 : i32
    scf.for %while3A_102 = %while3A_94 to %while3A_90 step %while3A_96  : i32 {
      %jit3A_103 = arith.constant 8 : i32
      %div3A = arith.divsi %while3A_102, %jit3A_103 : i32
      %sign3A = arith.constant 0 : i32
      %sign3A_104 = arith.cmpi sgt, %while3A_102, %sign3A : i32
      %sign3A_105 = arith.extui %sign3A_104 : i1 to i32
      %sign3A_106 = arith.constant 0 : i32
      %sign3A_107 = arith.cmpi slt, %while3A_102, %sign3A_106 : i32
      %sign3A_108 = arith.extui %sign3A_107 : i1 to i32
      %sign3A_109 = arith.subi %sign3A_105, %sign3A_108 : i32
      %sign3A_110 = arith.constant 0 : i32
      %sign3A_111 = arith.cmpi sgt, %jit3A_103, %sign3A_110 : i32
      %sign3A_112 = arith.extui %sign3A_111 : i1 to i32
      %sign3A_113 = arith.constant 0 : i32
      %sign3A_114 = arith.cmpi slt, %jit3A_103, %sign3A_113 : i32
      %sign3A_115 = arith.extui %sign3A_114 : i1 to i32
      %sign3A_116 = arith.subi %sign3A_112, %sign3A_115 : i32
      %ne3A = arith.cmpi ne, %sign3A_109, %sign3A_116 : i32
      %rem3A = arith.remsi %while3A_102, %jit3A_103 : i32
      %ne3A_117 = arith.constant 0 : i32
      %ne3A_118 = arith.cmpi ne, %rem3A, %ne3A_117 : i32
      %and3A = arith.andi %ne3A, %ne3A_118 : i1
      %sub3A = arith.constant 1 : i32
      %sub3A_119 = arith.subi %div3A, %sub3A : i32
      %select_n3A_120 = arith.select %and3A, %sub3A_119, %div3A : i32
      %mul3A_121 = arith.constant 8 : i32
      %mul3A_122 = arith.muli %select_n3A_120, %mul3A_121 : i32
      %sub3A_123 = arith.subi %while3A_102, %mul3A_122 : i32
      %jit3A_124 = arith.constant 2 : i32
      %eq3A_125 = arith.constant 0 : i32
      %eq3A_126 = arith.cmpi eq, %jit3A_124, %eq3A_125 : i32
      %jit3A_127 = arith.constant 1 : i32
      %select_n3A_128 = arith.select %eq3A_126, %jit3A_127, %jit3A_124 : i32
      %rem3A_129 = arith.remsi %select_n3A_120, %select_n3A_128 : i32
      %ne3A_130 = arith.constant 0 : i32
      %ne3A_131 = arith.cmpi ne, %rem3A_129, %ne3A_130 : i32
      %lt3A = arith.constant 0 : i32
      %lt3A_132 = arith.cmpi slt, %rem3A_129, %lt3A : i32
      %lt3A_133 = arith.constant 0 : i32
      %lt3A_134 = arith.cmpi slt, %select_n3A_128, %lt3A_133 : i32
      %ne3A_135 = arith.xori %lt3A_132, %lt3A_134 : i1
      %and3A_136 = arith.andi %ne3A_135, %ne3A_131 : i1
      %add3A_137 = arith.addi %rem3A_129, %select_n3A_128 : i32
      %select_n3A_138 = arith.select %and3A_136, %add3A_137, %rem3A_129 : i32
      %mul3A_139 = arith.constant 2 : i32
      %mul3A_140 = arith.muli %mul3A_139, %sub3A_123 : i32
      %add3A_141 = arith.constant 1 : i32
      %add3A_142 = arith.addi %mul3A_140, %add3A_141 : i32
      %dma_start3A_143 = arith.constant 128 : i32
      %dma_start3A_144 = arith.constant 0 : i32
      %dma_start3A_145 = tpu.memref_slice %arg9[%dma_start3A_143, %dma_start3A_144] : memref<256x128xf32, #tpu.memory_space<vmem>> -> memref<128x128xf32, #tpu.memory_space<vmem>>
      %dma_start3A_146 = arith.constant 0 : i32
      %dma_start3A_147 = tpu.memref_slice %arg7[%select_n3A_138, %add3A_142, %dma_start3A_146] : memref<2x16x128xi32, #tpu.memory_space<vmem>> -> memref<1x1x128xi32, #tpu.memory_space<vmem>>
      %dma_start3A_148 = tpu.memref_squeeze %dma_start3A_147 : memref<1x1x128xi32, #tpu.memory_space<vmem>> -> memref<128xi32, #tpu.memory_space<vmem>>
      %dma_start3A_149 = arith.constant 0 : i32
      %dma_start3A_150 = arith.constant 0 : i32
      %dma_start3A_151 = tpu.memref_slice %arg2[%dma_start3A_149, %dma_start3A_150] : memref<80000x128xf32, #tpu.memory_space<hbm>> -> memref<80000x128xf32, #tpu.memory_space<hbm>>
      tpu.enqueue_indirect_dma source(%dma_start3A_151 : memref<80000x128xf32, #tpu.memory_space<hbm>>) target(%dma_start3A_145 : memref<128x128xf32, #tpu.memory_space<vmem>>) offsets(%dma_start3A_148 : memref<128xi32, #tpu.memory_space<vmem>>) semaphore(%arg12 : memref<!tpu.dma_semaphore, #tpu.memory_space<semaphore_mem>>)
      %dma_wait3A_152 = arith.constant 0 : i32
      %dma_wait3A_153 = arith.constant 0 : i32
      %dma_wait3A_154 = arith.constant 0 : i32
      %dma_wait3A_155 = arith.constant 0 : i32
      %dma_wait3A_156 = tpu.memref_slice %arg9[%dma_wait3A_154, %dma_wait3A_155] : memref<256x128xf32, #tpu.memory_space<vmem>> -> memref<128x128xf32, #tpu.memory_space<vmem>>
      %dma_wait3A_157 = arith.constant 0 : i32
      %dma_wait3A_158 = tpu.memref_slice %arg7[%dma_wait3A_152, %dma_wait3A_153, %dma_wait3A_157] : memref<2x16x128xi32, #tpu.memory_space<vmem>> -> memref<1x1x128xi32, #tpu.memory_space<vmem>>
      %dma_wait3A_159 = tpu.memref_squeeze %dma_wait3A_158 : memref<1x1x128xi32, #tpu.memory_space<vmem>> -> memref<128xi32, #tpu.memory_space<vmem>>
      %dma_wait3A_160 = arith.constant 0 : i32
      %dma_wait3A_161 = arith.constant 0 : i32
      %dma_wait3A_162 = tpu.memref_slice %arg2[%dma_wait3A_160, %dma_wait3A_161] : memref<80000x128xf32, #tpu.memory_space<hbm>> -> memref<80000x128xf32, #tpu.memory_space<hbm>>
      tpu.wait_indirect_dma semaphore(%arg11 : memref<!tpu.dma_semaphore, #tpu.memory_space<semaphore_mem>>) src(%dma_wait3A_162 : memref<80000x128xf32, #tpu.memory_space<hbm>>) dst(%dma_wait3A_156 : memref<128x128xf32, #tpu.memory_space<vmem>>)
      "tpu.region"() ({
        %run_scoped3A = tpu.sem_alloc : memref<!tpu.dma_semaphore, #tpu.memory_space<semaphore_mem>>
        %dma_start3A_197 = arith.constant 0 : i32
        %dma_start3A_198 = arith.constant 0 : i32
        %dma_start3A_199 = tpu.memref_slice %arg9[%dma_start3A_197, %dma_start3A_198] : memref<256x128xf32, #tpu.memory_space<vmem>> -> memref<128x128xf32, #tpu.memory_space<vmem>>
        %dma_start3A_200 = arith.constant 0 : i32
        %dma_start3A_201 = tpu.memref_slice %arg8[%select_n3A_138, %mul3A_140, %dma_start3A_200] : memref<2x16x128xi32, #tpu.memory_space<vmem>> -> memref<1x1x128xi32, #tpu.memory_space<vmem>>
        %dma_start3A_202 = tpu.memref_squeeze %dma_start3A_201 : memref<1x1x128xi32, #tpu.memory_space<vmem>> -> memref<128xi32, #tpu.memory_space<vmem>>
        %dma_start3A_203 = arith.constant 0 : i32
        %dma_start3A_204 = arith.constant 0 : i32
        %dma_start3A_205 = tpu.memref_slice %arg10[%dma_start3A_203, %dma_start3A_204] : memref<10240x128xf32, #tpu.memory_space<vmem_shared>> -> memref<10240x128xf32, #tpu.memory_space<vmem_shared>>
        tpu.enqueue_indirect_dma source(%dma_start3A_199 : memref<128x128xf32, #tpu.memory_space<vmem>>) target(%dma_start3A_205 : memref<10240x128xf32, #tpu.memory_space<vmem_shared>>) offsets(%dma_start3A_202 : memref<128xi32, #tpu.memory_space<vmem>>) semaphore(%run_scoped3A : memref<!tpu.dma_semaphore, #tpu.memory_space<semaphore_mem>>) {add = true}
        %dma_wait3A_206 = arith.constant 0 : i32
        %dma_wait3A_207 = arith.constant 0 : i32
        %dma_wait3A_208 = tpu.memref_slice %arg9[%dma_wait3A_206, %dma_wait3A_207] : memref<256x128xf32, #tpu.memory_space<vmem>> -> memref<128x128xf32, #tpu.memory_space<vmem>>
        %dma_wait3A_209 = arith.constant 0 : i32
        %dma_wait3A_210 = tpu.memref_slice %arg8[%select_n3A_138, %mul3A_140, %dma_wait3A_209] : memref<2x16x128xi32, #tpu.memory_space<vmem>> -> memref<1x1x128xi32, #tpu.memory_space<vmem>>
        %dma_wait3A_211 = tpu.memref_squeeze %dma_wait3A_210 : memref<1x1x128xi32, #tpu.memory_space<vmem>> -> memref<128xi32, #tpu.memory_space<vmem>>
        %dma_wait3A_212 = arith.constant 0 : i32
        %dma_wait3A_213 = arith.constant 0 : i32
        %dma_wait3A_214 = tpu.memref_slice %arg10[%dma_wait3A_212, %dma_wait3A_213] : memref<10240x128xf32, #tpu.memory_space<vmem_shared>> -> memref<10240x128xf32, #tpu.memory_space<vmem_shared>>
        tpu.wait_indirect_dma semaphore(%run_scoped3A : memref<!tpu.dma_semaphore, #tpu.memory_space<semaphore_mem>>) src(%dma_wait3A_208 : memref<128x128xf32, #tpu.memory_space<vmem>>) dst(%dma_wait3A_214 : memref<10240x128xf32, #tpu.memory_space<vmem_shared>>)
        tpu.yield
      }) : () -> ()
      %lt3A_163 = arith.constant 7 : i32
      %lt3A_164 = arith.cmpi slt, %sub3A_123, %lt3A_163 : i32
      %convert_element_type3A_165 = arith.extui %lt3A_164 : i1 to i32
      %cond3A_166 = arith.constant 0 : i32
      %cond3A_167 = arith.cmpi ne, %convert_element_type3A_165, %cond3A_166 : i32
      scf.if %cond3A_167 {
        %add3A_197 = arith.constant 2 : i32
        %add3A_198 = arith.addi %mul3A_140, %add3A_197 : i32
        %dma_start3A_199 = arith.constant 0 : i32
        %dma_start3A_200 = arith.constant 0 : i32
        %dma_start3A_201 = tpu.memref_slice %arg9[%dma_start3A_199, %dma_start3A_200] : memref<256x128xf32, #tpu.memory_space<vmem>> -> memref<128x128xf32, #tpu.memory_space<vmem>>
        %dma_start3A_202 = arith.constant 0 : i32
        %dma_start3A_203 = tpu.memref_slice %arg7[%select_n3A_138, %add3A_198, %dma_start3A_202] : memref<2x16x128xi32, #tpu.memory_space<vmem>> -> memref<1x1x128xi32, #tpu.memory_space<vmem>>
        %dma_start3A_204 = tpu.memref_squeeze %dma_start3A_203 : memref<1x1x128xi32, #tpu.memory_space<vmem>> -> memref<128xi32, #tpu.memory_space<vmem>>
        %dma_start3A_205 = arith.constant 0 : i32
        %dma_start3A_206 = arith.constant 0 : i32
        %dma_start3A_207 = tpu.memref_slice %arg2[%dma_start3A_205, %dma_start3A_206] : memref<80000x128xf32, #tpu.memory_space<hbm>> -> memref<80000x128xf32, #tpu.memory_space<hbm>>
        tpu.enqueue_indirect_dma source(%dma_start3A_207 : memref<80000x128xf32, #tpu.memory_space<hbm>>) target(%dma_start3A_201 : memref<128x128xf32, #tpu.memory_space<vmem>>) offsets(%dma_start3A_204 : memref<128xi32, #tpu.memory_space<vmem>>) semaphore(%arg11 : memref<!tpu.dma_semaphore, #tpu.memory_space<semaphore_mem>>)
      } else {
      }
      %eq3A_168 = arith.constant 7 : i32
      %eq3A_169 = arith.cmpi eq, %sub3A_123, %eq3A_168 : i32
      %add3A_170 = arith.constant 1 : i32
      %add3A_171 = arith.addi %select_n3A_120, %add3A_170 : i32
      %lt3A_172 = arith.cmpi slt, %add3A_171, %select_n3A_11 : i32
      %and3A_173 = arith.andi %eq3A_169, %lt3A_172 : i1
      %convert_element_type3A_174 = arith.extui %and3A_173 : i1 to i32
      %cond3A_175 = arith.constant 0 : i32
      %cond3A_176 = arith.cmpi ne, %convert_element_type3A_174, %cond3A_175 : i32
      scf.if %cond3A_176 {
        %sub3A_197 = arith.constant 1 : i32
        %sub3A_198 = arith.subi %sub3A_197, %select_n3A_138 : i32
        %dma_wait3A_199 = arith.constant 0 : i32
        %dma_wait3A_200 = arith.constant 0 : i32
        %dma_wait3A_201 = tpu.memref_slice %arg7[%sub3A_198, %dma_wait3A_199, %dma_wait3A_200] : memref<2x16x128xi32, #tpu.memory_space<vmem>> -> memref<1x16x128xi32, #tpu.memory_space<vmem>>
        %dma_wait3A_202 = tpu.memref_squeeze %dma_wait3A_201 : memref<1x16x128xi32, #tpu.memory_space<vmem>> -> memref<16x128xi32, #tpu.memory_space<vmem>>
        %dma_wait3A_203 = arith.constant 0 : i32
        %dma_wait3A_204 = arith.constant 0 : i32
        %dma_wait3A_205 = tpu.memref_slice %arg3[%dma_wait3A_203, %dma_wait3A_204] : memref<2560x128xi32, #tpu.memory_space<hbm>> -> memref<16x128xi32, #tpu.memory_space<hbm>>
        %dma_wait3A_206 = arith.constant 0 : i32
        %dma_wait3A_207 = arith.constant 0 : i32
        %dma_wait3A_208 = tpu.memref_slice %arg7[%sub3A_198, %dma_wait3A_206, %dma_wait3A_207] : memref<2x16x128xi32, #tpu.memory_space<vmem>> -> memref<1x16x128xi32, #tpu.memory_space<vmem>>
        %dma_wait3A_209 = tpu.memref_squeeze %dma_wait3A_208 : memref<1x16x128xi32, #tpu.memory_space<vmem>> -> memref<16x128xi32, #tpu.memory_space<vmem>>
        %dma_wait3A_210 = arith.constant 0 : i32
        %dma_wait3A_211 = arith.constant 0 : i32
        %dma_wait3A_212 = tpu.memref_slice %arg3[%dma_wait3A_210, %dma_wait3A_211] : memref<2560x128xi32, #tpu.memory_space<hbm>> -> memref<16x128xi32, #tpu.memory_space<hbm>>
        tpu.wait_dma2 semaphore(%arg13 : memref<!tpu.dma_semaphore, #tpu.memory_space<semaphore_mem>>) src(%dma_wait3A_212 : memref<16x128xi32, #tpu.memory_space<hbm>>) dst(%dma_wait3A_209 : memref<16x128xi32, #tpu.memory_space<vmem>>)
        %dma_wait3A_213 = arith.constant 0 : i32
        %dma_wait3A_214 = arith.constant 0 : i32
        %dma_wait3A_215 = tpu.memref_slice %arg8[%sub3A_198, %dma_wait3A_213, %dma_wait3A_214] : memref<2x16x128xi32, #tpu.memory_space<vmem>> -> memref<1x16x128xi32, #tpu.memory_space<vmem>>
        %dma_wait3A_216 = tpu.memref_squeeze %dma_wait3A_215 : memref<1x16x128xi32, #tpu.memory_space<vmem>> -> memref<16x128xi32, #tpu.memory_space<vmem>>
        %dma_wait3A_217 = arith.constant 0 : i32
        %dma_wait3A_218 = arith.constant 0 : i32
        %dma_wait3A_219 = tpu.memref_slice %arg4[%dma_wait3A_217, %dma_wait3A_218] : memref<2560x128xi32, #tpu.memory_space<hbm>> -> memref<16x128xi32, #tpu.memory_space<hbm>>
        %dma_wait3A_220 = arith.constant 0 : i32
        %dma_wait3A_221 = arith.constant 0 : i32
        %dma_wait3A_222 = tpu.memref_slice %arg8[%sub3A_198, %dma_wait3A_220, %dma_wait3A_221] : memref<2x16x128xi32, #tpu.memory_space<vmem>> -> memref<1x16x128xi32, #tpu.memory_space<vmem>>
        %dma_wait3A_223 = tpu.memref_squeeze %dma_wait3A_222 : memref<1x16x128xi32, #tpu.memory_space<vmem>> -> memref<16x128xi32, #tpu.memory_space<vmem>>
        %dma_wait3A_224 = arith.constant 0 : i32
        %dma_wait3A_225 = arith.constant 0 : i32
        %dma_wait3A_226 = tpu.memref_slice %arg4[%dma_wait3A_224, %dma_wait3A_225] : memref<2560x128xi32, #tpu.memory_space<hbm>> -> memref<16x128xi32, #tpu.memory_space<hbm>>
        tpu.wait_dma2 semaphore(%arg13 : memref<!tpu.dma_semaphore, #tpu.memory_space<semaphore_mem>>) src(%dma_wait3A_226 : memref<16x128xi32, #tpu.memory_space<hbm>>) dst(%dma_wait3A_223 : memref<16x128xi32, #tpu.memory_space<vmem>>)
        %sub3A_227 = arith.constant 1 : i32
        %sub3A_228 = arith.subi %sub3A_227, %select_n3A_138 : i32
        %dma_start3A_229 = arith.constant 0 : i32
        %dma_start3A_230 = arith.constant 0 : i32
        %dma_start3A_231 = arith.constant 0 : i32
        %dma_start3A_232 = tpu.memref_slice %arg9[%dma_start3A_230, %dma_start3A_231] : memref<256x128xf32, #tpu.memory_space<vmem>> -> memref<128x128xf32, #tpu.memory_space<vmem>>
        %dma_start3A_233 = arith.constant 0 : i32
        %dma_start3A_234 = tpu.memref_slice %arg7[%sub3A_228, %dma_start3A_229, %dma_start3A_233] : memref<2x16x128xi32, #tpu.memory_space<vmem>> -> memref<1x1x128xi32, #tpu.memory_space<vmem>>
        %dma_start3A_235 = tpu.memref_squeeze %dma_start3A_234 : memref<1x1x128xi32, #tpu.memory_space<vmem>> -> memref<128xi32, #tpu.memory_space<vmem>>
        %dma_start3A_236 = arith.constant 0 : i32
        %dma_start3A_237 = arith.constant 0 : i32
        %dma_start3A_238 = tpu.memref_slice %arg2[%dma_start3A_236, %dma_start3A_237] : memref<80000x128xf32, #tpu.memory_space<hbm>> -> memref<80000x128xf32, #tpu.memory_space<hbm>>
        tpu.enqueue_indirect_dma source(%dma_start3A_238 : memref<80000x128xf32, #tpu.memory_space<hbm>>) target(%dma_start3A_232 : memref<128x128xf32, #tpu.memory_space<vmem>>) offsets(%dma_start3A_235 : memref<128xi32, #tpu.memory_space<vmem>>) semaphore(%arg11 : memref<!tpu.dma_semaphore, #tpu.memory_space<semaphore_mem>>)
      } else {
      }
      %dma_wait3A_177 = arith.constant 128 : i32
      %dma_wait3A_178 = arith.constant 0 : i32
      %dma_wait3A_179 = tpu.memref_slice %arg9[%dma_wait3A_177, %dma_wait3A_178] : memref<256x128xf32, #tpu.memory_space<vmem>> -> memref<128x128xf32, #tpu.memory_space<vmem>>
      %dma_wait3A_180 = arith.constant 0 : i32
      %dma_wait3A_181 = tpu.memref_slice %arg7[%select_n3A_138, %add3A_142, %dma_wait3A_180] : memref<2x16x128xi32, #tpu.memory_space<vmem>> -> memref<1x1x128xi32, #tpu.memory_space<vmem>>
      %dma_wait3A_182 = tpu.memref_squeeze %dma_wait3A_181 : memref<1x1x128xi32, #tpu.memory_space<vmem>> -> memref<128xi32, #tpu.memory_space<vmem>>
      %dma_wait3A_183 = arith.constant 0 : i32
      %dma_wait3A_184 = arith.constant 0 : i32
      %dma_wait3A_185 = tpu.memref_slice %arg2[%dma_wait3A_183, %dma_wait3A_184] : memref<80000x128xf32, #tpu.memory_space<hbm>> -> memref<80000x128xf32, #tpu.memory_space<hbm>>
      tpu.wait_indirect_dma semaphore(%arg12 : memref<!tpu.dma_semaphore, #tpu.memory_space<semaphore_mem>>) src(%dma_wait3A_185 : memref<80000x128xf32, #tpu.memory_space<hbm>>) dst(%dma_wait3A_179 : memref<128x128xf32, #tpu.memory_space<vmem>>)
      %add3A_186 = arith.constant 1 : i32
      %add3A_187 = arith.addi %mul3A_140, %add3A_186 : i32
      "tpu.region"() ({
        %run_scoped3A = tpu.sem_alloc : memref<!tpu.dma_semaphore, #tpu.memory_space<semaphore_mem>>
        %dma_start3A_197 = arith.constant 128 : i32
        %dma_start3A_198 = arith.constant 0 : i32
        %dma_start3A_199 = tpu.memref_slice %arg9[%dma_start3A_197, %dma_start3A_198] : memref<256x128xf32, #tpu.memory_space<vmem>> -> memref<128x128xf32, #tpu.memory_space<vmem>>
        %dma_start3A_200 = arith.constant 0 : i32
        %dma_start3A_201 = tpu.memref_slice %arg8[%select_n3A_138, %add3A_187, %dma_start3A_200] : memref<2x16x128xi32, #tpu.memory_space<vmem>> -> memref<1x1x128xi32, #tpu.memory_space<vmem>>
        %dma_start3A_202 = tpu.memref_squeeze %dma_start3A_201 : memref<1x1x128xi32, #tpu.memory_space<vmem>> -> memref<128xi32, #tpu.memory_space<vmem>>
        %dma_start3A_203 = arith.constant 0 : i32
        %dma_start3A_204 = arith.constant 0 : i32
        %dma_start3A_205 = tpu.memref_slice %arg10[%dma_start3A_203, %dma_start3A_204] : memref<10240x128xf32, #tpu.memory_space<vmem_shared>> -> memref<10240x128xf32, #tpu.memory_space<vmem_shared>>
        tpu.enqueue_indirect_dma source(%dma_start3A_199 : memref<128x128xf32, #tpu.memory_space<vmem>>) target(%dma_start3A_205 : memref<10240x128xf32, #tpu.memory_space<vmem_shared>>) offsets(%dma_start3A_202 : memref<128xi32, #tpu.memory_space<vmem>>) semaphore(%run_scoped3A : memref<!tpu.dma_semaphore, #tpu.memory_space<semaphore_mem>>) {add = true}
        %dma_wait3A_206 = arith.constant 128 : i32
        %dma_wait3A_207 = arith.constant 0 : i32
        %dma_wait3A_208 = tpu.memref_slice %arg9[%dma_wait3A_206, %dma_wait3A_207] : memref<256x128xf32, #tpu.memory_space<vmem>> -> memref<128x128xf32, #tpu.memory_space<vmem>>
        %dma_wait3A_209 = arith.constant 0 : i32
        %dma_wait3A_210 = tpu.memref_slice %arg8[%select_n3A_138, %add3A_187, %dma_wait3A_209] : memref<2x16x128xi32, #tpu.memory_space<vmem>> -> memref<1x1x128xi32, #tpu.memory_space<vmem>>
        %dma_wait3A_211 = tpu.memref_squeeze %dma_wait3A_210 : memref<1x1x128xi32, #tpu.memory_space<vmem>> -> memref<128xi32, #tpu.memory_space<vmem>>
        %dma_wait3A_212 = arith.constant 0 : i32
        %dma_wait3A_213 = arith.constant 0 : i32
        %dma_wait3A_214 = tpu.memref_slice %arg10[%dma_wait3A_212, %dma_wait3A_213] : memref<10240x128xf32, #tpu.memory_space<vmem_shared>> -> memref<10240x128xf32, #tpu.memory_space<vmem_shared>>
        tpu.wait_indirect_dma semaphore(%run_scoped3A : memref<!tpu.dma_semaphore, #tpu.memory_space<semaphore_mem>>) src(%dma_wait3A_208 : memref<128x128xf32, #tpu.memory_space<vmem>>) dst(%dma_wait3A_214 : memref<10240x128xf32, #tpu.memory_space<vmem_shared>>)
        tpu.yield
      }) : () -> ()
      %eq3A_188 = arith.constant 7 : i32
      %eq3A_189 = arith.cmpi eq, %sub3A_123, %eq3A_188 : i32
      %add3A_190 = arith.constant 2 : i32
      %add3A_191 = arith.addi %select_n3A_120, %add3A_190 : i32
      %lt3A_192 = arith.cmpi slt, %add3A_191, %select_n3A_11 : i32
      %and3A_193 = arith.andi %eq3A_189, %lt3A_192 : i1
      %convert_element_type3A_194 = arith.extui %and3A_193 : i1 to i32
      %cond3A_195 = arith.constant 0 : i32
      %cond3A_196 = arith.cmpi ne, %convert_element_type3A_194, %cond3A_195 : i32
      scf.if %cond3A_196 {
        %add3A_197 = arith.constant 2 : i32
        %add3A_198 = arith.addi %select_n3A_120, %add3A_197 : i32
        %mul3A_199 = arith.constant 16 : i32
        %mul3A_200 = arith.muli %add3A_198, %mul3A_199 : i32
        %add3A_201 = arith.addi %mul3A_13, %mul3A_200 : i32
        %dma_start3A_202 = arith.constant 0 : i32
        %dma_start3A_203 = arith.constant 0 : i32
        %dma_start3A_204 = tpu.memref_slice %arg7[%select_n3A_138, %dma_start3A_202, %dma_start3A_203] : memref<2x16x128xi32, #tpu.memory_space<vmem>> -> memref<1x16x128xi32, #tpu.memory_space<vmem>>
        %dma_start3A_205 = tpu.memref_squeeze %dma_start3A_204 : memref<1x16x128xi32, #tpu.memory_space<vmem>> -> memref<16x128xi32, #tpu.memory_space<vmem>>
        %dma_start3A_206 = arith.constant 0 : i32
        %dma_start3A_207 = tpu.memref_slice %arg3[%add3A_201, %dma_start3A_206] : memref<2560x128xi32, #tpu.memory_space<hbm>> -> memref<16x128xi32, #tpu.memory_space<hbm>>
        %dma_start3A_208 = arith.constant 0 : i32
        %dma_start3A_209 = arith.constant 0 : i32
        %dma_start3A_210 = tpu.memref_slice %arg7[%select_n3A_138, %dma_start3A_208, %dma_start3A_209] : memref<2x16x128xi32, #tpu.memory_space<vmem>> -> memref<1x16x128xi32, #tpu.memory_space<vmem>>
        %dma_start3A_211 = tpu.memref_squeeze %dma_start3A_210 : memref<1x16x128xi32, #tpu.memory_space<vmem>> -> memref<16x128xi32, #tpu.memory_space<vmem>>
        %dma_start3A_212 = arith.constant 0 : i32
        %dma_start3A_213 = tpu.memref_slice %arg3[%add3A_201, %dma_start3A_212] : memref<2560x128xi32, #tpu.memory_space<hbm>> -> memref<16x128xi32, #tpu.memory_space<hbm>>
        tpu.enqueue_dma source(%dma_start3A_213 : memref<16x128xi32, #tpu.memory_space<hbm>>) target(%dma_start3A_211 : memref<16x128xi32, #tpu.memory_space<vmem>>) target_semaphore(%arg13 : memref<!tpu.dma_semaphore, #tpu.memory_space<semaphore_mem>>)
        %dma_start3A_214 = arith.constant 0 : i32
        %dma_start3A_215 = arith.constant 0 : i32
        %dma_start3A_216 = tpu.memref_slice %arg8[%select_n3A_138, %dma_start3A_214, %dma_start3A_215] : memref<2x16x128xi32, #tpu.memory_space<vmem>> -> memref<1x16x128xi32, #tpu.memory_space<vmem>>
        %dma_start3A_217 = tpu.memref_squeeze %dma_start3A_216 : memref<1x16x128xi32, #tpu.memory_space<vmem>> -> memref<16x128xi32, #tpu.memory_space<vmem>>
        %dma_start3A_218 = arith.constant 0 : i32
        %dma_start3A_219 = tpu.memref_slice %arg4[%add3A_201, %dma_start3A_218] : memref<2560x128xi32, #tpu.memory_space<hbm>> -> memref<16x128xi32, #tpu.memory_space<hbm>>
        %dma_start3A_220 = arith.constant 0 : i32
        %dma_start3A_221 = arith.constant 0 : i32
        %dma_start3A_222 = tpu.memref_slice %arg8[%select_n3A_138, %dma_start3A_220, %dma_start3A_221] : memref<2x16x128xi32, #tpu.memory_space<vmem>> -> memref<1x16x128xi32, #tpu.memory_space<vmem>>
        %dma_start3A_223 = tpu.memref_squeeze %dma_start3A_222 : memref<1x16x128xi32, #tpu.memory_space<vmem>> -> memref<16x128xi32, #tpu.memory_space<vmem>>
        %dma_start3A_224 = arith.constant 0 : i32
        %dma_start3A_225 = tpu.memref_slice %arg4[%add3A_201, %dma_start3A_224] : memref<2560x128xi32, #tpu.memory_space<hbm>> -> memref<16x128xi32, #tpu.memory_space<hbm>>
        tpu.enqueue_dma source(%dma_start3A_225 : memref<16x128xi32, #tpu.memory_space<hbm>>) target(%dma_start3A_223 : memref<16x128xi32, #tpu.memory_space<vmem>>) target_semaphore(%arg13 : memref<!tpu.dma_semaphore, #tpu.memory_space<semaphore_mem>>)
      } else {
      }
    }
    %barrier3A_97 = arith.constant 0 : index
    tpu.barrier barrier_id(%barrier3A_97)
    %mul3A_98 = arith.constant 640 : i32
    %mul3A_99 = arith.muli %arg1, %mul3A_98 : i32
    %mul3A_100 = arith.constant 640 : i32
    %mul3A_101 = arith.muli %arg1, %mul3A_100 : i32
    "tpu.region"() ({
      %run_scoped3A = tpu.sem_alloc : memref<!tpu.dma_semaphore, #tpu.memory_space<semaphore_mem>>
      %dma_start3A_102 = arith.constant 0 : i32
      %dma_start3A_103 = arith.constant 0 : i32
      %dma_start3A_104 = tpu.memref_slice %arg6[%arg0, %dma_start3A_102, %dma_start3A_103] : memref<2x10240x128xf32, #tpu.memory_space<hbm>> -> memref<1x10240x128xf32, #tpu.memory_space<hbm>>
      %dma_start3A_105 = tpu.memref_squeeze %dma_start3A_104 : memref<1x10240x128xf32, #tpu.memory_space<hbm>> -> memref<10240x128xf32, #tpu.memory_space<hbm>>
      %dma_start3A_106 = arith.constant 0 : i32
      %dma_start3A_107 = tpu.memref_slice %dma_start3A_105[%mul3A_101, %dma_start3A_106] : memref<10240x128xf32, #tpu.memory_space<hbm>> -> memref<640x128xf32, #tpu.memory_space<hbm>>
      %dma_start3A_108 = arith.constant 0 : i32
      %dma_start3A_109 = tpu.memref_slice %arg10[%mul3A_99, %dma_start3A_108] : memref<10240x128xf32, #tpu.memory_space<vmem_shared>> -> memref<640x128xf32, #tpu.memory_space<vmem_shared>>
      tpu.enqueue_dma source(%dma_start3A_109 : memref<640x128xf32, #tpu.memory_space<vmem_shared>>) target(%dma_start3A_107 : memref<640x128xf32, #tpu.memory_space<hbm>>) target_semaphore(%run_scoped3A : memref<!tpu.dma_semaphore, #tpu.memory_space<semaphore_mem>>)
      %dma_wait3A_110 = arith.constant 0 : i32
      %dma_wait3A_111 = arith.constant 0 : i32
      %dma_wait3A_112 = tpu.memref_slice %arg6[%arg0, %dma_wait3A_110, %dma_wait3A_111] : memref<2x10240x128xf32, #tpu.memory_space<hbm>> -> memref<1x10240x128xf32, #tpu.memory_space<hbm>>
      %dma_wait3A_113 = tpu.memref_squeeze %dma_wait3A_112 : memref<1x10240x128xf32, #tpu.memory_space<hbm>> -> memref<10240x128xf32, #tpu.memory_space<hbm>>
      %dma_wait3A_114 = arith.constant 0 : i32
      %dma_wait3A_115 = tpu.memref_slice %dma_wait3A_113[%mul3A_101, %dma_wait3A_114] : memref<10240x128xf32, #tpu.memory_space<hbm>> -> memref<640x128xf32, #tpu.memory_space<hbm>>
      %dma_wait3A_116 = arith.constant 0 : i32
      %dma_wait3A_117 = tpu.memref_slice %arg10[%mul3A_99, %dma_wait3A_116] : memref<10240x128xf32, #tpu.memory_space<vmem_shared>> -> memref<640x128xf32, #tpu.memory_space<vmem_shared>>
      tpu.wait_dma2 semaphore(%run_scoped3A : memref<!tpu.dma_semaphore, #tpu.memory_space<semaphore_mem>>) src(%dma_wait3A_117 : memref<640x128xf32, #tpu.memory_space<vmem_shared>>) dst(%dma_wait3A_115 : memref<640x128xf32, #tpu.memory_space<hbm>>)
      tpu.yield
    }) : () -> ()
    return
  }
}

#map = affine_map<(d0, d1) -> (0, 0)>
#map1 = affine_map<(d0, d1) -> (0, 0, 0)>
module attributes {stable_mosaic.version = 14 : i64} {
  func.func @_sc_agg(%arg0: i32, %arg1: i32, %arg2: memref<80000x128xf32, #tpu.memory_space<hbm>>, %arg3: memref<2560x128xi32, #tpu.memory_space<hbm>>, %arg4: memref<2560x128xi32, #tpu.memory_space<hbm>>, %arg5: memref<640x128xf32, #tpu.memory_space<hbm>>, %arg6: memref<2x10240x128xf32, #tpu.memory_space<hbm>>, %arg7: memref<2x16x128xi32, #tpu.memory_space<vmem>>, %arg8: memref<2x16x128xi32, #tpu.memory_space<vmem>>, %arg9: memref<256x128xf32, #tpu.memory_space<vmem>>, %arg10: memref<10240x128xf32, #tpu.memory_space<vmem_shared>>, %arg11: memref<!tpu.dma_semaphore, #tpu.memory_space<semaphore_mem>>, %arg12: memref<!tpu.dma_semaphore, #tpu.memory_space<semaphore_mem>>, %arg13: memref<!tpu.dma_semaphore, #tpu.memory_space<semaphore_mem>>, %arg14: memref<!tpu.dma_semaphore, #tpu.memory_space<semaphore_mem>>) attributes {dimension_semantics = [#tpu.dimension_semantics<core_parallel>, #tpu.dimension_semantics<subcore_parallel>], iteration_bounds = array<i64: 2, 16>, scalar_prefetch = 0 : i64, scratch_operands = 8 : i64, tpu.core_type = #tpu.core_type<sc_vector_subcore>, window_params = [{transform_indices = #map}, {transform_indices = #map}, {transform_indices = #map}, {transform_indices = #map}, {transform_indices = #map1}]} {
    %mul3A = arith.constant 640 : i32
    %mul3A_0 = arith.muli %arg1, %mul3A : i32
    %dma_start3A = arith.constant 0 : i32
    %dma_start3A_1 = tpu.memref_slice %arg10[%mul3A_0, %dma_start3A] : memref<10240x128xf32, #tpu.memory_space<vmem_shared>> -> memref<640x128xf32, #tpu.memory_space<vmem_shared>>
    tpu.enqueue_dma source(%arg5 : memref<640x128xf32, #tpu.memory_space<hbm>>) target(%dma_start3A_1 : memref<640x128xf32, #tpu.memory_space<vmem_shared>>) target_semaphore(%arg14 : memref<!tpu.dma_semaphore, #tpu.memory_space<semaphore_mem>>)
    %eq3A = arith.constant 0 : i32
    %eq3A_2 = arith.cmpi eq, %arg0, %eq3A : i32
    %mul3A_3 = arith.constant 5 : i32
    %mul3A_4 = arith.muli %arg1, %mul3A_3 : i32
    %mul3A_5 = arith.constant 5 : i32
    %mul3A_6 = arith.muli %arg1, %mul3A_5 : i32
    %add3A = arith.constant 80 : i32
    %add3A_7 = arith.addi %add3A, %mul3A_6 : i32
    %select_n3A = arith.select %eq3A_2, %mul3A_4, %add3A_7 : i32
    %eq3A_8 = arith.constant 0 : i32
    %eq3A_9 = arith.cmpi eq, %arg0, %eq3A_8 : i32
    %jit3A = arith.constant 5 : i32
    %jit3A_10 = arith.constant 5 : i32
    %select_n3A_11 = arith.select %eq3A_9, %jit3A, %jit3A_10 : i32
    %mul3A_12 = arith.constant 16 : i32
    %mul3A_13 = arith.muli %select_n3A, %mul3A_12 : i32
    %add3A_14 = arith.constant 0 : i32
    %add3A_15 = arith.addi %mul3A_13, %add3A_14 : i32
    %dma_start3A_16 = arith.constant 0 : i32
    %dma_start3A_17 = arith.constant 0 : i32
    %dma_start3A_18 = arith.constant 0 : i32
    %dma_start3A_19 = tpu.memref_slice %arg7[%dma_start3A_16, %dma_start3A_17, %dma_start3A_18] : memref<2x16x128xi32, #tpu.memory_space<vmem>> -> memref<1x16x128xi32, #tpu.memory_space<vmem>>
    %dma_start3A_20 = tpu.memref_squeeze %dma_start3A_19 : memref<1x16x128xi32, #tpu.memory_space<vmem>> -> memref<16x128xi32, #tpu.memory_space<vmem>>
    %dma_start3A_21 = arith.constant 0 : i32
    %dma_start3A_22 = tpu.memref_slice %arg3[%add3A_15, %dma_start3A_21] : memref<2560x128xi32, #tpu.memory_space<hbm>> -> memref<16x128xi32, #tpu.memory_space<hbm>>
    %dma_start3A_23 = arith.constant 0 : i32
    %dma_start3A_24 = arith.constant 0 : i32
    %dma_start3A_25 = tpu.memref_slice %arg7[%dma_start3A_16, %dma_start3A_23, %dma_start3A_24] : memref<2x16x128xi32, #tpu.memory_space<vmem>> -> memref<1x16x128xi32, #tpu.memory_space<vmem>>
    %dma_start3A_26 = tpu.memref_squeeze %dma_start3A_25 : memref<1x16x128xi32, #tpu.memory_space<vmem>> -> memref<16x128xi32, #tpu.memory_space<vmem>>
    %dma_start3A_27 = arith.constant 0 : i32
    %dma_start3A_28 = tpu.memref_slice %arg3[%add3A_15, %dma_start3A_27] : memref<2560x128xi32, #tpu.memory_space<hbm>> -> memref<16x128xi32, #tpu.memory_space<hbm>>
    tpu.enqueue_dma source(%dma_start3A_28 : memref<16x128xi32, #tpu.memory_space<hbm>>) target(%dma_start3A_26 : memref<16x128xi32, #tpu.memory_space<vmem>>) target_semaphore(%arg13 : memref<!tpu.dma_semaphore, #tpu.memory_space<semaphore_mem>>)
    %dma_start3A_29 = arith.constant 0 : i32
    %dma_start3A_30 = arith.constant 0 : i32
    %dma_start3A_31 = arith.constant 0 : i32
    %dma_start3A_32 = tpu.memref_slice %arg8[%dma_start3A_29, %dma_start3A_30, %dma_start3A_31] : memref<2x16x128xi32, #tpu.memory_space<vmem>> -> memref<1x16x128xi32, #tpu.memory_space<vmem>>
    %dma_start3A_33 = tpu.memref_squeeze %dma_start3A_32 : memref<1x16x128xi32, #tpu.memory_space<vmem>> -> memref<16x128xi32, #tpu.memory_space<vmem>>
    %dma_start3A_34 = arith.constant 0 : i32
    %dma_start3A_35 = tpu.memref_slice %arg4[%add3A_15, %dma_start3A_34] : memref<2560x128xi32, #tpu.memory_space<hbm>> -> memref<16x128xi32, #tpu.memory_space<hbm>>
    %dma_start3A_36 = arith.constant 0 : i32
    %dma_start3A_37 = arith.constant 0 : i32
    %dma_start3A_38 = tpu.memref_slice %arg8[%dma_start3A_29, %dma_start3A_36, %dma_start3A_37] : memref<2x16x128xi32, #tpu.memory_space<vmem>> -> memref<1x16x128xi32, #tpu.memory_space<vmem>>
    %dma_start3A_39 = tpu.memref_squeeze %dma_start3A_38 : memref<1x16x128xi32, #tpu.memory_space<vmem>> -> memref<16x128xi32, #tpu.memory_space<vmem>>
    %dma_start3A_40 = arith.constant 0 : i32
    %dma_start3A_41 = tpu.memref_slice %arg4[%add3A_15, %dma_start3A_40] : memref<2560x128xi32, #tpu.memory_space<hbm>> -> memref<16x128xi32, #tpu.memory_space<hbm>>
    tpu.enqueue_dma source(%dma_start3A_41 : memref<16x128xi32, #tpu.memory_space<hbm>>) target(%dma_start3A_39 : memref<16x128xi32, #tpu.memory_space<vmem>>) target_semaphore(%arg13 : memref<!tpu.dma_semaphore, #tpu.memory_space<semaphore_mem>>)
    %dma_wait3A = arith.constant 0 : i32
    %dma_wait3A_42 = arith.constant 0 : i32
    %dma_wait3A_43 = arith.constant 0 : i32
    %dma_wait3A_44 = tpu.memref_slice %arg7[%dma_wait3A, %dma_wait3A_42, %dma_wait3A_43] : memref<2x16x128xi32, #tpu.memory_space<vmem>> -> memref<1x16x128xi32, #tpu.memory_space<vmem>>
    %dma_wait3A_45 = tpu.memref_squeeze %dma_wait3A_44 : memref<1x16x128xi32, #tpu.memory_space<vmem>> -> memref<16x128xi32, #tpu.memory_space<vmem>>
    %dma_wait3A_46 = arith.constant 0 : i32
    %dma_wait3A_47 = arith.constant 0 : i32
    %dma_wait3A_48 = tpu.memref_slice %arg3[%dma_wait3A_46, %dma_wait3A_47] : memref<2560x128xi32, #tpu.memory_space<hbm>> -> memref<16x128xi32, #tpu.memory_space<hbm>>
    %dma_wait3A_49 = arith.constant 0 : i32
    %dma_wait3A_50 = arith.constant 0 : i32
    %dma_wait3A_51 = tpu.memref_slice %arg7[%dma_wait3A, %dma_wait3A_49, %dma_wait3A_50] : memref<2x16x128xi32, #tpu.memory_space<vmem>> -> memref<1x16x128xi32, #tpu.memory_space<vmem>>
    %dma_wait3A_52 = tpu.memref_squeeze %dma_wait3A_51 : memref<1x16x128xi32, #tpu.memory_space<vmem>> -> memref<16x128xi32, #tpu.memory_space<vmem>>
    %dma_wait3A_53 = arith.constant 0 : i32
    %dma_wait3A_54 = arith.constant 0 : i32
    %dma_wait3A_55 = tpu.memref_slice %arg3[%dma_wait3A_53, %dma_wait3A_54] : memref<2560x128xi32, #tpu.memory_space<hbm>> -> memref<16x128xi32, #tpu.memory_space<hbm>>
    tpu.wait_dma2 semaphore(%arg13 : memref<!tpu.dma_semaphore, #tpu.memory_space<semaphore_mem>>) src(%dma_wait3A_55 : memref<16x128xi32, #tpu.memory_space<hbm>>) dst(%dma_wait3A_52 : memref<16x128xi32, #tpu.memory_space<vmem>>)
    %dma_wait3A_56 = arith.constant 0 : i32
    %dma_wait3A_57 = arith.constant 0 : i32
    %dma_wait3A_58 = arith.constant 0 : i32
    %dma_wait3A_59 = tpu.memref_slice %arg8[%dma_wait3A_56, %dma_wait3A_57, %dma_wait3A_58] : memref<2x16x128xi32, #tpu.memory_space<vmem>> -> memref<1x16x128xi32, #tpu.memory_space<vmem>>
    %dma_wait3A_60 = tpu.memref_squeeze %dma_wait3A_59 : memref<1x16x128xi32, #tpu.memory_space<vmem>> -> memref<16x128xi32, #tpu.memory_space<vmem>>
    %dma_wait3A_61 = arith.constant 0 : i32
    %dma_wait3A_62 = arith.constant 0 : i32
    %dma_wait3A_63 = tpu.memref_slice %arg4[%dma_wait3A_61, %dma_wait3A_62] : memref<2560x128xi32, #tpu.memory_space<hbm>> -> memref<16x128xi32, #tpu.memory_space<hbm>>
    %dma_wait3A_64 = arith.constant 0 : i32
    %dma_wait3A_65 = arith.constant 0 : i32
    %dma_wait3A_66 = tpu.memref_slice %arg8[%dma_wait3A_56, %dma_wait3A_64, %dma_wait3A_65] : memref<2x16x128xi32, #tpu.memory_space<vmem>> -> memref<1x16x128xi32, #tpu.memory_space<vmem>>
    %dma_wait3A_67 = tpu.memref_squeeze %dma_wait3A_66 : memref<1x16x128xi32, #tpu.memory_space<vmem>> -> memref<16x128xi32, #tpu.memory_space<vmem>>
    %dma_wait3A_68 = arith.constant 0 : i32
    %dma_wait3A_69 = arith.constant 0 : i32
    %dma_wait3A_70 = tpu.memref_slice %arg4[%dma_wait3A_68, %dma_wait3A_69] : memref<2560x128xi32, #tpu.memory_space<hbm>> -> memref<16x128xi32, #tpu.memory_space<hbm>>
    tpu.wait_dma2 semaphore(%arg13 : memref<!tpu.dma_semaphore, #tpu.memory_space<semaphore_mem>>) src(%dma_wait3A_70 : memref<16x128xi32, #tpu.memory_space<hbm>>) dst(%dma_wait3A_67 : memref<16x128xi32, #tpu.memory_space<vmem>>)
    %gt3A = arith.constant 1 : i32
    %gt3A_71 = arith.cmpi sgt, %select_n3A_11, %gt3A : i32
    %convert_element_type3A = arith.extui %gt3A_71 : i1 to i32
    %cond3A = arith.constant 0 : i32
    %cond3A_72 = arith.cmpi ne, %convert_element_type3A, %cond3A : i32
    scf.if %cond3A_72 {
      %add3A_102 = arith.constant 16 : i32
      %add3A_103 = arith.addi %mul3A_13, %add3A_102 : i32
      %dma_start3A_104 = arith.constant 1 : i32
      %dma_start3A_105 = arith.constant 0 : i32
      %dma_start3A_106 = arith.constant 0 : i32
      %dma_start3A_107 = tpu.memref_slice %arg7[%dma_start3A_104, %dma_start3A_105, %dma_start3A_106] : memref<2x16x128xi32, #tpu.memory_space<vmem>> -> memref<1x16x128xi32, #tpu.memory_space<vmem>>
      %dma_start3A_108 = tpu.memref_squeeze %dma_start3A_107 : memref<1x16x128xi32, #tpu.memory_space<vmem>> -> memref<16x128xi32, #tpu.memory_space<vmem>>
      %dma_start3A_109 = arith.constant 0 : i32
      %dma_start3A_110 = tpu.memref_slice %arg3[%add3A_103, %dma_start3A_109] : memref<2560x128xi32, #tpu.memory_space<hbm>> -> memref<16x128xi32, #tpu.memory_space<hbm>>
      %dma_start3A_111 = arith.constant 0 : i32
      %dma_start3A_112 = arith.constant 0 : i32
      %dma_start3A_113 = tpu.memref_slice %arg7[%dma_start3A_104, %dma_start3A_111, %dma_start3A_112] : memref<2x16x128xi32, #tpu.memory_space<vmem>> -> memref<1x16x128xi32, #tpu.memory_space<vmem>>
      %dma_start3A_114 = tpu.memref_squeeze %dma_start3A_113 : memref<1x16x128xi32, #tpu.memory_space<vmem>> -> memref<16x128xi32, #tpu.memory_space<vmem>>
      %dma_start3A_115 = arith.constant 0 : i32
      %dma_start3A_116 = tpu.memref_slice %arg3[%add3A_103, %dma_start3A_115] : memref<2560x128xi32, #tpu.memory_space<hbm>> -> memref<16x128xi32, #tpu.memory_space<hbm>>
      tpu.enqueue_dma source(%dma_start3A_116 : memref<16x128xi32, #tpu.memory_space<hbm>>) target(%dma_start3A_114 : memref<16x128xi32, #tpu.memory_space<vmem>>) target_semaphore(%arg13 : memref<!tpu.dma_semaphore, #tpu.memory_space<semaphore_mem>>)
      %dma_start3A_117 = arith.constant 1 : i32
      %dma_start3A_118 = arith.constant 0 : i32
      %dma_start3A_119 = arith.constant 0 : i32
      %dma_start3A_120 = tpu.memref_slice %arg8[%dma_start3A_117, %dma_start3A_118, %dma_start3A_119] : memref<2x16x128xi32, #tpu.memory_space<vmem>> -> memref<1x16x128xi32, #tpu.memory_space<vmem>>
      %dma_start3A_121 = tpu.memref_squeeze %dma_start3A_120 : memref<1x16x128xi32, #tpu.memory_space<vmem>> -> memref<16x128xi32, #tpu.memory_space<vmem>>
      %dma_start3A_122 = arith.constant 0 : i32
      %dma_start3A_123 = tpu.memref_slice %arg4[%add3A_103, %dma_start3A_122] : memref<2560x128xi32, #tpu.memory_space<hbm>> -> memref<16x128xi32, #tpu.memory_space<hbm>>
      %dma_start3A_124 = arith.constant 0 : i32
      %dma_start3A_125 = arith.constant 0 : i32
      %dma_start3A_126 = tpu.memref_slice %arg8[%dma_start3A_117, %dma_start3A_124, %dma_start3A_125] : memref<2x16x128xi32, #tpu.memory_space<vmem>> -> memref<1x16x128xi32, #tpu.memory_space<vmem>>
      %dma_start3A_127 = tpu.memref_squeeze %dma_start3A_126 : memref<1x16x128xi32, #tpu.memory_space<vmem>> -> memref<16x128xi32, #tpu.memory_space<vmem>>
      %dma_start3A_128 = arith.constant 0 : i32
      %dma_start3A_129 = tpu.memref_slice %arg4[%add3A_103, %dma_start3A_128] : memref<2560x128xi32, #tpu.memory_space<hbm>> -> memref<16x128xi32, #tpu.memory_space<hbm>>
      tpu.enqueue_dma source(%dma_start3A_129 : memref<16x128xi32, #tpu.memory_space<hbm>>) target(%dma_start3A_127 : memref<16x128xi32, #tpu.memory_space<vmem>>) target_semaphore(%arg13 : memref<!tpu.dma_semaphore, #tpu.memory_space<semaphore_mem>>)
    } else {
    }
    %dma_start3A_73 = arith.constant 0 : i32
    %dma_start3A_74 = arith.constant 0 : i32
    %dma_start3A_75 = arith.constant 0 : i32
    %dma_start3A_76 = arith.constant 0 : i32
    %dma_start3A_77 = tpu.memref_slice %arg9[%dma_start3A_75, %dma_start3A_76] : memref<256x128xf32, #tpu.memory_space<vmem>> -> memref<128x128xf32, #tpu.memory_space<vmem>>
    %dma_start3A_78 = arith.constant 0 : i32
    %dma_start3A_79 = tpu.memref_slice %arg7[%dma_start3A_73, %dma_start3A_74, %dma_start3A_78] : memref<2x16x128xi32, #tpu.memory_space<vmem>> -> memref<1x1x128xi32, #tpu.memory_space<vmem>>
    %dma_start3A_80 = tpu.memref_squeeze %dma_start3A_79 : memref<1x1x128xi32, #tpu.memory_space<vmem>> -> memref<128xi32, #tpu.memory_space<vmem>>
    %dma_start3A_81 = arith.constant 0 : i32
    %dma_start3A_82 = arith.constant 0 : i32
    %dma_start3A_83 = tpu.memref_slice %arg2[%dma_start3A_81, %dma_start3A_82] : memref<80000x128xf32, #tpu.memory_space<hbm>> -> memref<80000x128xf32, #tpu.memory_space<hbm>>
    tpu.enqueue_indirect_dma source(%dma_start3A_83 : memref<80000x128xf32, #tpu.memory_space<hbm>>) target(%dma_start3A_77 : memref<128x128xf32, #tpu.memory_space<vmem>>) offsets(%dma_start3A_80 : memref<128xi32, #tpu.memory_space<vmem>>) semaphore(%arg11 : memref<!tpu.dma_semaphore, #tpu.memory_space<semaphore_mem>>)
    %dma_wait3A_84 = arith.constant 0 : i32
    %dma_wait3A_85 = tpu.memref_slice %arg10[%mul3A_0, %dma_wait3A_84] : memref<10240x128xf32, #tpu.memory_space<vmem_shared>> -> memref<640x128xf32, #tpu.memory_space<vmem_shared>>
    tpu.wait_dma2 semaphore(%arg14 : memref<!tpu.dma_semaphore, #tpu.memory_space<semaphore_mem>>) src(%arg5 : memref<640x128xf32, #tpu.memory_space<hbm>>) dst(%dma_wait3A_85 : memref<640x128xf32, #tpu.memory_space<vmem_shared>>)
    %barrier3A = arith.constant 0 : index
    tpu.barrier barrier_id(%barrier3A)
    %mul3A_86 = arith.constant 8 : i32
    %mul3A_87 = arith.muli %select_n3A_11, %mul3A_86 : i32
    %while3A = arith.constant 0 : i32
    %while3A_88 = arith.constant 0 : i32
    %while3A_89 = arith.subi %mul3A_87, %while3A_88 : i32
    %while3A_90 = arith.addi %while3A_88, %while3A_89 : i32
    %while3A_91 = arith.constant 1 : i32
    %while3A_92 = arith.divsi %while3A_89, %while3A_91 : i32
    %while3A_93 = arith.muli %while3A_92, %while3A_91 : i32
    %while3A_94 = arith.addi %while3A_88, %while3A_93 : i32
    %while3A_95 = arith.constant 1 : i32
    scf.for %while3A_102 = %while3A_88 to %while3A_94 step %while3A_95  : i32 {
      %jit3A_103 = arith.constant 8 : i32
      %div3A = arith.divsi %while3A_102, %jit3A_103 : i32
      %sign3A = arith.constant 0 : i32
      %sign3A_104 = arith.cmpi sgt, %while3A_102, %sign3A : i32
      %sign3A_105 = arith.extui %sign3A_104 : i1 to i32
      %sign3A_106 = arith.constant 0 : i32
      %sign3A_107 = arith.cmpi slt, %while3A_102, %sign3A_106 : i32
      %sign3A_108 = arith.extui %sign3A_107 : i1 to i32
      %sign3A_109 = arith.subi %sign3A_105, %sign3A_108 : i32
      %sign3A_110 = arith.constant 0 : i32
      %sign3A_111 = arith.cmpi sgt, %jit3A_103, %sign3A_110 : i32
      %sign3A_112 = arith.extui %sign3A_111 : i1 to i32
      %sign3A_113 = arith.constant 0 : i32
      %sign3A_114 = arith.cmpi slt, %jit3A_103, %sign3A_113 : i32
      %sign3A_115 = arith.extui %sign3A_114 : i1 to i32
      %sign3A_116 = arith.subi %sign3A_112, %sign3A_115 : i32
      %ne3A = arith.cmpi ne, %sign3A_109, %sign3A_116 : i32
      %rem3A = arith.remsi %while3A_102, %jit3A_103 : i32
      %ne3A_117 = arith.constant 0 : i32
      %ne3A_118 = arith.cmpi ne, %rem3A, %ne3A_117 : i32
      %and3A = arith.andi %ne3A, %ne3A_118 : i1
      %sub3A = arith.constant 1 : i32
      %sub3A_119 = arith.subi %div3A, %sub3A : i32
      %select_n3A_120 = arith.select %and3A, %sub3A_119, %div3A : i32
      %mul3A_121 = arith.constant 8 : i32
      %mul3A_122 = arith.muli %select_n3A_120, %mul3A_121 : i32
      %sub3A_123 = arith.subi %while3A_102, %mul3A_122 : i32
      %jit3A_124 = arith.constant 2 : i32
      %eq3A_125 = arith.constant 0 : i32
      %eq3A_126 = arith.cmpi eq, %jit3A_124, %eq3A_125 : i32
      %jit3A_127 = arith.constant 1 : i32
      %select_n3A_128 = arith.select %eq3A_126, %jit3A_127, %jit3A_124 : i32
      %rem3A_129 = arith.remsi %select_n3A_120, %select_n3A_128 : i32
      %ne3A_130 = arith.constant 0 : i32
      %ne3A_131 = arith.cmpi ne, %rem3A_129, %ne3A_130 : i32
      %lt3A = arith.constant 0 : i32
      %lt3A_132 = arith.cmpi slt, %rem3A_129, %lt3A : i32
      %lt3A_133 = arith.constant 0 : i32
      %lt3A_134 = arith.cmpi slt, %select_n3A_128, %lt3A_133 : i32
      %ne3A_135 = arith.xori %lt3A_132, %lt3A_134 : i1
      %and3A_136 = arith.andi %ne3A_135, %ne3A_131 : i1
      %add3A_137 = arith.addi %rem3A_129, %select_n3A_128 : i32
      %select_n3A_138 = arith.select %and3A_136, %add3A_137, %rem3A_129 : i32
      %mul3A_139 = arith.constant 2 : i32
      %mul3A_140 = arith.muli %mul3A_139, %sub3A_123 : i32
      %add3A_141 = arith.constant 1 : i32
      %add3A_142 = arith.addi %mul3A_140, %add3A_141 : i32
      %dma_start3A_143 = arith.constant 128 : i32
      %dma_start3A_144 = arith.constant 0 : i32
      %dma_start3A_145 = tpu.memref_slice %arg9[%dma_start3A_143, %dma_start3A_144] : memref<256x128xf32, #tpu.memory_space<vmem>> -> memref<128x128xf32, #tpu.memory_space<vmem>>
      %dma_start3A_146 = arith.constant 0 : i32
      %dma_start3A_147 = tpu.memref_slice %arg7[%select_n3A_138, %add3A_142, %dma_start3A_146] : memref<2x16x128xi32, #tpu.memory_space<vmem>> -> memref<1x1x128xi32, #tpu.memory_space<vmem>>
      %dma_start3A_148 = tpu.memref_squeeze %dma_start3A_147 : memref<1x1x128xi32, #tpu.memory_space<vmem>> -> memref<128xi32, #tpu.memory_space<vmem>>
      %dma_start3A_149 = arith.constant 0 : i32
      %dma_start3A_150 = arith.constant 0 : i32
      %dma_start3A_151 = tpu.memref_slice %arg2[%dma_start3A_149, %dma_start3A_150] : memref<80000x128xf32, #tpu.memory_space<hbm>> -> memref<80000x128xf32, #tpu.memory_space<hbm>>
      tpu.enqueue_indirect_dma source(%dma_start3A_151 : memref<80000x128xf32, #tpu.memory_space<hbm>>) target(%dma_start3A_145 : memref<128x128xf32, #tpu.memory_space<vmem>>) offsets(%dma_start3A_148 : memref<128xi32, #tpu.memory_space<vmem>>) semaphore(%arg12 : memref<!tpu.dma_semaphore, #tpu.memory_space<semaphore_mem>>)
      %dma_wait3A_152 = arith.constant 0 : i32
      %dma_wait3A_153 = arith.constant 0 : i32
      %dma_wait3A_154 = arith.constant 0 : i32
      %dma_wait3A_155 = arith.constant 0 : i32
      %dma_wait3A_156 = tpu.memref_slice %arg9[%dma_wait3A_154, %dma_wait3A_155] : memref<256x128xf32, #tpu.memory_space<vmem>> -> memref<128x128xf32, #tpu.memory_space<vmem>>
      %dma_wait3A_157 = arith.constant 0 : i32
      %dma_wait3A_158 = tpu.memref_slice %arg7[%dma_wait3A_152, %dma_wait3A_153, %dma_wait3A_157] : memref<2x16x128xi32, #tpu.memory_space<vmem>> -> memref<1x1x128xi32, #tpu.memory_space<vmem>>
      %dma_wait3A_159 = tpu.memref_squeeze %dma_wait3A_158 : memref<1x1x128xi32, #tpu.memory_space<vmem>> -> memref<128xi32, #tpu.memory_space<vmem>>
      %dma_wait3A_160 = arith.constant 0 : i32
      %dma_wait3A_161 = arith.constant 0 : i32
      %dma_wait3A_162 = tpu.memref_slice %arg2[%dma_wait3A_160, %dma_wait3A_161] : memref<80000x128xf32, #tpu.memory_space<hbm>> -> memref<80000x128xf32, #tpu.memory_space<hbm>>
      tpu.wait_indirect_dma semaphore(%arg11 : memref<!tpu.dma_semaphore, #tpu.memory_space<semaphore_mem>>) src(%dma_wait3A_162 : memref<80000x128xf32, #tpu.memory_space<hbm>>) dst(%dma_wait3A_156 : memref<128x128xf32, #tpu.memory_space<vmem>>)
      "tpu.region"() ({
        %run_scoped3A = tpu.sem_alloc : memref<!tpu.dma_semaphore, #tpu.memory_space<semaphore_mem>>
        %dma_start3A_197 = arith.constant 0 : i32
        %dma_start3A_198 = arith.constant 0 : i32
        %dma_start3A_199 = tpu.memref_slice %arg9[%dma_start3A_197, %dma_start3A_198] : memref<256x128xf32, #tpu.memory_space<vmem>> -> memref<128x128xf32, #tpu.memory_space<vmem>>
        %dma_start3A_200 = arith.constant 0 : i32
        %dma_start3A_201 = tpu.memref_slice %arg8[%select_n3A_138, %mul3A_140, %dma_start3A_200] : memref<2x16x128xi32, #tpu.memory_space<vmem>> -> memref<1x1x128xi32, #tpu.memory_space<vmem>>
        %dma_start3A_202 = tpu.memref_squeeze %dma_start3A_201 : memref<1x1x128xi32, #tpu.memory_space<vmem>> -> memref<128xi32, #tpu.memory_space<vmem>>
        %dma_start3A_203 = arith.constant 0 : i32
        %dma_start3A_204 = arith.constant 0 : i32
        %dma_start3A_205 = tpu.memref_slice %arg10[%dma_start3A_203, %dma_start3A_204] : memref<10240x128xf32, #tpu.memory_space<vmem_shared>> -> memref<10240x128xf32, #tpu.memory_space<vmem_shared>>
        tpu.enqueue_indirect_dma source(%dma_start3A_199 : memref<128x128xf32, #tpu.memory_space<vmem>>) target(%dma_start3A_205 : memref<10240x128xf32, #tpu.memory_space<vmem_shared>>) offsets(%dma_start3A_202 : memref<128xi32, #tpu.memory_space<vmem>>) semaphore(%run_scoped3A : memref<!tpu.dma_semaphore, #tpu.memory_space<semaphore_mem>>) {add = true}
        %dma_wait3A_206 = arith.constant 0 : i32
        %dma_wait3A_207 = arith.constant 0 : i32
        %dma_wait3A_208 = tpu.memref_slice %arg9[%dma_wait3A_206, %dma_wait3A_207] : memref<256x128xf32, #tpu.memory_space<vmem>> -> memref<128x128xf32, #tpu.memory_space<vmem>>
        %dma_wait3A_209 = arith.constant 0 : i32
        %dma_wait3A_210 = tpu.memref_slice %arg8[%select_n3A_138, %mul3A_140, %dma_wait3A_209] : memref<2x16x128xi32, #tpu.memory_space<vmem>> -> memref<1x1x128xi32, #tpu.memory_space<vmem>>
        %dma_wait3A_211 = tpu.memref_squeeze %dma_wait3A_210 : memref<1x1x128xi32, #tpu.memory_space<vmem>> -> memref<128xi32, #tpu.memory_space<vmem>>
        %dma_wait3A_212 = arith.constant 0 : i32
        %dma_wait3A_213 = arith.constant 0 : i32
        %dma_wait3A_214 = tpu.memref_slice %arg10[%dma_wait3A_212, %dma_wait3A_213] : memref<10240x128xf32, #tpu.memory_space<vmem_shared>> -> memref<10240x128xf32, #tpu.memory_space<vmem_shared>>
        tpu.wait_indirect_dma semaphore(%run_scoped3A : memref<!tpu.dma_semaphore, #tpu.memory_space<semaphore_mem>>) src(%dma_wait3A_208 : memref<128x128xf32, #tpu.memory_space<vmem>>) dst(%dma_wait3A_214 : memref<10240x128xf32, #tpu.memory_space<vmem_shared>>)
        tpu.yield
      }) : () -> ()
      %lt3A_163 = arith.constant 7 : i32
      %lt3A_164 = arith.cmpi slt, %sub3A_123, %lt3A_163 : i32
      %convert_element_type3A_165 = arith.extui %lt3A_164 : i1 to i32
      %cond3A_166 = arith.constant 0 : i32
      %cond3A_167 = arith.cmpi ne, %convert_element_type3A_165, %cond3A_166 : i32
      scf.if %cond3A_167 {
        %add3A_197 = arith.constant 2 : i32
        %add3A_198 = arith.addi %mul3A_140, %add3A_197 : i32
        %dma_start3A_199 = arith.constant 0 : i32
        %dma_start3A_200 = arith.constant 0 : i32
        %dma_start3A_201 = tpu.memref_slice %arg9[%dma_start3A_199, %dma_start3A_200] : memref<256x128xf32, #tpu.memory_space<vmem>> -> memref<128x128xf32, #tpu.memory_space<vmem>>
        %dma_start3A_202 = arith.constant 0 : i32
        %dma_start3A_203 = tpu.memref_slice %arg7[%select_n3A_138, %add3A_198, %dma_start3A_202] : memref<2x16x128xi32, #tpu.memory_space<vmem>> -> memref<1x1x128xi32, #tpu.memory_space<vmem>>
        %dma_start3A_204 = tpu.memref_squeeze %dma_start3A_203 : memref<1x1x128xi32, #tpu.memory_space<vmem>> -> memref<128xi32, #tpu.memory_space<vmem>>
        %dma_start3A_205 = arith.constant 0 : i32
        %dma_start3A_206 = arith.constant 0 : i32
        %dma_start3A_207 = tpu.memref_slice %arg2[%dma_start3A_205, %dma_start3A_206] : memref<80000x128xf32, #tpu.memory_space<hbm>> -> memref<80000x128xf32, #tpu.memory_space<hbm>>
        tpu.enqueue_indirect_dma source(%dma_start3A_207 : memref<80000x128xf32, #tpu.memory_space<hbm>>) target(%dma_start3A_201 : memref<128x128xf32, #tpu.memory_space<vmem>>) offsets(%dma_start3A_204 : memref<128xi32, #tpu.memory_space<vmem>>) semaphore(%arg11 : memref<!tpu.dma_semaphore, #tpu.memory_space<semaphore_mem>>)
      } else {
      }
      %eq3A_168 = arith.constant 7 : i32
      %eq3A_169 = arith.cmpi eq, %sub3A_123, %eq3A_168 : i32
      %add3A_170 = arith.constant 1 : i32
      %add3A_171 = arith.addi %select_n3A_120, %add3A_170 : i32
      %lt3A_172 = arith.cmpi slt, %add3A_171, %select_n3A_11 : i32
      %and3A_173 = arith.andi %eq3A_169, %lt3A_172 : i1
      %convert_element_type3A_174 = arith.extui %and3A_173 : i1 to i32
      %cond3A_175 = arith.constant 0 : i32
      %cond3A_176 = arith.cmpi ne, %convert_element_type3A_174, %cond3A_175 : i32
      scf.if %cond3A_176 {
        %sub3A_197 = arith.constant 1 : i32
        %sub3A_198 = arith.subi %sub3A_197, %select_n3A_138 : i32
        %dma_wait3A_199 = arith.constant 0 : i32
        %dma_wait3A_200 = arith.constant 0 : i32
        %dma_wait3A_201 = tpu.memref_slice %arg7[%sub3A_198, %dma_wait3A_199, %dma_wait3A_200] : memref<2x16x128xi32, #tpu.memory_space<vmem>> -> memref<1x16x128xi32, #tpu.memory_space<vmem>>
        %dma_wait3A_202 = tpu.memref_squeeze %dma_wait3A_201 : memref<1x16x128xi32, #tpu.memory_space<vmem>> -> memref<16x128xi32, #tpu.memory_space<vmem>>
        %dma_wait3A_203 = arith.constant 0 : i32
        %dma_wait3A_204 = arith.constant 0 : i32
        %dma_wait3A_205 = tpu.memref_slice %arg3[%dma_wait3A_203, %dma_wait3A_204] : memref<2560x128xi32, #tpu.memory_space<hbm>> -> memref<16x128xi32, #tpu.memory_space<hbm>>
        %dma_wait3A_206 = arith.constant 0 : i32
        %dma_wait3A_207 = arith.constant 0 : i32
        %dma_wait3A_208 = tpu.memref_slice %arg7[%sub3A_198, %dma_wait3A_206, %dma_wait3A_207] : memref<2x16x128xi32, #tpu.memory_space<vmem>> -> memref<1x16x128xi32, #tpu.memory_space<vmem>>
        %dma_wait3A_209 = tpu.memref_squeeze %dma_wait3A_208 : memref<1x16x128xi32, #tpu.memory_space<vmem>> -> memref<16x128xi32, #tpu.memory_space<vmem>>
        %dma_wait3A_210 = arith.constant 0 : i32
        %dma_wait3A_211 = arith.constant 0 : i32
        %dma_wait3A_212 = tpu.memref_slice %arg3[%dma_wait3A_210, %dma_wait3A_211] : memref<2560x128xi32, #tpu.memory_space<hbm>> -> memref<16x128xi32, #tpu.memory_space<hbm>>
        tpu.wait_dma2 semaphore(%arg13 : memref<!tpu.dma_semaphore, #tpu.memory_space<semaphore_mem>>) src(%dma_wait3A_212 : memref<16x128xi32, #tpu.memory_space<hbm>>) dst(%dma_wait3A_209 : memref<16x128xi32, #tpu.memory_space<vmem>>)
        %dma_wait3A_213 = arith.constant 0 : i32
        %dma_wait3A_214 = arith.constant 0 : i32
        %dma_wait3A_215 = tpu.memref_slice %arg8[%sub3A_198, %dma_wait3A_213, %dma_wait3A_214] : memref<2x16x128xi32, #tpu.memory_space<vmem>> -> memref<1x16x128xi32, #tpu.memory_space<vmem>>
        %dma_wait3A_216 = tpu.memref_squeeze %dma_wait3A_215 : memref<1x16x128xi32, #tpu.memory_space<vmem>> -> memref<16x128xi32, #tpu.memory_space<vmem>>
        %dma_wait3A_217 = arith.constant 0 : i32
        %dma_wait3A_218 = arith.constant 0 : i32
        %dma_wait3A_219 = tpu.memref_slice %arg4[%dma_wait3A_217, %dma_wait3A_218] : memref<2560x128xi32, #tpu.memory_space<hbm>> -> memref<16x128xi32, #tpu.memory_space<hbm>>
        %dma_wait3A_220 = arith.constant 0 : i32
        %dma_wait3A_221 = arith.constant 0 : i32
        %dma_wait3A_222 = tpu.memref_slice %arg8[%sub3A_198, %dma_wait3A_220, %dma_wait3A_221] : memref<2x16x128xi32, #tpu.memory_space<vmem>> -> memref<1x16x128xi32, #tpu.memory_space<vmem>>
        %dma_wait3A_223 = tpu.memref_squeeze %dma_wait3A_222 : memref<1x16x128xi32, #tpu.memory_space<vmem>> -> memref<16x128xi32, #tpu.memory_space<vmem>>
        %dma_wait3A_224 = arith.constant 0 : i32
        %dma_wait3A_225 = arith.constant 0 : i32
        %dma_wait3A_226 = tpu.memref_slice %arg4[%dma_wait3A_224, %dma_wait3A_225] : memref<2560x128xi32, #tpu.memory_space<hbm>> -> memref<16x128xi32, #tpu.memory_space<hbm>>
        tpu.wait_dma2 semaphore(%arg13 : memref<!tpu.dma_semaphore, #tpu.memory_space<semaphore_mem>>) src(%dma_wait3A_226 : memref<16x128xi32, #tpu.memory_space<hbm>>) dst(%dma_wait3A_223 : memref<16x128xi32, #tpu.memory_space<vmem>>)
        %sub3A_227 = arith.constant 1 : i32
        %sub3A_228 = arith.subi %sub3A_227, %select_n3A_138 : i32
        %dma_start3A_229 = arith.constant 0 : i32
        %dma_start3A_230 = arith.constant 0 : i32
        %dma_start3A_231 = arith.constant 0 : i32
        %dma_start3A_232 = tpu.memref_slice %arg9[%dma_start3A_230, %dma_start3A_231] : memref<256x128xf32, #tpu.memory_space<vmem>> -> memref<128x128xf32, #tpu.memory_space<vmem>>
        %dma_start3A_233 = arith.constant 0 : i32
        %dma_start3A_234 = tpu.memref_slice %arg7[%sub3A_228, %dma_start3A_229, %dma_start3A_233] : memref<2x16x128xi32, #tpu.memory_space<vmem>> -> memref<1x1x128xi32, #tpu.memory_space<vmem>>
        %dma_start3A_235 = tpu.memref_squeeze %dma_start3A_234 : memref<1x1x128xi32, #tpu.memory_space<vmem>> -> memref<128xi32, #tpu.memory_space<vmem>>
        %dma_start3A_236 = arith.constant 0 : i32
        %dma_start3A_237 = arith.constant 0 : i32
        %dma_start3A_238 = tpu.memref_slice %arg2[%dma_start3A_236, %dma_start3A_237] : memref<80000x128xf32, #tpu.memory_space<hbm>> -> memref<80000x128xf32, #tpu.memory_space<hbm>>
        tpu.enqueue_indirect_dma source(%dma_start3A_238 : memref<80000x128xf32, #tpu.memory_space<hbm>>) target(%dma_start3A_232 : memref<128x128xf32, #tpu.memory_space<vmem>>) offsets(%dma_start3A_235 : memref<128xi32, #tpu.memory_space<vmem>>) semaphore(%arg11 : memref<!tpu.dma_semaphore, #tpu.memory_space<semaphore_mem>>)
      } else {
      }
      %dma_wait3A_177 = arith.constant 128 : i32
      %dma_wait3A_178 = arith.constant 0 : i32
      %dma_wait3A_179 = tpu.memref_slice %arg9[%dma_wait3A_177, %dma_wait3A_178] : memref<256x128xf32, #tpu.memory_space<vmem>> -> memref<128x128xf32, #tpu.memory_space<vmem>>
      %dma_wait3A_180 = arith.constant 0 : i32
      %dma_wait3A_181 = tpu.memref_slice %arg7[%select_n3A_138, %add3A_142, %dma_wait3A_180] : memref<2x16x128xi32, #tpu.memory_space<vmem>> -> memref<1x1x128xi32, #tpu.memory_space<vmem>>
      %dma_wait3A_182 = tpu.memref_squeeze %dma_wait3A_181 : memref<1x1x128xi32, #tpu.memory_space<vmem>> -> memref<128xi32, #tpu.memory_space<vmem>>
      %dma_wait3A_183 = arith.constant 0 : i32
      %dma_wait3A_184 = arith.constant 0 : i32
      %dma_wait3A_185 = tpu.memref_slice %arg2[%dma_wait3A_183, %dma_wait3A_184] : memref<80000x128xf32, #tpu.memory_space<hbm>> -> memref<80000x128xf32, #tpu.memory_space<hbm>>
      tpu.wait_indirect_dma semaphore(%arg12 : memref<!tpu.dma_semaphore, #tpu.memory_space<semaphore_mem>>) src(%dma_wait3A_185 : memref<80000x128xf32, #tpu.memory_space<hbm>>) dst(%dma_wait3A_179 : memref<128x128xf32, #tpu.memory_space<vmem>>)
      %add3A_186 = arith.constant 1 : i32
      %add3A_187 = arith.addi %mul3A_140, %add3A_186 : i32
      "tpu.region"() ({
        %run_scoped3A = tpu.sem_alloc : memref<!tpu.dma_semaphore, #tpu.memory_space<semaphore_mem>>
        %dma_start3A_197 = arith.constant 128 : i32
        %dma_start3A_198 = arith.constant 0 : i32
        %dma_start3A_199 = tpu.memref_slice %arg9[%dma_start3A_197, %dma_start3A_198] : memref<256x128xf32, #tpu.memory_space<vmem>> -> memref<128x128xf32, #tpu.memory_space<vmem>>
        %dma_start3A_200 = arith.constant 0 : i32
        %dma_start3A_201 = tpu.memref_slice %arg8[%select_n3A_138, %add3A_187, %dma_start3A_200] : memref<2x16x128xi32, #tpu.memory_space<vmem>> -> memref<1x1x128xi32, #tpu.memory_space<vmem>>
        %dma_start3A_202 = tpu.memref_squeeze %dma_start3A_201 : memref<1x1x128xi32, #tpu.memory_space<vmem>> -> memref<128xi32, #tpu.memory_space<vmem>>
        %dma_start3A_203 = arith.constant 0 : i32
        %dma_start3A_204 = arith.constant 0 : i32
        %dma_start3A_205 = tpu.memref_slice %arg10[%dma_start3A_203, %dma_start3A_204] : memref<10240x128xf32, #tpu.memory_space<vmem_shared>> -> memref<10240x128xf32, #tpu.memory_space<vmem_shared>>
        tpu.enqueue_indirect_dma source(%dma_start3A_199 : memref<128x128xf32, #tpu.memory_space<vmem>>) target(%dma_start3A_205 : memref<10240x128xf32, #tpu.memory_space<vmem_shared>>) offsets(%dma_start3A_202 : memref<128xi32, #tpu.memory_space<vmem>>) semaphore(%run_scoped3A : memref<!tpu.dma_semaphore, #tpu.memory_space<semaphore_mem>>) {add = true}
        %dma_wait3A_206 = arith.constant 128 : i32
        %dma_wait3A_207 = arith.constant 0 : i32
        %dma_wait3A_208 = tpu.memref_slice %arg9[%dma_wait3A_206, %dma_wait3A_207] : memref<256x128xf32, #tpu.memory_space<vmem>> -> memref<128x128xf32, #tpu.memory_space<vmem>>
        %dma_wait3A_209 = arith.constant 0 : i32
        %dma_wait3A_210 = tpu.memref_slice %arg8[%select_n3A_138, %add3A_187, %dma_wait3A_209] : memref<2x16x128xi32, #tpu.memory_space<vmem>> -> memref<1x1x128xi32, #tpu.memory_space<vmem>>
        %dma_wait3A_211 = tpu.memref_squeeze %dma_wait3A_210 : memref<1x1x128xi32, #tpu.memory_space<vmem>> -> memref<128xi32, #tpu.memory_space<vmem>>
        %dma_wait3A_212 = arith.constant 0 : i32
        %dma_wait3A_213 = arith.constant 0 : i32
        %dma_wait3A_214 = tpu.memref_slice %arg10[%dma_wait3A_212, %dma_wait3A_213] : memref<10240x128xf32, #tpu.memory_space<vmem_shared>> -> memref<10240x128xf32, #tpu.memory_space<vmem_shared>>
        tpu.wait_indirect_dma semaphore(%run_scoped3A : memref<!tpu.dma_semaphore, #tpu.memory_space<semaphore_mem>>) src(%dma_wait3A_208 : memref<128x128xf32, #tpu.memory_space<vmem>>) dst(%dma_wait3A_214 : memref<10240x128xf32, #tpu.memory_space<vmem_shared>>)
        tpu.yield
      }) : () -> ()
      %eq3A_188 = arith.constant 7 : i32
      %eq3A_189 = arith.cmpi eq, %sub3A_123, %eq3A_188 : i32
      %add3A_190 = arith.constant 2 : i32
      %add3A_191 = arith.addi %select_n3A_120, %add3A_190 : i32
      %lt3A_192 = arith.cmpi slt, %add3A_191, %select_n3A_11 : i32
      %and3A_193 = arith.andi %eq3A_189, %lt3A_192 : i1
      %convert_element_type3A_194 = arith.extui %and3A_193 : i1 to i32
      %cond3A_195 = arith.constant 0 : i32
      %cond3A_196 = arith.cmpi ne, %convert_element_type3A_194, %cond3A_195 : i32
      scf.if %cond3A_196 {
        %add3A_197 = arith.constant 2 : i32
        %add3A_198 = arith.addi %select_n3A_120, %add3A_197 : i32
        %mul3A_199 = arith.constant 16 : i32
        %mul3A_200 = arith.muli %add3A_198, %mul3A_199 : i32
        %add3A_201 = arith.addi %mul3A_13, %mul3A_200 : i32
        %dma_start3A_202 = arith.constant 0 : i32
        %dma_start3A_203 = arith.constant 0 : i32
        %dma_start3A_204 = tpu.memref_slice %arg7[%select_n3A_138, %dma_start3A_202, %dma_start3A_203] : memref<2x16x128xi32, #tpu.memory_space<vmem>> -> memref<1x16x128xi32, #tpu.memory_space<vmem>>
        %dma_start3A_205 = tpu.memref_squeeze %dma_start3A_204 : memref<1x16x128xi32, #tpu.memory_space<vmem>> -> memref<16x128xi32, #tpu.memory_space<vmem>>
        %dma_start3A_206 = arith.constant 0 : i32
        %dma_start3A_207 = tpu.memref_slice %arg3[%add3A_201, %dma_start3A_206] : memref<2560x128xi32, #tpu.memory_space<hbm>> -> memref<16x128xi32, #tpu.memory_space<hbm>>
        %dma_start3A_208 = arith.constant 0 : i32
        %dma_start3A_209 = arith.constant 0 : i32
        %dma_start3A_210 = tpu.memref_slice %arg7[%select_n3A_138, %dma_start3A_208, %dma_start3A_209] : memref<2x16x128xi32, #tpu.memory_space<vmem>> -> memref<1x16x128xi32, #tpu.memory_space<vmem>>
        %dma_start3A_211 = tpu.memref_squeeze %dma_start3A_210 : memref<1x16x128xi32, #tpu.memory_space<vmem>> -> memref<16x128xi32, #tpu.memory_space<vmem>>
        %dma_start3A_212 = arith.constant 0 : i32
        %dma_start3A_213 = tpu.memref_slice %arg3[%add3A_201, %dma_start3A_212] : memref<2560x128xi32, #tpu.memory_space<hbm>> -> memref<16x128xi32, #tpu.memory_space<hbm>>
        tpu.enqueue_dma source(%dma_start3A_213 : memref<16x128xi32, #tpu.memory_space<hbm>>) target(%dma_start3A_211 : memref<16x128xi32, #tpu.memory_space<vmem>>) target_semaphore(%arg13 : memref<!tpu.dma_semaphore, #tpu.memory_space<semaphore_mem>>)
        %dma_start3A_214 = arith.constant 0 : i32
        %dma_start3A_215 = arith.constant 0 : i32
        %dma_start3A_216 = tpu.memref_slice %arg8[%select_n3A_138, %dma_start3A_214, %dma_start3A_215] : memref<2x16x128xi32, #tpu.memory_space<vmem>> -> memref<1x16x128xi32, #tpu.memory_space<vmem>>
        %dma_start3A_217 = tpu.memref_squeeze %dma_start3A_216 : memref<1x16x128xi32, #tpu.memory_space<vmem>> -> memref<16x128xi32, #tpu.memory_space<vmem>>
        %dma_start3A_218 = arith.constant 0 : i32
        %dma_start3A_219 = tpu.memref_slice %arg4[%add3A_201, %dma_start3A_218] : memref<2560x128xi32, #tpu.memory_space<hbm>> -> memref<16x128xi32, #tpu.memory_space<hbm>>
        %dma_start3A_220 = arith.constant 0 : i32
        %dma_start3A_221 = arith.constant 0 : i32
        %dma_start3A_222 = tpu.memref_slice %arg8[%select_n3A_138, %dma_start3A_220, %dma_start3A_221] : memref<2x16x128xi32, #tpu.memory_space<vmem>> -> memref<1x16x128xi32, #tpu.memory_space<vmem>>
        %dma_start3A_223 = tpu.memref_squeeze %dma_start3A_222 : memref<1x16x128xi32, #tpu.memory_space<vmem>> -> memref<16x128xi32, #tpu.memory_space<vmem>>
        %dma_start3A_224 = arith.constant 0 : i32
        %dma_start3A_225 = tpu.memref_slice %arg4[%add3A_201, %dma_start3A_224] : memref<2560x128xi32, #tpu.memory_space<hbm>> -> memref<16x128xi32, #tpu.memory_space<hbm>>
        tpu.enqueue_dma source(%dma_start3A_225 : memref<16x128xi32, #tpu.memory_space<hbm>>) target(%dma_start3A_223 : memref<16x128xi32, #tpu.memory_space<vmem>>) target_semaphore(%arg13 : memref<!tpu.dma_semaphore, #tpu.memory_space<semaphore_mem>>)
      } else {
      }
    }
    %while3A_96 = arith.constant 1 : i32
    scf.for %while3A_102 = %while3A_94 to %while3A_90 step %while3A_96  : i32 {
      %jit3A_103 = arith.constant 8 : i32
      %div3A = arith.divsi %while3A_102, %jit3A_103 : i32
      %sign3A = arith.constant 0 : i32
      %sign3A_104 = arith.cmpi sgt, %while3A_102, %sign3A : i32
      %sign3A_105 = arith.extui %sign3A_104 : i1 to i32
      %sign3A_106 = arith.constant 0 : i32
      %sign3A_107 = arith.cmpi slt, %while3A_102, %sign3A_106 : i32
      %sign3A_108 = arith.extui %sign3A_107 : i1 to i32
      %sign3A_109 = arith.subi %sign3A_105, %sign3A_108 : i32
      %sign3A_110 = arith.constant 0 : i32
      %sign3A_111 = arith.cmpi sgt, %jit3A_103, %sign3A_110 : i32
      %sign3A_112 = arith.extui %sign3A_111 : i1 to i32
      %sign3A_113 = arith.constant 0 : i32
      %sign3A_114 = arith.cmpi slt, %jit3A_103, %sign3A_113 : i32
      %sign3A_115 = arith.extui %sign3A_114 : i1 to i32
      %sign3A_116 = arith.subi %sign3A_112, %sign3A_115 : i32
      %ne3A = arith.cmpi ne, %sign3A_109, %sign3A_116 : i32
      %rem3A = arith.remsi %while3A_102, %jit3A_103 : i32
      %ne3A_117 = arith.constant 0 : i32
      %ne3A_118 = arith.cmpi ne, %rem3A, %ne3A_117 : i32
      %and3A = arith.andi %ne3A, %ne3A_118 : i1
      %sub3A = arith.constant 1 : i32
      %sub3A_119 = arith.subi %div3A, %sub3A : i32
      %select_n3A_120 = arith.select %and3A, %sub3A_119, %div3A : i32
      %mul3A_121 = arith.constant 8 : i32
      %mul3A_122 = arith.muli %select_n3A_120, %mul3A_121 : i32
      %sub3A_123 = arith.subi %while3A_102, %mul3A_122 : i32
      %jit3A_124 = arith.constant 2 : i32
      %eq3A_125 = arith.constant 0 : i32
      %eq3A_126 = arith.cmpi eq, %jit3A_124, %eq3A_125 : i32
      %jit3A_127 = arith.constant 1 : i32
      %select_n3A_128 = arith.select %eq3A_126, %jit3A_127, %jit3A_124 : i32
      %rem3A_129 = arith.remsi %select_n3A_120, %select_n3A_128 : i32
      %ne3A_130 = arith.constant 0 : i32
      %ne3A_131 = arith.cmpi ne, %rem3A_129, %ne3A_130 : i32
      %lt3A = arith.constant 0 : i32
      %lt3A_132 = arith.cmpi slt, %rem3A_129, %lt3A : i32
      %lt3A_133 = arith.constant 0 : i32
      %lt3A_134 = arith.cmpi slt, %select_n3A_128, %lt3A_133 : i32
      %ne3A_135 = arith.xori %lt3A_132, %lt3A_134 : i1
      %and3A_136 = arith.andi %ne3A_135, %ne3A_131 : i1
      %add3A_137 = arith.addi %rem3A_129, %select_n3A_128 : i32
      %select_n3A_138 = arith.select %and3A_136, %add3A_137, %rem3A_129 : i32
      %mul3A_139 = arith.constant 2 : i32
      %mul3A_140 = arith.muli %mul3A_139, %sub3A_123 : i32
      %add3A_141 = arith.constant 1 : i32
      %add3A_142 = arith.addi %mul3A_140, %add3A_141 : i32
      %dma_start3A_143 = arith.constant 128 : i32
      %dma_start3A_144 = arith.constant 0 : i32
      %dma_start3A_145 = tpu.memref_slice %arg9[%dma_start3A_143, %dma_start3A_144] : memref<256x128xf32, #tpu.memory_space<vmem>> -> memref<128x128xf32, #tpu.memory_space<vmem>>
      %dma_start3A_146 = arith.constant 0 : i32
      %dma_start3A_147 = tpu.memref_slice %arg7[%select_n3A_138, %add3A_142, %dma_start3A_146] : memref<2x16x128xi32, #tpu.memory_space<vmem>> -> memref<1x1x128xi32, #tpu.memory_space<vmem>>
      %dma_start3A_148 = tpu.memref_squeeze %dma_start3A_147 : memref<1x1x128xi32, #tpu.memory_space<vmem>> -> memref<128xi32, #tpu.memory_space<vmem>>
      %dma_start3A_149 = arith.constant 0 : i32
      %dma_start3A_150 = arith.constant 0 : i32
      %dma_start3A_151 = tpu.memref_slice %arg2[%dma_start3A_149, %dma_start3A_150] : memref<80000x128xf32, #tpu.memory_space<hbm>> -> memref<80000x128xf32, #tpu.memory_space<hbm>>
      tpu.enqueue_indirect_dma source(%dma_start3A_151 : memref<80000x128xf32, #tpu.memory_space<hbm>>) target(%dma_start3A_145 : memref<128x128xf32, #tpu.memory_space<vmem>>) offsets(%dma_start3A_148 : memref<128xi32, #tpu.memory_space<vmem>>) semaphore(%arg12 : memref<!tpu.dma_semaphore, #tpu.memory_space<semaphore_mem>>)
      %dma_wait3A_152 = arith.constant 0 : i32
      %dma_wait3A_153 = arith.constant 0 : i32
      %dma_wait3A_154 = arith.constant 0 : i32
      %dma_wait3A_155 = arith.constant 0 : i32
      %dma_wait3A_156 = tpu.memref_slice %arg9[%dma_wait3A_154, %dma_wait3A_155] : memref<256x128xf32, #tpu.memory_space<vmem>> -> memref<128x128xf32, #tpu.memory_space<vmem>>
      %dma_wait3A_157 = arith.constant 0 : i32
      %dma_wait3A_158 = tpu.memref_slice %arg7[%dma_wait3A_152, %dma_wait3A_153, %dma_wait3A_157] : memref<2x16x128xi32, #tpu.memory_space<vmem>> -> memref<1x1x128xi32, #tpu.memory_space<vmem>>
      %dma_wait3A_159 = tpu.memref_squeeze %dma_wait3A_158 : memref<1x1x128xi32, #tpu.memory_space<vmem>> -> memref<128xi32, #tpu.memory_space<vmem>>
      %dma_wait3A_160 = arith.constant 0 : i32
      %dma_wait3A_161 = arith.constant 0 : i32
      %dma_wait3A_162 = tpu.memref_slice %arg2[%dma_wait3A_160, %dma_wait3A_161] : memref<80000x128xf32, #tpu.memory_space<hbm>> -> memref<80000x128xf32, #tpu.memory_space<hbm>>
      tpu.wait_indirect_dma semaphore(%arg11 : memref<!tpu.dma_semaphore, #tpu.memory_space<semaphore_mem>>) src(%dma_wait3A_162 : memref<80000x128xf32, #tpu.memory_space<hbm>>) dst(%dma_wait3A_156 : memref<128x128xf32, #tpu.memory_space<vmem>>)
      "tpu.region"() ({
        %run_scoped3A = tpu.sem_alloc : memref<!tpu.dma_semaphore, #tpu.memory_space<semaphore_mem>>
        %dma_start3A_197 = arith.constant 0 : i32
        %dma_start3A_198 = arith.constant 0 : i32
        %dma_start3A_199 = tpu.memref_slice %arg9[%dma_start3A_197, %dma_start3A_198] : memref<256x128xf32, #tpu.memory_space<vmem>> -> memref<128x128xf32, #tpu.memory_space<vmem>>
        %dma_start3A_200 = arith.constant 0 : i32
        %dma_start3A_201 = tpu.memref_slice %arg8[%select_n3A_138, %mul3A_140, %dma_start3A_200] : memref<2x16x128xi32, #tpu.memory_space<vmem>> -> memref<1x1x128xi32, #tpu.memory_space<vmem>>
        %dma_start3A_202 = tpu.memref_squeeze %dma_start3A_201 : memref<1x1x128xi32, #tpu.memory_space<vmem>> -> memref<128xi32, #tpu.memory_space<vmem>>
        %dma_start3A_203 = arith.constant 0 : i32
        %dma_start3A_204 = arith.constant 0 : i32
        %dma_start3A_205 = tpu.memref_slice %arg10[%dma_start3A_203, %dma_start3A_204] : memref<10240x128xf32, #tpu.memory_space<vmem_shared>> -> memref<10240x128xf32, #tpu.memory_space<vmem_shared>>
        tpu.enqueue_indirect_dma source(%dma_start3A_199 : memref<128x128xf32, #tpu.memory_space<vmem>>) target(%dma_start3A_205 : memref<10240x128xf32, #tpu.memory_space<vmem_shared>>) offsets(%dma_start3A_202 : memref<128xi32, #tpu.memory_space<vmem>>) semaphore(%run_scoped3A : memref<!tpu.dma_semaphore, #tpu.memory_space<semaphore_mem>>) {add = true}
        %dma_wait3A_206 = arith.constant 0 : i32
        %dma_wait3A_207 = arith.constant 0 : i32
        %dma_wait3A_208 = tpu.memref_slice %arg9[%dma_wait3A_206, %dma_wait3A_207] : memref<256x128xf32, #tpu.memory_space<vmem>> -> memref<128x128xf32, #tpu.memory_space<vmem>>
        %dma_wait3A_209 = arith.constant 0 : i32
        %dma_wait3A_210 = tpu.memref_slice %arg8[%select_n3A_138, %mul3A_140, %dma_wait3A_209] : memref<2x16x128xi32, #tpu.memory_space<vmem>> -> memref<1x1x128xi32, #tpu.memory_space<vmem>>
        %dma_wait3A_211 = tpu.memref_squeeze %dma_wait3A_210 : memref<1x1x128xi32, #tpu.memory_space<vmem>> -> memref<128xi32, #tpu.memory_space<vmem>>
        %dma_wait3A_212 = arith.constant 0 : i32
        %dma_wait3A_213 = arith.constant 0 : i32
        %dma_wait3A_214 = tpu.memref_slice %arg10[%dma_wait3A_212, %dma_wait3A_213] : memref<10240x128xf32, #tpu.memory_space<vmem_shared>> -> memref<10240x128xf32, #tpu.memory_space<vmem_shared>>
        tpu.wait_indirect_dma semaphore(%run_scoped3A : memref<!tpu.dma_semaphore, #tpu.memory_space<semaphore_mem>>) src(%dma_wait3A_208 : memref<128x128xf32, #tpu.memory_space<vmem>>) dst(%dma_wait3A_214 : memref<10240x128xf32, #tpu.memory_space<vmem_shared>>)
        tpu.yield
      }) : () -> ()
      %lt3A_163 = arith.constant 7 : i32
      %lt3A_164 = arith.cmpi slt, %sub3A_123, %lt3A_163 : i32
      %convert_element_type3A_165 = arith.extui %lt3A_164 : i1 to i32
      %cond3A_166 = arith.constant 0 : i32
      %cond3A_167 = arith.cmpi ne, %convert_element_type3A_165, %cond3A_166 : i32
      scf.if %cond3A_167 {
        %add3A_197 = arith.constant 2 : i32
        %add3A_198 = arith.addi %mul3A_140, %add3A_197 : i32
        %dma_start3A_199 = arith.constant 0 : i32
        %dma_start3A_200 = arith.constant 0 : i32
        %dma_start3A_201 = tpu.memref_slice %arg9[%dma_start3A_199, %dma_start3A_200] : memref<256x128xf32, #tpu.memory_space<vmem>> -> memref<128x128xf32, #tpu.memory_space<vmem>>
        %dma_start3A_202 = arith.constant 0 : i32
        %dma_start3A_203 = tpu.memref_slice %arg7[%select_n3A_138, %add3A_198, %dma_start3A_202] : memref<2x16x128xi32, #tpu.memory_space<vmem>> -> memref<1x1x128xi32, #tpu.memory_space<vmem>>
        %dma_start3A_204 = tpu.memref_squeeze %dma_start3A_203 : memref<1x1x128xi32, #tpu.memory_space<vmem>> -> memref<128xi32, #tpu.memory_space<vmem>>
        %dma_start3A_205 = arith.constant 0 : i32
        %dma_start3A_206 = arith.constant 0 : i32
        %dma_start3A_207 = tpu.memref_slice %arg2[%dma_start3A_205, %dma_start3A_206] : memref<80000x128xf32, #tpu.memory_space<hbm>> -> memref<80000x128xf32, #tpu.memory_space<hbm>>
        tpu.enqueue_indirect_dma source(%dma_start3A_207 : memref<80000x128xf32, #tpu.memory_space<hbm>>) target(%dma_start3A_201 : memref<128x128xf32, #tpu.memory_space<vmem>>) offsets(%dma_start3A_204 : memref<128xi32, #tpu.memory_space<vmem>>) semaphore(%arg11 : memref<!tpu.dma_semaphore, #tpu.memory_space<semaphore_mem>>)
      } else {
      }
      %eq3A_168 = arith.constant 7 : i32
      %eq3A_169 = arith.cmpi eq, %sub3A_123, %eq3A_168 : i32
      %add3A_170 = arith.constant 1 : i32
      %add3A_171 = arith.addi %select_n3A_120, %add3A_170 : i32
      %lt3A_172 = arith.cmpi slt, %add3A_171, %select_n3A_11 : i32
      %and3A_173 = arith.andi %eq3A_169, %lt3A_172 : i1
      %convert_element_type3A_174 = arith.extui %and3A_173 : i1 to i32
      %cond3A_175 = arith.constant 0 : i32
      %cond3A_176 = arith.cmpi ne, %convert_element_type3A_174, %cond3A_175 : i32
      scf.if %cond3A_176 {
        %sub3A_197 = arith.constant 1 : i32
        %sub3A_198 = arith.subi %sub3A_197, %select_n3A_138 : i32
        %dma_wait3A_199 = arith.constant 0 : i32
        %dma_wait3A_200 = arith.constant 0 : i32
        %dma_wait3A_201 = tpu.memref_slice %arg7[%sub3A_198, %dma_wait3A_199, %dma_wait3A_200] : memref<2x16x128xi32, #tpu.memory_space<vmem>> -> memref<1x16x128xi32, #tpu.memory_space<vmem>>
        %dma_wait3A_202 = tpu.memref_squeeze %dma_wait3A_201 : memref<1x16x128xi32, #tpu.memory_space<vmem>> -> memref<16x128xi32, #tpu.memory_space<vmem>>
        %dma_wait3A_203 = arith.constant 0 : i32
        %dma_wait3A_204 = arith.constant 0 : i32
        %dma_wait3A_205 = tpu.memref_slice %arg3[%dma_wait3A_203, %dma_wait3A_204] : memref<2560x128xi32, #tpu.memory_space<hbm>> -> memref<16x128xi32, #tpu.memory_space<hbm>>
        %dma_wait3A_206 = arith.constant 0 : i32
        %dma_wait3A_207 = arith.constant 0 : i32
        %dma_wait3A_208 = tpu.memref_slice %arg7[%sub3A_198, %dma_wait3A_206, %dma_wait3A_207] : memref<2x16x128xi32, #tpu.memory_space<vmem>> -> memref<1x16x128xi32, #tpu.memory_space<vmem>>
        %dma_wait3A_209 = tpu.memref_squeeze %dma_wait3A_208 : memref<1x16x128xi32, #tpu.memory_space<vmem>> -> memref<16x128xi32, #tpu.memory_space<vmem>>
        %dma_wait3A_210 = arith.constant 0 : i32
        %dma_wait3A_211 = arith.constant 0 : i32
        %dma_wait3A_212 = tpu.memref_slice %arg3[%dma_wait3A_210, %dma_wait3A_211] : memref<2560x128xi32, #tpu.memory_space<hbm>> -> memref<16x128xi32, #tpu.memory_space<hbm>>
        tpu.wait_dma2 semaphore(%arg13 : memref<!tpu.dma_semaphore, #tpu.memory_space<semaphore_mem>>) src(%dma_wait3A_212 : memref<16x128xi32, #tpu.memory_space<hbm>>) dst(%dma_wait3A_209 : memref<16x128xi32, #tpu.memory_space<vmem>>)
        %dma_wait3A_213 = arith.constant 0 : i32
        %dma_wait3A_214 = arith.constant 0 : i32
        %dma_wait3A_215 = tpu.memref_slice %arg8[%sub3A_198, %dma_wait3A_213, %dma_wait3A_214] : memref<2x16x128xi32, #tpu.memory_space<vmem>> -> memref<1x16x128xi32, #tpu.memory_space<vmem>>
        %dma_wait3A_216 = tpu.memref_squeeze %dma_wait3A_215 : memref<1x16x128xi32, #tpu.memory_space<vmem>> -> memref<16x128xi32, #tpu.memory_space<vmem>>
        %dma_wait3A_217 = arith.constant 0 : i32
        %dma_wait3A_218 = arith.constant 0 : i32
        %dma_wait3A_219 = tpu.memref_slice %arg4[%dma_wait3A_217, %dma_wait3A_218] : memref<2560x128xi32, #tpu.memory_space<hbm>> -> memref<16x128xi32, #tpu.memory_space<hbm>>
        %dma_wait3A_220 = arith.constant 0 : i32
        %dma_wait3A_221 = arith.constant 0 : i32
        %dma_wait3A_222 = tpu.memref_slice %arg8[%sub3A_198, %dma_wait3A_220, %dma_wait3A_221] : memref<2x16x128xi32, #tpu.memory_space<vmem>> -> memref<1x16x128xi32, #tpu.memory_space<vmem>>
        %dma_wait3A_223 = tpu.memref_squeeze %dma_wait3A_222 : memref<1x16x128xi32, #tpu.memory_space<vmem>> -> memref<16x128xi32, #tpu.memory_space<vmem>>
        %dma_wait3A_224 = arith.constant 0 : i32
        %dma_wait3A_225 = arith.constant 0 : i32
        %dma_wait3A_226 = tpu.memref_slice %arg4[%dma_wait3A_224, %dma_wait3A_225] : memref<2560x128xi32, #tpu.memory_space<hbm>> -> memref<16x128xi32, #tpu.memory_space<hbm>>
        tpu.wait_dma2 semaphore(%arg13 : memref<!tpu.dma_semaphore, #tpu.memory_space<semaphore_mem>>) src(%dma_wait3A_226 : memref<16x128xi32, #tpu.memory_space<hbm>>) dst(%dma_wait3A_223 : memref<16x128xi32, #tpu.memory_space<vmem>>)
        %sub3A_227 = arith.constant 1 : i32
        %sub3A_228 = arith.subi %sub3A_227, %select_n3A_138 : i32
        %dma_start3A_229 = arith.constant 0 : i32
        %dma_start3A_230 = arith.constant 0 : i32
        %dma_start3A_231 = arith.constant 0 : i32
        %dma_start3A_232 = tpu.memref_slice %arg9[%dma_start3A_230, %dma_start3A_231] : memref<256x128xf32, #tpu.memory_space<vmem>> -> memref<128x128xf32, #tpu.memory_space<vmem>>
        %dma_start3A_233 = arith.constant 0 : i32
        %dma_start3A_234 = tpu.memref_slice %arg7[%sub3A_228, %dma_start3A_229, %dma_start3A_233] : memref<2x16x128xi32, #tpu.memory_space<vmem>> -> memref<1x1x128xi32, #tpu.memory_space<vmem>>
        %dma_start3A_235 = tpu.memref_squeeze %dma_start3A_234 : memref<1x1x128xi32, #tpu.memory_space<vmem>> -> memref<128xi32, #tpu.memory_space<vmem>>
        %dma_start3A_236 = arith.constant 0 : i32
        %dma_start3A_237 = arith.constant 0 : i32
        %dma_start3A_238 = tpu.memref_slice %arg2[%dma_start3A_236, %dma_start3A_237] : memref<80000x128xf32, #tpu.memory_space<hbm>> -> memref<80000x128xf32, #tpu.memory_space<hbm>>
        tpu.enqueue_indirect_dma source(%dma_start3A_238 : memref<80000x128xf32, #tpu.memory_space<hbm>>) target(%dma_start3A_232 : memref<128x128xf32, #tpu.memory_space<vmem>>) offsets(%dma_start3A_235 : memref<128xi32, #tpu.memory_space<vmem>>) semaphore(%arg11 : memref<!tpu.dma_semaphore, #tpu.memory_space<semaphore_mem>>)
      } else {
      }
      %dma_wait3A_177 = arith.constant 128 : i32
      %dma_wait3A_178 = arith.constant 0 : i32
      %dma_wait3A_179 = tpu.memref_slice %arg9[%dma_wait3A_177, %dma_wait3A_178] : memref<256x128xf32, #tpu.memory_space<vmem>> -> memref<128x128xf32, #tpu.memory_space<vmem>>
      %dma_wait3A_180 = arith.constant 0 : i32
      %dma_wait3A_181 = tpu.memref_slice %arg7[%select_n3A_138, %add3A_142, %dma_wait3A_180] : memref<2x16x128xi32, #tpu.memory_space<vmem>> -> memref<1x1x128xi32, #tpu.memory_space<vmem>>
      %dma_wait3A_182 = tpu.memref_squeeze %dma_wait3A_181 : memref<1x1x128xi32, #tpu.memory_space<vmem>> -> memref<128xi32, #tpu.memory_space<vmem>>
      %dma_wait3A_183 = arith.constant 0 : i32
      %dma_wait3A_184 = arith.constant 0 : i32
      %dma_wait3A_185 = tpu.memref_slice %arg2[%dma_wait3A_183, %dma_wait3A_184] : memref<80000x128xf32, #tpu.memory_space<hbm>> -> memref<80000x128xf32, #tpu.memory_space<hbm>>
      tpu.wait_indirect_dma semaphore(%arg12 : memref<!tpu.dma_semaphore, #tpu.memory_space<semaphore_mem>>) src(%dma_wait3A_185 : memref<80000x128xf32, #tpu.memory_space<hbm>>) dst(%dma_wait3A_179 : memref<128x128xf32, #tpu.memory_space<vmem>>)
      %add3A_186 = arith.constant 1 : i32
      %add3A_187 = arith.addi %mul3A_140, %add3A_186 : i32
      "tpu.region"() ({
        %run_scoped3A = tpu.sem_alloc : memref<!tpu.dma_semaphore, #tpu.memory_space<semaphore_mem>>
        %dma_start3A_197 = arith.constant 128 : i32
        %dma_start3A_198 = arith.constant 0 : i32
        %dma_start3A_199 = tpu.memref_slice %arg9[%dma_start3A_197, %dma_start3A_198] : memref<256x128xf32, #tpu.memory_space<vmem>> -> memref<128x128xf32, #tpu.memory_space<vmem>>
        %dma_start3A_200 = arith.constant 0 : i32
        %dma_start3A_201 = tpu.memref_slice %arg8[%select_n3A_138, %add3A_187, %dma_start3A_200] : memref<2x16x128xi32, #tpu.memory_space<vmem>> -> memref<1x1x128xi32, #tpu.memory_space<vmem>>
        %dma_start3A_202 = tpu.memref_squeeze %dma_start3A_201 : memref<1x1x128xi32, #tpu.memory_space<vmem>> -> memref<128xi32, #tpu.memory_space<vmem>>
        %dma_start3A_203 = arith.constant 0 : i32
        %dma_start3A_204 = arith.constant 0 : i32
        %dma_start3A_205 = tpu.memref_slice %arg10[%dma_start3A_203, %dma_start3A_204] : memref<10240x128xf32, #tpu.memory_space<vmem_shared>> -> memref<10240x128xf32, #tpu.memory_space<vmem_shared>>
        tpu.enqueue_indirect_dma source(%dma_start3A_199 : memref<128x128xf32, #tpu.memory_space<vmem>>) target(%dma_start3A_205 : memref<10240x128xf32, #tpu.memory_space<vmem_shared>>) offsets(%dma_start3A_202 : memref<128xi32, #tpu.memory_space<vmem>>) semaphore(%run_scoped3A : memref<!tpu.dma_semaphore, #tpu.memory_space<semaphore_mem>>) {add = true}
        %dma_wait3A_206 = arith.constant 128 : i32
        %dma_wait3A_207 = arith.constant 0 : i32
        %dma_wait3A_208 = tpu.memref_slice %arg9[%dma_wait3A_206, %dma_wait3A_207] : memref<256x128xf32, #tpu.memory_space<vmem>> -> memref<128x128xf32, #tpu.memory_space<vmem>>
        %dma_wait3A_209 = arith.constant 0 : i32
        %dma_wait3A_210 = tpu.memref_slice %arg8[%select_n3A_138, %add3A_187, %dma_wait3A_209] : memref<2x16x128xi32, #tpu.memory_space<vmem>> -> memref<1x1x128xi32, #tpu.memory_space<vmem>>
        %dma_wait3A_211 = tpu.memref_squeeze %dma_wait3A_210 : memref<1x1x128xi32, #tpu.memory_space<vmem>> -> memref<128xi32, #tpu.memory_space<vmem>>
        %dma_wait3A_212 = arith.constant 0 : i32
        %dma_wait3A_213 = arith.constant 0 : i32
        %dma_wait3A_214 = tpu.memref_slice %arg10[%dma_wait3A_212, %dma_wait3A_213] : memref<10240x128xf32, #tpu.memory_space<vmem_shared>> -> memref<10240x128xf32, #tpu.memory_space<vmem_shared>>
        tpu.wait_indirect_dma semaphore(%run_scoped3A : memref<!tpu.dma_semaphore, #tpu.memory_space<semaphore_mem>>) src(%dma_wait3A_208 : memref<128x128xf32, #tpu.memory_space<vmem>>) dst(%dma_wait3A_214 : memref<10240x128xf32, #tpu.memory_space<vmem_shared>>)
        tpu.yield
      }) : () -> ()
      %eq3A_188 = arith.constant 7 : i32
      %eq3A_189 = arith.cmpi eq, %sub3A_123, %eq3A_188 : i32
      %add3A_190 = arith.constant 2 : i32
      %add3A_191 = arith.addi %select_n3A_120, %add3A_190 : i32
      %lt3A_192 = arith.cmpi slt, %add3A_191, %select_n3A_11 : i32
      %and3A_193 = arith.andi %eq3A_189, %lt3A_192 : i1
      %convert_element_type3A_194 = arith.extui %and3A_193 : i1 to i32
      %cond3A_195 = arith.constant 0 : i32
      %cond3A_196 = arith.cmpi ne, %convert_element_type3A_194, %cond3A_195 : i32
      scf.if %cond3A_196 {
        %add3A_197 = arith.constant 2 : i32
        %add3A_198 = arith.addi %select_n3A_120, %add3A_197 : i32
        %mul3A_199 = arith.constant 16 : i32
        %mul3A_200 = arith.muli %add3A_198, %mul3A_199 : i32
        %add3A_201 = arith.addi %mul3A_13, %mul3A_200 : i32
        %dma_start3A_202 = arith.constant 0 : i32
        %dma_start3A_203 = arith.constant 0 : i32
        %dma_start3A_204 = tpu.memref_slice %arg7[%select_n3A_138, %dma_start3A_202, %dma_start3A_203] : memref<2x16x128xi32, #tpu.memory_space<vmem>> -> memref<1x16x128xi32, #tpu.memory_space<vmem>>
        %dma_start3A_205 = tpu.memref_squeeze %dma_start3A_204 : memref<1x16x128xi32, #tpu.memory_space<vmem>> -> memref<16x128xi32, #tpu.memory_space<vmem>>
        %dma_start3A_206 = arith.constant 0 : i32
        %dma_start3A_207 = tpu.memref_slice %arg3[%add3A_201, %dma_start3A_206] : memref<2560x128xi32, #tpu.memory_space<hbm>> -> memref<16x128xi32, #tpu.memory_space<hbm>>
        %dma_start3A_208 = arith.constant 0 : i32
        %dma_start3A_209 = arith.constant 0 : i32
        %dma_start3A_210 = tpu.memref_slice %arg7[%select_n3A_138, %dma_start3A_208, %dma_start3A_209] : memref<2x16x128xi32, #tpu.memory_space<vmem>> -> memref<1x16x128xi32, #tpu.memory_space<vmem>>
        %dma_start3A_211 = tpu.memref_squeeze %dma_start3A_210 : memref<1x16x128xi32, #tpu.memory_space<vmem>> -> memref<16x128xi32, #tpu.memory_space<vmem>>
        %dma_start3A_212 = arith.constant 0 : i32
        %dma_start3A_213 = tpu.memref_slice %arg3[%add3A_201, %dma_start3A_212] : memref<2560x128xi32, #tpu.memory_space<hbm>> -> memref<16x128xi32, #tpu.memory_space<hbm>>
        tpu.enqueue_dma source(%dma_start3A_213 : memref<16x128xi32, #tpu.memory_space<hbm>>) target(%dma_start3A_211 : memref<16x128xi32, #tpu.memory_space<vmem>>) target_semaphore(%arg13 : memref<!tpu.dma_semaphore, #tpu.memory_space<semaphore_mem>>)
        %dma_start3A_214 = arith.constant 0 : i32
        %dma_start3A_215 = arith.constant 0 : i32
        %dma_start3A_216 = tpu.memref_slice %arg8[%select_n3A_138, %dma_start3A_214, %dma_start3A_215] : memref<2x16x128xi32, #tpu.memory_space<vmem>> -> memref<1x16x128xi32, #tpu.memory_space<vmem>>
        %dma_start3A_217 = tpu.memref_squeeze %dma_start3A_216 : memref<1x16x128xi32, #tpu.memory_space<vmem>> -> memref<16x128xi32, #tpu.memory_space<vmem>>
        %dma_start3A_218 = arith.constant 0 : i32
        %dma_start3A_219 = tpu.memref_slice %arg4[%add3A_201, %dma_start3A_218] : memref<2560x128xi32, #tpu.memory_space<hbm>> -> memref<16x128xi32, #tpu.memory_space<hbm>>
        %dma_start3A_220 = arith.constant 0 : i32
        %dma_start3A_221 = arith.constant 0 : i32
        %dma_start3A_222 = tpu.memref_slice %arg8[%select_n3A_138, %dma_start3A_220, %dma_start3A_221] : memref<2x16x128xi32, #tpu.memory_space<vmem>> -> memref<1x16x128xi32, #tpu.memory_space<vmem>>
        %dma_start3A_223 = tpu.memref_squeeze %dma_start3A_222 : memref<1x16x128xi32, #tpu.memory_space<vmem>> -> memref<16x128xi32, #tpu.memory_space<vmem>>
        %dma_start3A_224 = arith.constant 0 : i32
        %dma_start3A_225 = tpu.memref_slice %arg4[%add3A_201, %dma_start3A_224] : memref<2560x128xi32, #tpu.memory_space<hbm>> -> memref<16x128xi32, #tpu.memory_space<hbm>>
        tpu.enqueue_dma source(%dma_start3A_225 : memref<16x128xi32, #tpu.memory_space<hbm>>) target(%dma_start3A_223 : memref<16x128xi32, #tpu.memory_space<vmem>>) target_semaphore(%arg13 : memref<!tpu.dma_semaphore, #tpu.memory_space<semaphore_mem>>)
      } else {
      }
    }
    %barrier3A_97 = arith.constant 0 : index
    tpu.barrier barrier_id(%barrier3A_97)
    %mul3A_98 = arith.constant 640 : i32
    %mul3A_99 = arith.muli %arg1, %mul3A_98 : i32
    %mul3A_100 = arith.constant 640 : i32
    %mul3A_101 = arith.muli %arg1, %mul3A_100 : i32
    "tpu.region"() ({
      %run_scoped3A = tpu.sem_alloc : memref<!tpu.dma_semaphore, #tpu.memory_space<semaphore_mem>>
      %dma_start3A_102 = arith.constant 0 : i32
      %dma_start3A_103 = arith.constant 0 : i32
      %dma_start3A_104 = tpu.memref_slice %arg6[%arg0, %dma_start3A_102, %dma_start3A_103] : memref<2x10240x128xf32, #tpu.memory_space<hbm>> -> memref<1x10240x128xf32, #tpu.memory_space<hbm>>
      %dma_start3A_105 = tpu.memref_squeeze %dma_start3A_104 : memref<1x10240x128xf32, #tpu.memory_space<hbm>> -> memref<10240x128xf32, #tpu.memory_space<hbm>>
      %dma_start3A_106 = arith.constant 0 : i32
      %dma_start3A_107 = tpu.memref_slice %dma_start3A_105[%mul3A_101, %dma_start3A_106] : memref<10240x128xf32, #tpu.memory_space<hbm>> -> memref<640x128xf32, #tpu.memory_space<hbm>>
      %dma_start3A_108 = arith.constant 0 : i32
      %dma_start3A_109 = tpu.memref_slice %arg10[%mul3A_99, %dma_start3A_108] : memref<10240x128xf32, #tpu.memory_space<vmem_shared>> -> memref<640x128xf32, #tpu.memory_space<vmem_shared>>
      tpu.enqueue_dma source(%dma_start3A_109 : memref<640x128xf32, #tpu.memory_space<vmem_shared>>) target(%dma_start3A_107 : memref<640x128xf32, #tpu.memory_space<hbm>>) target_semaphore(%run_scoped3A : memref<!tpu.dma_semaphore, #tpu.memory_space<semaphore_mem>>)
      %dma_wait3A_110 = arith.constant 0 : i32
      %dma_wait3A_111 = arith.constant 0 : i32
      %dma_wait3A_112 = tpu.memref_slice %arg6[%arg0, %dma_wait3A_110, %dma_wait3A_111] : memref<2x10240x128xf32, #tpu.memory_space<hbm>> -> memref<1x10240x128xf32, #tpu.memory_space<hbm>>
      %dma_wait3A_113 = tpu.memref_squeeze %dma_wait3A_112 : memref<1x10240x128xf32, #tpu.memory_space<hbm>> -> memref<10240x128xf32, #tpu.memory_space<hbm>>
      %dma_wait3A_114 = arith.constant 0 : i32
      %dma_wait3A_115 = tpu.memref_slice %dma_wait3A_113[%mul3A_101, %dma_wait3A_114] : memref<10240x128xf32, #tpu.memory_space<hbm>> -> memref<640x128xf32, #tpu.memory_space<hbm>>
      %dma_wait3A_116 = arith.constant 0 : i32
      %dma_wait3A_117 = tpu.memref_slice %arg10[%mul3A_99, %dma_wait3A_116] : memref<10240x128xf32, #tpu.memory_space<vmem_shared>> -> memref<640x128xf32, #tpu.memory_space<vmem_shared>>
      tpu.wait_dma2 semaphore(%run_scoped3A : memref<!tpu.dma_semaphore, #tpu.memory_space<semaphore_mem>>) src(%dma_wait3A_117 : memref<640x128xf32, #tpu.memory_space<vmem_shared>>) dst(%dma_wait3A_115 : memref<640x128xf32, #tpu.memory_space<hbm>>)
      tpu.yield
    }) : () -> ()
    return
  }
}

module attributes {stable_mosaic.version = 14 : i64} {
  func.func @_idx_prep_body(%arg0: memref<2x2500x128xi32, #tpu.memory_space<vmem>>, %arg1: memref<2500x128xi32, #tpu.memory_space<vmem>>, %arg2: memref<2560x128xi32, #tpu.memory_space<vmem>>, %arg3: memref<2560x128xi32, #tpu.memory_space<vmem>>) attributes {dimension_semantics = [], scalar_prefetch = 0 : i64, scratch_operands = 0 : i64, tpu.core_type = #tpu.core_type<tc>} {
    %get3A = arith.constant 0 : index
    %get3A_0 = arith.constant 0 : index
    %get3A_1 = arith.constant 0 : index
    %get3A_2 = vector.load %arg0[%get3A, %get3A_0, %get3A_1] : memref<2x2500x128xi32, #tpu.memory_space<vmem>>, vector<2x2500x128xi32>
    %get3A_3 = arith.constant 0 : index
    %get3A_4 = arith.constant 0 : index
    %get3A_5 = vector.load %arg1[%get3A_3, %get3A_4] : memref<2500x128xi32, #tpu.memory_space<vmem>>, vector<2500x128xi32>
    %slice3A = vector.extract_strided_slice %get3A_2 {offsets = [0, 0, 0], sizes = [1, 2500, 128], strides = [1, 1, 1]} : vector<2x2500x128xi32> to vector<1x2500x128xi32>
    %squeeze3A = vector.shape_cast %slice3A : vector<1x2500x128xi32> to vector<2500x128xi32>
    %mul3A = arith.constant 8 : i32
    %mul3A_6 = vector.broadcast %mul3A : i32 to vector<2500x128xi32>
    %mul3A_7 = arith.muli %squeeze3A, %mul3A_6 : vector<2500x128xi32>
    %add3A = arith.addi %mul3A_7, %get3A_5 : vector<2500x128xi32>
    %slice3A_8 = vector.extract_strided_slice %get3A_2 {offsets = [1, 0, 0], sizes = [1, 2500, 128], strides = [1, 1, 1]} : vector<2x2500x128xi32> to vector<1x2500x128xi32>
    %squeeze3A_9 = vector.shape_cast %slice3A_8 : vector<1x2500x128xi32> to vector<2500x128xi32>
    %iota3A = tpu.iota {dimensions = array<i32: 0>} : vector<60x128xi32>
    %iota3A_10 = tpu.iota {dimensions = array<i32: 1>} : vector<60x128xi32>
    %mul3A_11 = arith.constant 128 : i32
    %mul3A_12 = vector.broadcast %mul3A_11 : i32 to vector<60x128xi32>
    %mul3A_13 = arith.muli %iota3A, %mul3A_12 : vector<60x128xi32>
    %add3A_14 = arith.addi %mul3A_13, %iota3A_10 : vector<60x128xi32>
    %mul3A_15 = arith.constant 41 : i32
    %mul3A_16 = vector.broadcast %mul3A_15 : i32 to vector<60x128xi32>
    %mul3A_17 = arith.muli %add3A_14, %mul3A_16 : vector<60x128xi32>
    %jit3A = arith.constant 80000 : i32
    %eq3A = arith.constant 0 : i32
    %eq3A_18 = arith.cmpi eq, %jit3A, %eq3A : i32
    %jit3A_19 = arith.constant 1 : i32
    %select_n3A = arith.select %eq3A_18, %jit3A_19, %jit3A : i32
    %rem3A = vector.broadcast %select_n3A : i32 to vector<60x128xi32>
    %rem3A_20 = arith.remsi %mul3A_17, %rem3A : vector<60x128xi32>
    %ne3A = arith.constant 0 : i32
    %ne3A_21 = vector.broadcast %ne3A : i32 to vector<60x128xi32>
    %ne3A_22 = arith.cmpi ne, %rem3A_20, %ne3A_21 : vector<60x128xi32>
    %lt3A = arith.constant 0 : i32
    %lt3A_23 = vector.broadcast %lt3A : i32 to vector<60x128xi32>
    %lt3A_24 = arith.cmpi slt, %rem3A_20, %lt3A_23 : vector<60x128xi32>
    %lt3A_25 = arith.constant 0 : i32
    %lt3A_26 = arith.cmpi slt, %select_n3A, %lt3A_25 : i32
    %ne3A_27 = vector.broadcast %lt3A_26 : i1 to vector<60x128xi1>
    %ne3A_28 = vector.broadcast %ne3A_27 : vector<60x128xi1> to vector<60x128xi1>
    %ne3A_29 = arith.xori %lt3A_24, %ne3A_28 : vector<60x128xi1>
    %and3A = arith.andi %ne3A_29, %ne3A_22 : vector<60x128xi1>
    %add3A_30 = vector.broadcast %select_n3A : i32 to vector<60x128xi32>
    %add3A_31 = arith.addi %rem3A_20, %add3A_30 : vector<60x128xi32>
    %select_n3A_32 = arith.select %and3A, %add3A_31, %rem3A_20 : vector<60x128xi1>, vector<60x128xi32>
    %concatenate3A = tpu.concatenate %add3A, %select_n3A_32 in 0 : vector<2500x128xi32>, vector<60x128xi32> -> vector<2560x128xi32>
    %swap3A = arith.constant 0 : index
    %swap3A_33 = arith.constant 0 : index
    %swap3A_34 = vector.load %arg2[%swap3A, %swap3A_33] : memref<2560x128xi32, #tpu.memory_space<vmem>>, vector<2560x128xi32>
    tpu.vector_store %arg2[%swap3A, %swap3A_33], %concatenate3A {strides = array<i32>} : memref<2560x128xi32, #tpu.memory_space<vmem>>, vector<2560x128xi32>,
    %jit3A_35 = arith.constant 240 : i32
    %eq3A_36 = arith.constant 0 : i32
    %eq3A_37 = arith.cmpi eq, %jit3A_35, %eq3A_36 : i32
    %jit3A_38 = arith.constant 1 : i32
    %select_n3A_39 = arith.select %eq3A_37, %jit3A_38, %jit3A_35 : i32
    %rem3A_40 = vector.broadcast %select_n3A_39 : i32 to vector<60x128xi32>
    %rem3A_41 = arith.remsi %add3A_14, %rem3A_40 : vector<60x128xi32>
    %ne3A_42 = arith.constant 0 : i32
    %ne3A_43 = vector.broadcast %ne3A_42 : i32 to vector<60x128xi32>
    %ne3A_44 = arith.cmpi ne, %rem3A_41, %ne3A_43 : vector<60x128xi32>
    %lt3A_45 = arith.constant 0 : i32
    %lt3A_46 = vector.broadcast %lt3A_45 : i32 to vector<60x128xi32>
    %lt3A_47 = arith.cmpi slt, %rem3A_41, %lt3A_46 : vector<60x128xi32>
    %lt3A_48 = arith.constant 0 : i32
    %lt3A_49 = arith.cmpi slt, %select_n3A_39, %lt3A_48 : i32
    %ne3A_50 = vector.broadcast %lt3A_49 : i1 to vector<60x128xi1>
    %ne3A_51 = vector.broadcast %ne3A_50 : vector<60x128xi1> to vector<60x128xi1>
    %ne3A_52 = arith.xori %lt3A_47, %ne3A_51 : vector<60x128xi1>
    %and3A_53 = arith.andi %ne3A_52, %ne3A_44 : vector<60x128xi1>
    %add3A_54 = vector.broadcast %select_n3A_39 : i32 to vector<60x128xi32>
    %add3A_55 = arith.addi %rem3A_41, %add3A_54 : vector<60x128xi32>
    %select_n3A_56 = arith.select %and3A_53, %add3A_55, %rem3A_41 : vector<60x128xi1>, vector<60x128xi32>
    %add3A_57 = arith.constant 10000 : i32
    %add3A_58 = vector.broadcast %add3A_57 : i32 to vector<60x128xi32>
    %add3A_59 = arith.addi %add3A_58, %select_n3A_56 : vector<60x128xi32>
    %concatenate3A_60 = tpu.concatenate %squeeze3A_9, %add3A_59 in 0 : vector<2500x128xi32>, vector<60x128xi32> -> vector<2560x128xi32>
    %swap3A_61 = arith.constant 0 : index
    %swap3A_62 = arith.constant 0 : index
    %swap3A_63 = vector.load %arg3[%swap3A_61, %swap3A_62] : memref<2560x128xi32, #tpu.memory_space<vmem>>, vector<2560x128xi32>
    tpu.vector_store %arg3[%swap3A_61, %swap3A_62], %concatenate3A_60 {strides = array<i32>} : memref<2560x128xi32, #tpu.memory_space<vmem>>, vector<2560x128xi32>,
    return
  }
}

module attributes {stable_mosaic.version = 14 : i64} {
  func.func @_transform_body(%arg0: i32, %arg1: memref<2000x128xf32, #tpu.memory_space<vmem>>, %arg2: memref<128x1024xf32, #tpu.memory_space<vmem>>, %arg3: memref<128x128xf32, #tpu.memory_space<vmem>>, %arg4: memref<1x128xf32, #tpu.memory_space<vmem>>, %arg5: memref<2000x8x128xf32, #tpu.memory_space<vmem>>, %arg6: memref<2000x128xf32, #tpu.memory_space<vmem>>) attributes {dimension_semantics = [#tpu.dimension_semantics<arbitrary>], iteration_bounds = array<i64: 5>, scalar_prefetch = 0 : i64, scratch_operands = 0 : i64, tpu.core_type = #tpu.core_type<tc>, window_params = [{transform_indices = @transform_0, window_bounds = array<i64: 2000, 128>}, {pipeline_mode = #tpu.pipeline_mode<synchronous>, transform_indices = @transform_1, window_bounds = array<i64: 128, 1024>}, {pipeline_mode = #tpu.pipeline_mode<synchronous>, transform_indices = @transform_2, window_bounds = array<i64: 128, 128>}, {pipeline_mode = #tpu.pipeline_mode<synchronous>, transform_indices = @transform_3, window_bounds = array<i64: 1, 128>}, {transform_indices = @transform_4, window_bounds = array<i64: 2000, 8, 128>}, {transform_indices = @transform_5, window_bounds = array<i64: 2000, 128>}]} {
    %get3A = arith.constant 0 : index
    %get3A_0 = arith.constant 0 : index
    %get3A_1 = vector.load %arg1[%get3A, %get3A_0] : memref<2000x128xf32, #tpu.memory_space<vmem>>, vector<2000x128xf32>
    %get3A_2 = arith.constant 0 : index
    %get3A_3 = arith.constant 0 : index
    %get3A_4 = vector.load %arg2[%get3A_2, %get3A_3] : memref<128x1024xf32, #tpu.memory_space<vmem>>, vector<128x1024xf32>
    %dot_general3A = arith.constant dense<0.000000e+00> : vector<2000x1024xf32>
    %dot_general3A_5 = tpu.matmul %get3A_1, %get3A_4, %dot_general3A {dimension_numbers = #tpu.dot_dimension_numbers<[1], [0], [0], [1], [0, 0, 1, 1], [], []>, transpose_lhs_hint = false} : vector<2000x128xf32>, vector<128x1024xf32>, vector<2000x1024xf32> -> vector<2000x1024xf32>
    %slice3A = vector.extract_strided_slice %dot_general3A_5 {offsets = [0, 0], sizes = [2000, 128], strides = [1, 1]} : vector<2000x1024xf32> to vector<2000x128xf32>
    %swap3A = arith.constant 0 : index
    %swap3A_6 = arith.constant 0 : index
    %swap3A_7 = arith.constant 0 : index
    %swap3A_8 = vector.load %arg5[%swap3A, %swap3A_6, %swap3A_7] : memref<2000x8x128xf32, #tpu.memory_space<vmem>>, vector<2000x1x128xf32>
    %swap3A_9 = vector.shape_cast %swap3A_8 : vector<2000x1x128xf32> to vector<2000x128xf32>
    %swap3A_10 = vector.shape_cast %slice3A : vector<2000x128xf32> to vector<2000x1x128xf32>
    tpu.vector_store %arg5[%swap3A, %swap3A_6, %swap3A_7], %swap3A_10 {strides = array<i32>} : memref<2000x8x128xf32, #tpu.memory_space<vmem>>, vector<2000x1x128xf32>,
    %slice3A_11 = vector.extract_strided_slice %dot_general3A_5 {offsets = [0, 128], sizes = [2000, 128], strides = [1, 1]} : vector<2000x1024xf32> to vector<2000x128xf32>
    %swap3A_12 = arith.constant 0 : index
    %swap3A_13 = arith.constant 1 : index
    %swap3A_14 = arith.constant 0 : index
    %swap3A_15 = vector.load %arg5[%swap3A_12, %swap3A_13, %swap3A_14] : memref<2000x8x128xf32, #tpu.memory_space<vmem>>, vector<2000x1x128xf32>
    %swap3A_16 = vector.shape_cast %swap3A_15 : vector<2000x1x128xf32> to vector<2000x128xf32>
    %swap3A_17 = vector.shape_cast %slice3A_11 : vector<2000x128xf32> to vector<2000x1x128xf32>
    tpu.vector_store %arg5[%swap3A_12, %swap3A_13, %swap3A_14], %swap3A_17 {strides = array<i32>} : memref<2000x8x128xf32, #tpu.memory_space<vmem>>, vector<2000x1x128xf32>,
    %slice3A_18 = vector.extract_strided_slice %dot_general3A_5 {offsets = [0, 256], sizes = [2000, 128], strides = [1, 1]} : vector<2000x1024xf32> to vector<2000x128xf32>
    %swap3A_19 = arith.constant 0 : index
    %swap3A_20 = arith.constant 2 : index
    %swap3A_21 = arith.constant 0 : index
    %swap3A_22 = vector.load %arg5[%swap3A_19, %swap3A_20, %swap3A_21] : memref<2000x8x128xf32, #tpu.memory_space<vmem>>, vector<2000x1x128xf32>
    %swap3A_23 = vector.shape_cast %swap3A_22 : vector<2000x1x128xf32> to vector<2000x128xf32>
    %swap3A_24 = vector.shape_cast %slice3A_18 : vector<2000x128xf32> to vector<2000x1x128xf32>
    tpu.vector_store %arg5[%swap3A_19, %swap3A_20, %swap3A_21], %swap3A_24 {strides = array<i32>} : memref<2000x8x128xf32, #tpu.memory_space<vmem>>, vector<2000x1x128xf32>,
    %slice3A_25 = vector.extract_strided_slice %dot_general3A_5 {offsets = [0, 384], sizes = [2000, 128], strides = [1, 1]} : vector<2000x1024xf32> to vector<2000x128xf32>
    %swap3A_26 = arith.constant 0 : index
    %swap3A_27 = arith.constant 3 : index
    %swap3A_28 = arith.constant 0 : index
    %swap3A_29 = vector.load %arg5[%swap3A_26, %swap3A_27, %swap3A_28] : memref<2000x8x128xf32, #tpu.memory_space<vmem>>, vector<2000x1x128xf32>
    %swap3A_30 = vector.shape_cast %swap3A_29 : vector<2000x1x128xf32> to vector<2000x128xf32>
    %swap3A_31 = vector.shape_cast %slice3A_25 : vector<2000x128xf32> to vector<2000x1x128xf32>
    tpu.vector_store %arg5[%swap3A_26, %swap3A_27, %swap3A_28], %swap3A_31 {strides = array<i32>} : memref<2000x8x128xf32, #tpu.memory_space<vmem>>, vector<2000x1x128xf32>,
    %slice3A_32 = vector.extract_strided_slice %dot_general3A_5 {offsets = [0, 512], sizes = [2000, 128], strides = [1, 1]} : vector<2000x1024xf32> to vector<2000x128xf32>
    %swap3A_33 = arith.constant 0 : index
    %swap3A_34 = arith.constant 4 : index
    %swap3A_35 = arith.constant 0 : index
    %swap3A_36 = vector.load %arg5[%swap3A_33, %swap3A_34, %swap3A_35] : memref<2000x8x128xf32, #tpu.memory_space<vmem>>, vector<2000x1x128xf32>
    %swap3A_37 = vector.shape_cast %swap3A_36 : vector<2000x1x128xf32> to vector<2000x128xf32>
    %swap3A_38 = vector.shape_cast %slice3A_32 : vector<2000x128xf32> to vector<2000x1x128xf32>
    tpu.vector_store %arg5[%swap3A_33, %swap3A_34, %swap3A_35], %swap3A_38 {strides = array<i32>} : memref<2000x8x128xf32, #tpu.memory_space<vmem>>, vector<2000x1x128xf32>,
    %slice3A_39 = vector.extract_strided_slice %dot_general3A_5 {offsets = [0, 640], sizes = [2000, 128], strides = [1, 1]} : vector<2000x1024xf32> to vector<2000x128xf32>
    %swap3A_40 = arith.constant 0 : index
    %swap3A_41 = arith.constant 5 : index
    %swap3A_42 = arith.constant 0 : index
    %swap3A_43 = vector.load %arg5[%swap3A_40, %swap3A_41, %swap3A_42] : memref<2000x8x128xf32, #tpu.memory_space<vmem>>, vector<2000x1x128xf32>
    %swap3A_44 = vector.shape_cast %swap3A_43 : vector<2000x1x128xf32> to vector<2000x128xf32>
    %swap3A_45 = vector.shape_cast %slice3A_39 : vector<2000x128xf32> to vector<2000x1x128xf32>
    tpu.vector_store %arg5[%swap3A_40, %swap3A_41, %swap3A_42], %swap3A_45 {strides = array<i32>} : memref<2000x8x128xf32, #tpu.memory_space<vmem>>, vector<2000x1x128xf32>,
    %slice3A_46 = vector.extract_strided_slice %dot_general3A_5 {offsets = [0, 768], sizes = [2000, 128], strides = [1, 1]} : vector<2000x1024xf32> to vector<2000x128xf32>
    %swap3A_47 = arith.constant 0 : index
    %swap3A_48 = arith.constant 6 : index
    %swap3A_49 = arith.constant 0 : index
    %swap3A_50 = vector.load %arg5[%swap3A_47, %swap3A_48, %swap3A_49] : memref<2000x8x128xf32, #tpu.memory_space<vmem>>, vector<2000x1x128xf32>
    %swap3A_51 = vector.shape_cast %swap3A_50 : vector<2000x1x128xf32> to vector<2000x128xf32>
    %swap3A_52 = vector.shape_cast %slice3A_46 : vector<2000x128xf32> to vector<2000x1x128xf32>
    tpu.vector_store %arg5[%swap3A_47, %swap3A_48, %swap3A_49], %swap3A_52 {strides = array<i32>} : memref<2000x8x128xf32, #tpu.memory_space<vmem>>, vector<2000x1x128xf32>,
    %slice3A_53 = vector.extract_strided_slice %dot_general3A_5 {offsets = [0, 896], sizes = [2000, 128], strides = [1, 1]} : vector<2000x1024xf32> to vector<2000x128xf32>
    %swap3A_54 = arith.constant 0 : index
    %swap3A_55 = arith.constant 7 : index
    %swap3A_56 = arith.constant 0 : index
    %swap3A_57 = vector.load %arg5[%swap3A_54, %swap3A_55, %swap3A_56] : memref<2000x8x128xf32, #tpu.memory_space<vmem>>, vector<2000x1x128xf32>
    %swap3A_58 = vector.shape_cast %swap3A_57 : vector<2000x1x128xf32> to vector<2000x128xf32>
    %swap3A_59 = vector.shape_cast %slice3A_53 : vector<2000x128xf32> to vector<2000x1x128xf32>
    tpu.vector_store %arg5[%swap3A_54, %swap3A_55, %swap3A_56], %swap3A_59 {strides = array<i32>} : memref<2000x8x128xf32, #tpu.memory_space<vmem>>, vector<2000x1x128xf32>,
    %get3A_60 = arith.constant 0 : index
    %get3A_61 = arith.constant 0 : index
    %get3A_62 = vector.load %arg3[%get3A_60, %get3A_61] : memref<128x128xf32, #tpu.memory_space<vmem>>, vector<128x128xf32>
    %dot_general3A_63 = arith.constant dense<0.000000e+00> : vector<2000x128xf32>
    %dot_general3A_64 = tpu.matmul %get3A_1, %get3A_62, %dot_general3A_63 {dimension_numbers = #tpu.dot_dimension_numbers<[1], [0], [0], [1], [0, 0, 1, 1], [], []>, transpose_lhs_hint = false} : vector<2000x128xf32>, vector<128x128xf32>, vector<2000x128xf32> -> vector<2000x128xf32>
    %get3A_65 = arith.constant 0 : index
    %get3A_66 = arith.constant 0 : index
    %get3A_67 = vector.load %arg4[%get3A_65, %get3A_66] : memref<1x128xf32, #tpu.memory_space<vmem>>, vector<1x128xf32>
    %add3A = vector.broadcast %get3A_67 : vector<1x128xf32> to vector<2000x128xf32>
    %add3A_68 = arith.addf %dot_general3A_64, %add3A : vector<2000x128xf32>
    %swap3A_69 = arith.constant 0 : index
    %swap3A_70 = arith.constant 0 : index
    %swap3A_71 = vector.load %arg6[%swap3A_69, %swap3A_70] : memref<2000x128xf32, #tpu.memory_space<vmem>>, vector<2000x128xf32>
    tpu.vector_store %arg6[%swap3A_69, %swap3A_70], %add3A_68 {strides = array<i32>} : memref<2000x128xf32, #tpu.memory_space<vmem>>, vector<2000x128xf32>,
    return
  }
  func.func @transform_0(%arg0: i32) -> (i32, i32) {
    %c0_i32 = arith.constant 0 : i32
    %c0_i32_0 = arith.constant 0 : i32
    return %arg0, %c0_i32 : i32, i32
  }
  func.func @transform_1(%arg0: i32) -> (i32, i32) {
    %c0_i32 = arith.constant 0 : i32
    %c0_i32_0 = arith.constant 0 : i32
    %c0_i32_1 = arith.constant 0 : i32
    return %c0_i32, %c0_i32_0 : i32, i32
  }
  func.func @transform_2(%arg0: i32) -> (i32, i32) {
    %c0_i32 = arith.constant 0 : i32
    %c0_i32_0 = arith.constant 0 : i32
    %c0_i32_1 = arith.constant 0 : i32
    return %c0_i32, %c0_i32_0 : i32, i32
  }
  func.func @transform_3(%arg0: i32) -> (i32, i32) {
    %c0_i32 = arith.constant 0 : i32
    %c0_i32_0 = arith.constant 0 : i32
    %c0_i32_1 = arith.constant 0 : i32
    return %c0_i32, %c0_i32_0 : i32, i32
  }
  func.func @transform_4(%arg0: i32) -> (i32, i32, i32) {
    %c0_i32 = arith.constant 0 : i32
    %c0_i32_0 = arith.constant 0 : i32
    %c0_i32_1 = arith.constant 0 : i32
    return %arg0, %c0_i32, %c0_i32_0 : i32, i32, i32
  }
  func.func @transform_5(%arg0: i32) -> (i32, i32) {
    %c0_i32 = arith.constant 0 : i32
    %c0_i32_0 = arith.constant 0 : i32
    return %arg0, %c0_i32 : i32, i32
  }
}

module attributes {stable_mosaic.version = 14 : i64} {
  func.func @_combine_transform_body(%arg0: i32, %arg1: memref<2x2000x128xf32, #tpu.memory_space<vmem>>, %arg2: memref<2000x128xf32, #tpu.memory_space<vmem>>, %arg3: memref<128x1024xf32, #tpu.memory_space<vmem>>, %arg4: memref<128x128xf32, #tpu.memory_space<vmem>>, %arg5: memref<1x128xf32, #tpu.memory_space<vmem>>, %arg6: memref<2000x8x128xf32, #tpu.memory_space<vmem>>, %arg7: memref<2000x128xf32, #tpu.memory_space<vmem>>) attributes {dimension_semantics = [#tpu.dimension_semantics<arbitrary>], iteration_bounds = array<i64: 5>, scalar_prefetch = 0 : i64, scratch_operands = 0 : i64, tpu.core_type = #tpu.core_type<tc>, window_params = [{transform_indices = @transform_0, window_bounds = array<i64: 2, 2000, 128>}, {transform_indices = @transform_1, window_bounds = array<i64: 2000, 128>}, {pipeline_mode = #tpu.pipeline_mode<synchronous>, transform_indices = @transform_2, window_bounds = array<i64: 128, 1024>}, {pipeline_mode = #tpu.pipeline_mode<synchronous>, transform_indices = @transform_3, window_bounds = array<i64: 128, 128>}, {pipeline_mode = #tpu.pipeline_mode<synchronous>, transform_indices = @transform_4, window_bounds = array<i64: 1, 128>}, {transform_indices = @transform_5, window_bounds = array<i64: 2000, 8, 128>}, {transform_indices = @transform_6, window_bounds = array<i64: 2000, 128>}]} {
    %get3A = arith.constant 0 : index
    %get3A_0 = arith.constant 0 : index
    %get3A_1 = arith.constant 0 : index
    %get3A_2 = vector.load %arg1[%get3A, %get3A_0, %get3A_1] : memref<2x2000x128xf32, #tpu.memory_space<vmem>>, vector<1x2000x128xf32>
    %get3A_3 = vector.shape_cast %get3A_2 : vector<1x2000x128xf32> to vector<2000x128xf32>
    %get3A_4 = arith.constant 1 : index
    %get3A_5 = arith.constant 0 : index
    %get3A_6 = arith.constant 0 : index
    %get3A_7 = vector.load %arg1[%get3A_4, %get3A_5, %get3A_6] : memref<2x2000x128xf32, #tpu.memory_space<vmem>>, vector<1x2000x128xf32>
    %get3A_8 = vector.shape_cast %get3A_7 : vector<1x2000x128xf32> to vector<2000x128xf32>
    %add3A = arith.addf %get3A_3, %get3A_8 : vector<2000x128xf32>
    %get3A_9 = arith.constant 0 : index
    %get3A_10 = arith.constant 0 : index
    %get3A_11 = vector.load %arg2[%get3A_9, %get3A_10] : memref<2000x128xf32, #tpu.memory_space<vmem>>, vector<2000x128xf32>
    %add3A_12 = arith.addf %add3A, %get3A_11 : vector<2000x128xf32>
    %max3A = arith.constant 0.000000e+00 : f32
    %max3A_13 = vector.broadcast %max3A : f32 to vector<2000x128xf32>
    %max3A_14 = arith.maximumf %add3A_12, %max3A_13 : vector<2000x128xf32>
    %get3A_15 = arith.constant 0 : index
    %get3A_16 = arith.constant 0 : index
    %get3A_17 = vector.load %arg3[%get3A_15, %get3A_16] : memref<128x1024xf32, #tpu.memory_space<vmem>>, vector<128x1024xf32>
    %dot_general3A = arith.constant dense<0.000000e+00> : vector<2000x1024xf32>
    %dot_general3A_18 = tpu.matmul %max3A_14, %get3A_17, %dot_general3A {dimension_numbers = #tpu.dot_dimension_numbers<[1], [0], [0], [1], [0, 0, 1, 1], [], []>, transpose_lhs_hint = false} : vector<2000x128xf32>, vector<128x1024xf32>, vector<2000x1024xf32> -> vector<2000x1024xf32>
    %slice3A = vector.extract_strided_slice %dot_general3A_18 {offsets = [0, 0], sizes = [2000, 128], strides = [1, 1]} : vector<2000x1024xf32> to vector<2000x128xf32>
    %swap3A = arith.constant 0 : index
    %swap3A_19 = arith.constant 0 : index
    %swap3A_20 = arith.constant 0 : index
    %swap3A_21 = vector.load %arg6[%swap3A, %swap3A_19, %swap3A_20] : memref<2000x8x128xf32, #tpu.memory_space<vmem>>, vector<2000x1x128xf32>
    %swap3A_22 = vector.shape_cast %swap3A_21 : vector<2000x1x128xf32> to vector<2000x128xf32>
    %swap3A_23 = vector.shape_cast %slice3A : vector<2000x128xf32> to vector<2000x1x128xf32>
    tpu.vector_store %arg6[%swap3A, %swap3A_19, %swap3A_20], %swap3A_23 {strides = array<i32>} : memref<2000x8x128xf32, #tpu.memory_space<vmem>>, vector<2000x1x128xf32>,
    %slice3A_24 = vector.extract_strided_slice %dot_general3A_18 {offsets = [0, 128], sizes = [2000, 128], strides = [1, 1]} : vector<2000x1024xf32> to vector<2000x128xf32>
    %swap3A_25 = arith.constant 0 : index
    %swap3A_26 = arith.constant 1 : index
    %swap3A_27 = arith.constant 0 : index
    %swap3A_28 = vector.load %arg6[%swap3A_25, %swap3A_26, %swap3A_27] : memref<2000x8x128xf32, #tpu.memory_space<vmem>>, vector<2000x1x128xf32>
    %swap3A_29 = vector.shape_cast %swap3A_28 : vector<2000x1x128xf32> to vector<2000x128xf32>
    %swap3A_30 = vector.shape_cast %slice3A_24 : vector<2000x128xf32> to vector<2000x1x128xf32>
    tpu.vector_store %arg6[%swap3A_25, %swap3A_26, %swap3A_27], %swap3A_30 {strides = array<i32>} : memref<2000x8x128xf32, #tpu.memory_space<vmem>>, vector<2000x1x128xf32>,
    %slice3A_31 = vector.extract_strided_slice %dot_general3A_18 {offsets = [0, 256], sizes = [2000, 128], strides = [1, 1]} : vector<2000x1024xf32> to vector<2000x128xf32>
    %swap3A_32 = arith.constant 0 : index
    %swap3A_33 = arith.constant 2 : index
    %swap3A_34 = arith.constant 0 : index
    %swap3A_35 = vector.load %arg6[%swap3A_32, %swap3A_33, %swap3A_34] : memref<2000x8x128xf32, #tpu.memory_space<vmem>>, vector<2000x1x128xf32>
    %swap3A_36 = vector.shape_cast %swap3A_35 : vector<2000x1x128xf32> to vector<2000x128xf32>
    %swap3A_37 = vector.shape_cast %slice3A_31 : vector<2000x128xf32> to vector<2000x1x128xf32>
    tpu.vector_store %arg6[%swap3A_32, %swap3A_33, %swap3A_34], %swap3A_37 {strides = array<i32>} : memref<2000x8x128xf32, #tpu.memory_space<vmem>>, vector<2000x1x128xf32>,
    %slice3A_38 = vector.extract_strided_slice %dot_general3A_18 {offsets = [0, 384], sizes = [2000, 128], strides = [1, 1]} : vector<2000x1024xf32> to vector<2000x128xf32>
    %swap3A_39 = arith.constant 0 : index
    %swap3A_40 = arith.constant 3 : index
    %swap3A_41 = arith.constant 0 : index
    %swap3A_42 = vector.load %arg6[%swap3A_39, %swap3A_40, %swap3A_41] : memref<2000x8x128xf32, #tpu.memory_space<vmem>>, vector<2000x1x128xf32>
    %swap3A_43 = vector.shape_cast %swap3A_42 : vector<2000x1x128xf32> to vector<2000x128xf32>
    %swap3A_44 = vector.shape_cast %slice3A_38 : vector<2000x128xf32> to vector<2000x1x128xf32>
    tpu.vector_store %arg6[%swap3A_39, %swap3A_40, %swap3A_41], %swap3A_44 {strides = array<i32>} : memref<2000x8x128xf32, #tpu.memory_space<vmem>>, vector<2000x1x128xf32>,
    %slice3A_45 = vector.extract_strided_slice %dot_general3A_18 {offsets = [0, 512], sizes = [2000, 128], strides = [1, 1]} : vector<2000x1024xf32> to vector<2000x128xf32>
    %swap3A_46 = arith.constant 0 : index
    %swap3A_47 = arith.constant 4 : index
    %swap3A_48 = arith.constant 0 : index
    %swap3A_49 = vector.load %arg6[%swap3A_46, %swap3A_47, %swap3A_48] : memref<2000x8x128xf32, #tpu.memory_space<vmem>>, vector<2000x1x128xf32>
    %swap3A_50 = vector.shape_cast %swap3A_49 : vector<2000x1x128xf32> to vector<2000x128xf32>
    %swap3A_51 = vector.shape_cast %slice3A_45 : vector<2000x128xf32> to vector<2000x1x128xf32>
    tpu.vector_store %arg6[%swap3A_46, %swap3A_47, %swap3A_48], %swap3A_51 {strides = array<i32>} : memref<2000x8x128xf32, #tpu.memory_space<vmem>>, vector<2000x1x128xf32>,
    %slice3A_52 = vector.extract_strided_slice %dot_general3A_18 {offsets = [0, 640], sizes = [2000, 128], strides = [1, 1]} : vector<2000x1024xf32> to vector<2000x128xf32>
    %swap3A_53 = arith.constant 0 : index
    %swap3A_54 = arith.constant 5 : index
    %swap3A_55 = arith.constant 0 : index
    %swap3A_56 = vector.load %arg6[%swap3A_53, %swap3A_54, %swap3A_55] : memref<2000x8x128xf32, #tpu.memory_space<vmem>>, vector<2000x1x128xf32>
    %swap3A_57 = vector.shape_cast %swap3A_56 : vector<2000x1x128xf32> to vector<2000x128xf32>
    %swap3A_58 = vector.shape_cast %slice3A_52 : vector<2000x128xf32> to vector<2000x1x128xf32>
    tpu.vector_store %arg6[%swap3A_53, %swap3A_54, %swap3A_55], %swap3A_58 {strides = array<i32>} : memref<2000x8x128xf32, #tpu.memory_space<vmem>>, vector<2000x1x128xf32>,
    %slice3A_59 = vector.extract_strided_slice %dot_general3A_18 {offsets = [0, 768], sizes = [2000, 128], strides = [1, 1]} : vector<2000x1024xf32> to vector<2000x128xf32>
    %swap3A_60 = arith.constant 0 : index
    %swap3A_61 = arith.constant 6 : index
    %swap3A_62 = arith.constant 0 : index
    %swap3A_63 = vector.load %arg6[%swap3A_60, %swap3A_61, %swap3A_62] : memref<2000x8x128xf32, #tpu.memory_space<vmem>>, vector<2000x1x128xf32>
    %swap3A_64 = vector.shape_cast %swap3A_63 : vector<2000x1x128xf32> to vector<2000x128xf32>
    %swap3A_65 = vector.shape_cast %slice3A_59 : vector<2000x128xf32> to vector<2000x1x128xf32>
    tpu.vector_store %arg6[%swap3A_60, %swap3A_61, %swap3A_62], %swap3A_65 {strides = array<i32>} : memref<2000x8x128xf32, #tpu.memory_space<vmem>>, vector<2000x1x128xf32>,
    %slice3A_66 = vector.extract_strided_slice %dot_general3A_18 {offsets = [0, 896], sizes = [2000, 128], strides = [1, 1]} : vector<2000x1024xf32> to vector<2000x128xf32>
    %swap3A_67 = arith.constant 0 : index
    %swap3A_68 = arith.constant 7 : index
    %swap3A_69 = arith.constant 0 : index
    %swap3A_70 = vector.load %arg6[%swap3A_67, %swap3A_68, %swap3A_69] : memref<2000x8x128xf32, #tpu.memory_space<vmem>>, vector<2000x1x128xf32>
    %swap3A_71 = vector.shape_cast %swap3A_70 : vector<2000x1x128xf32> to vector<2000x128xf32>
    %swap3A_72 = vector.shape_cast %slice3A_66 : vector<2000x128xf32> to vector<2000x1x128xf32>
    tpu.vector_store %arg6[%swap3A_67, %swap3A_68, %swap3A_69], %swap3A_72 {strides = array<i32>} : memref<2000x8x128xf32, #tpu.memory_space<vmem>>, vector<2000x1x128xf32>,
    %get3A_73 = arith.constant 0 : index
    %get3A_74 = arith.constant 0 : index
    %get3A_75 = vector.load %arg4[%get3A_73, %get3A_74] : memref<128x128xf32, #tpu.memory_space<vmem>>, vector<128x128xf32>
    %dot_general3A_76 = arith.constant dense<0.000000e+00> : vector<2000x128xf32>
    %dot_general3A_77 = tpu.matmul %max3A_14, %get3A_75, %dot_general3A_76 {dimension_numbers = #tpu.dot_dimension_numbers<[1], [0], [0], [1], [0, 0, 1, 1], [], []>, transpose_lhs_hint = false} : vector<2000x128xf32>, vector<128x128xf32>, vector<2000x128xf32> -> vector<2000x128xf32>
    %get3A_78 = arith.constant 0 : index
    %get3A_79 = arith.constant 0 : index
    %get3A_80 = vector.load %arg5[%get3A_78, %get3A_79] : memref<1x128xf32, #tpu.memory_space<vmem>>, vector<1x128xf32>
    %add3A_81 = vector.broadcast %get3A_80 : vector<1x128xf32> to vector<2000x128xf32>
    %add3A_82 = arith.addf %dot_general3A_77, %add3A_81 : vector<2000x128xf32>
    %swap3A_83 = arith.constant 0 : index
    %swap3A_84 = arith.constant 0 : index
    %swap3A_85 = vector.load %arg7[%swap3A_83, %swap3A_84] : memref<2000x128xf32, #tpu.memory_space<vmem>>, vector<2000x128xf32>
    tpu.vector_store %arg7[%swap3A_83, %swap3A_84], %add3A_82 {strides = array<i32>} : memref<2000x128xf32, #tpu.memory_space<vmem>>, vector<2000x128xf32>,
    return
  }
  func.func @transform_0(%arg0: i32) -> (i32, i32, i32) {
    %c0_i32 = arith.constant 0 : i32
    %c0_i32_0 = arith.constant 0 : i32
    %c0_i32_1 = arith.constant 0 : i32
    return %c0_i32, %arg0, %c0_i32_0 : i32, i32, i32
  }
  func.func @transform_1(%arg0: i32) -> (i32, i32) {
    %c0_i32 = arith.constant 0 : i32
    %c0_i32_0 = arith.constant 0 : i32
    return %arg0, %c0_i32 : i32, i32
  }
  func.func @transform_2(%arg0: i32) -> (i32, i32) {
    %c0_i32 = arith.constant 0 : i32
    %c0_i32_0 = arith.constant 0 : i32
    %c0_i32_1 = arith.constant 0 : i32
    return %c0_i32, %c0_i32_0 : i32, i32
  }
  func.func @transform_3(%arg0: i32) -> (i32, i32) {
    %c0_i32 = arith.constant 0 : i32
    %c0_i32_0 = arith.constant 0 : i32
    %c0_i32_1 = arith.constant 0 : i32
    return %c0_i32, %c0_i32_0 : i32, i32
  }
  func.func @transform_4(%arg0: i32) -> (i32, i32) {
    %c0_i32 = arith.constant 0 : i32
    %c0_i32_0 = arith.constant 0 : i32
    %c0_i32_1 = arith.constant 0 : i32
    return %c0_i32, %c0_i32_0 : i32, i32
  }
  func.func @transform_5(%arg0: i32) -> (i32, i32, i32) {
    %c0_i32 = arith.constant 0 : i32
    %c0_i32_0 = arith.constant 0 : i32
    %c0_i32_1 = arith.constant 0 : i32
    return %arg0, %c0_i32, %c0_i32_0 : i32, i32, i32
  }
  func.func @transform_6(%arg0: i32) -> (i32, i32) {
    %c0_i32 = arith.constant 0 : i32
    %c0_i32_0 = arith.constant 0 : i32
    return %arg0, %c0_i32 : i32, i32
  }
}

module attributes {stable_mosaic.version = 14 : i64} {
  func.func @_final_body(%arg0: i32, %arg1: memref<2x2000x128xf32, #tpu.memory_space<vmem>>, %arg2: memref<2000x128xf32, #tpu.memory_space<vmem>>, %arg3: memref<128x128xf32, #tpu.memory_space<vmem>>, %arg4: memref<1x128xf32, #tpu.memory_space<vmem>>, %arg5: memref<1x128xf32, #tpu.memory_space<vmem>>, %arg6: memref<1x128xf32, #tpu.memory_space<vmem>>) attributes {dimension_semantics = [#tpu.dimension_semantics<arbitrary>], iteration_bounds = array<i64: 5>, scalar_prefetch = 0 : i64, scratch_operands = 0 : i64, tpu.core_type = #tpu.core_type<tc>, window_params = [{transform_indices = @transform_0, window_bounds = array<i64: 2, 2000, 128>}, {transform_indices = @transform_1, window_bounds = array<i64: 2000, 128>}, {pipeline_mode = #tpu.pipeline_mode<synchronous>, transform_indices = @transform_2, window_bounds = array<i64: 128, 128>}, {pipeline_mode = #tpu.pipeline_mode<synchronous>, transform_indices = @transform_3, window_bounds = array<i64: 1, 128>}, {pipeline_mode = #tpu.pipeline_mode<synchronous>, transform_indices = @transform_4, window_bounds = array<i64: 1, 128>}, {pipeline_mode = #tpu.pipeline_mode<synchronous>, transform_indices = @transform_5, window_bounds = array<i64: 1, 128>}]} {
    %get3A = arith.constant 0 : index
    %get3A_0 = arith.constant 0 : index
    %get3A_1 = arith.constant 0 : index
    %get3A_2 = vector.load %arg1[%get3A, %get3A_0, %get3A_1] : memref<2x2000x128xf32, #tpu.memory_space<vmem>>, vector<1x2000x128xf32>
    %get3A_3 = vector.shape_cast %get3A_2 : vector<1x2000x128xf32> to vector<2000x128xf32>
    %get3A_4 = arith.constant 1 : index
    %get3A_5 = arith.constant 0 : index
    %get3A_6 = arith.constant 0 : index
    %get3A_7 = vector.load %arg1[%get3A_4, %get3A_5, %get3A_6] : memref<2x2000x128xf32, #tpu.memory_space<vmem>>, vector<1x2000x128xf32>
    %get3A_8 = vector.shape_cast %get3A_7 : vector<1x2000x128xf32> to vector<2000x128xf32>
    %add3A = arith.addf %get3A_3, %get3A_8 : vector<2000x128xf32>
    %get3A_9 = arith.constant 0 : index
    %get3A_10 = arith.constant 0 : index
    %get3A_11 = vector.load %arg2[%get3A_9, %get3A_10] : memref<2000x128xf32, #tpu.memory_space<vmem>>, vector<2000x128xf32>
    %add3A_12 = arith.addf %add3A, %get3A_11 : vector<2000x128xf32>
    %max3A = arith.constant 0.000000e+00 : f32
    %max3A_13 = vector.broadcast %max3A : f32 to vector<2000x128xf32>
    %max3A_14 = arith.maximumf %add3A_12, %max3A_13 : vector<2000x128xf32>
    %reduce_sum3A = arith.constant dense<0.000000e+00> : vector<128xf32>
    %reduce_sum3A_15 = vector.multi_reduction <add>, %max3A_14, %reduce_sum3A [0] : vector<2000x128xf32> to vector<128xf32>
    %broadcast_in_dim3A = vector.shape_cast %reduce_sum3A_15 : vector<128xf32> to vector<1x128xf32>
    %eq3A = arith.constant 0 : i32
    %eq3A_16 = arith.cmpi eq, %arg0, %eq3A : i32
    %convert_element_type3A = arith.extui %eq3A_16 : i1 to i32
    %cond3A = arith.constant 0 : i32
    %cond3A_17 = arith.cmpi ne, %convert_element_type3A, %cond3A : i32
    scf.if %cond3A_17 {
      %swap3A = arith.constant 0 : index
      %swap3A_27 = arith.constant 0 : index
      %swap3A_28 = vector.load %arg5[%swap3A, %swap3A_27] : memref<1x128xf32, #tpu.memory_space<vmem>>, vector<1x128xf32>
      tpu.vector_store %arg5[%swap3A, %swap3A_27], %broadcast_in_dim3A {strides = array<i32>} : memref<1x128xf32, #tpu.memory_space<vmem>>, vector<1x128xf32>,
    } else {
    }
    %gt3A = arith.constant 0 : i32
    %gt3A_18 = arith.cmpi sgt, %arg0, %gt3A : i32
    %convert_element_type3A_19 = arith.extui %gt3A_18 : i1 to i32
    %cond3A_20 = arith.constant 0 : i32
    %cond3A_21 = arith.cmpi ne, %convert_element_type3A_19, %cond3A_20 : i32
    scf.if %cond3A_21 {
      %get3A_27 = arith.constant 0 : index
      %get3A_28 = arith.constant 0 : index
      %get3A_29 = vector.load %arg5[%get3A_27, %get3A_28] : memref<1x128xf32, #tpu.memory_space<vmem>>, vector<1x128xf32>
      %add3A_30 = arith.addf %get3A_29, %broadcast_in_dim3A : vector<1x128xf32>
      %swap3A = arith.constant 0 : index
      %swap3A_31 = arith.constant 0 : index
      %swap3A_32 = vector.load %arg5[%swap3A, %swap3A_31] : memref<1x128xf32, #tpu.memory_space<vmem>>, vector<1x128xf32>
      tpu.vector_store %arg5[%swap3A, %swap3A_31], %add3A_30 {strides = array<i32>} : memref<1x128xf32, #tpu.memory_space<vmem>>, vector<1x128xf32>,
    } else {
    }
    %eq3A_22 = arith.constant 4 : i32
    %eq3A_23 = arith.cmpi eq, %arg0, %eq3A_22 : i32
    %convert_element_type3A_24 = arith.extui %eq3A_23 : i1 to i32
    %cond3A_25 = arith.constant 0 : i32
    %cond3A_26 = arith.cmpi ne, %convert_element_type3A_24, %cond3A_25 : i32
    scf.if %cond3A_26 {
      %get3A_27 = arith.constant 0 : index
      %get3A_28 = arith.constant 0 : index
      %get3A_29 = vector.load %arg5[%get3A_27, %get3A_28] : memref<1x128xf32, #tpu.memory_space<vmem>>, vector<1x128xf32>
      %mul3A = arith.constant 9.99999974E-5 : f32
      %mul3A_30 = vector.broadcast %mul3A : f32 to vector<1x128xf32>
      %mul3A_31 = arith.mulf %get3A_29, %mul3A_30 : vector<1x128xf32>
      %get3A_32 = arith.constant 0 : index
      %get3A_33 = arith.constant 0 : index
      %get3A_34 = vector.load %arg3[%get3A_32, %get3A_33] : memref<128x128xf32, #tpu.memory_space<vmem>>, vector<128x128xf32>
      %dot_general3A = arith.constant dense<0.000000e+00> : vector<1x128xf32>
      %dot_general3A_35 = tpu.matmul %mul3A_31, %get3A_34, %dot_general3A {dimension_numbers = #tpu.dot_dimension_numbers<[1], [0], [0], [1], [0, 0, 1, 1], [], []>, transpose_lhs_hint = false} : vector<1x128xf32>, vector<128x128xf32>, vector<1x128xf32> -> vector<1x128xf32>
      %get3A_36 = arith.constant 0 : index
      %get3A_37 = arith.constant 0 : index
      %get3A_38 = vector.load %arg4[%get3A_36, %get3A_37] : memref<1x128xf32, #tpu.memory_space<vmem>>, vector<1x128xf32>
      %add3A_39 = arith.addf %dot_general3A_35, %get3A_38 : vector<1x128xf32>
      %reduce_max3A = arith.constant dense<0xFF800000> : vector<1xf32>
      %reduce_max3A_40 = vector.multi_reduction <maximumf>, %add3A_39, %reduce_max3A [1] : vector<1x128xf32> to vector<1xf32>
      %broadcast_in_dim3A_41 = vector.shape_cast %reduce_max3A_40 : vector<1xf32> to vector<1x1xf32>
      %sub3A = vector.broadcast %broadcast_in_dim3A_41 : vector<1x1xf32> to vector<1x128xf32>
      %sub3A_42 = arith.subf %add3A_39, %sub3A : vector<1x128xf32>
      %exp3A = math.exp %sub3A_42 : vector<1x128xf32>
      %reduce_sum3A_43 = arith.constant dense<0.000000e+00> : vector<1xf32>
      %reduce_sum3A_44 = vector.multi_reduction <add>, %exp3A, %reduce_sum3A_43 [1] : vector<1x128xf32> to vector<1xf32>
      %broadcast_in_dim3A_45 = vector.shape_cast %reduce_sum3A_44 : vector<1xf32> to vector<1x1xf32>
      %div3A = vector.broadcast %broadcast_in_dim3A_45 : vector<1x1xf32> to vector<1x128xf32>
      %div3A_46 = arith.divf %exp3A, %div3A : vector<1x128xf32>
      %swap3A = arith.constant 0 : index
      %swap3A_47 = arith.constant 0 : index
      %swap3A_48 = vector.load %arg6[%swap3A, %swap3A_47] : memref<1x128xf32, #tpu.memory_space<vmem>>, vector<1x128xf32>
      tpu.vector_store %arg6[%swap3A, %swap3A_47], %div3A_46 {strides = array<i32>} : memref<1x128xf32, #tpu.memory_space<vmem>>, vector<1x128xf32>,
    } else {
    }
    return
  }
  func.func @transform_0(%arg0: i32) -> (i32, i32, i32) {
    %c0_i32 = arith.constant 0 : i32
    %c0_i32_0 = arith.constant 0 : i32
    %c0_i32_1 = arith.constant 0 : i32
    return %c0_i32, %arg0, %c0_i32_0 : i32, i32, i32
  }
  func.func @transform_1(%arg0: i32) -> (i32, i32) {
    %c0_i32 = arith.constant 0 : i32
    %c0_i32_0 = arith.constant 0 : i32
    return %arg0, %c0_i32 : i32, i32
  }
  func.func @transform_2(%arg0: i32) -> (i32, i32) {
    %c0_i32 = arith.constant 0 : i32
    %c0_i32_0 = arith.constant 0 : i32
    %c0_i32_1 = arith.constant 0 : i32
    return %c0_i32, %c0_i32_0 : i32, i32
  }
  func.func @transform_3(%arg0: i32) -> (i32, i32) {
    %c0_i32 = arith.constant 0 : i32
    %c0_i32_0 = arith.constant 0 : i32
    %c0_i32_1 = arith.constant 0 : i32
    return %c0_i32, %c0_i32_0 : i32, i32
  }
  func.func @transform_4(%arg0: i32) -> (i32, i32) {
    %c0_i32 = arith.constant 0 : i32
    %c0_i32_0 = arith.constant 0 : i32
    %c0_i32_1 = arith.constant 0 : i32
    return %c0_i32, %c0_i32_0 : i32, i32
  }
  func.func @transform_5(%arg0: i32) -> (i32, i32) {
    %c0_i32 = arith.constant 0 : i32
    %c0_i32_0 = arith.constant 0 : i32
    %c0_i32_1 = arith.constant 0 : i32
    return %c0_i32, %c0_i32_0 : i32, i32
  }
}

</mosaic_0001>

<sc_bundles>
// kernel: kernel.11.cloned.1.call-start
scs
__scs_entry_jumppad:
0x0: {  	(pc) =	sbr.rel $0x88, $3  }
0x1: {  	(tag) =	ssettag $0x0;
	lr =	simm.s32 $0x1  }
0x2: {  	[smem:$0x3F96] =	sst lr;
	_ =	strace $0xD0000000  }
0x3: {  	_ = 	snop  }
0x4: {  	_ = 	snop  }
0x5: {  	_ = 	snop  }
0x6: {  	_ = 	snop  }
0x7: {  	_ = 	snop  }
__scs_overlays_trampoline_lowered:
0x8: {  	[smem:$0x3FA5] =	sst s0  }
0x9: {  	[smem:$0x3FA6] =	sst s1  }
0xa: {  	[smem:$0x3FA7] =	sst s2  }
0xb: {  	[smem:$0x3FA8] =	sst s3  }
0xc: {  	[smem:$0x3FA9] =	sst s4  }
0xd: {  	[smem:$0x3FAA] =	sst s5  }
0xe: {  	[smem:$0x3FAB] =	sst s6  }
0xf: {  	[smem:$0x3FAC] =	sst s7  }
0x10: {  	[smem:$0x3FAD] =	sst s8  }
0x11: {  	[smem:$0x3FAE] =	sst s9;
	s0 =	simm.s32 @!p0 $0x0  }
0x12: {  	s1 =	sld [smem:$0x3F94];
	s0 =	simm.s32 @p0 $0x1  }
0x13: {  	[smem:$0x3FAF] =	sst s0;
	s0 =	simm.s32 @!p1 $0x0  }
0x14: {  	s2 =	sld [smem:$0x3F93];
	s0 =	simm.s32 @p1 $0x1  }
0x15: {  	[smem:$0x3FB0] =	sst s0;
	s0 =	simm.s32 @!p2 $0x0  }
0x16: {  	s3 =	sld [smem:$0x3FDB];
	s0 =	simm.s32 @p2 $0x1  }
0x17: {  	s4 =	simm.s32 $0x1BF5;
	[smem:$0x3FB2] =	sst s0  }
0x18: {  	s0 =	sld [smem:$0x3F95];
	_ =	swait.ge [sflag:s4], $0x0  }
0x19: {  	s7 =	sld [smem:$0x3F96]  }
0x1a: {  	s8 =	sadd.s32 $0xFFFFE003, lr  }
0x1b: {  	s9 =	sadd.s32 $0xFFFFFEF7, lr;
	s5 =	simm.s32 $0xFFFFFFFF;
	p2 =	slt.u32 s8, $0xFFFFF086  }
0x1c: {  	p1 =	slt.u32 s9, $0xF7A;
	s5 =	simm.s32 @!p2 $0x0  }
0x1d: {  	s5 =	simm.s32 @p1 $0x1;
	p0 =	seq.s32 s7, s2  }
0x1e: {  	s7 =	smul.u32 @!p0 $0xF7A, s2;
	p2 =	seq.s32 @!p0 s5, $0x0  }
0x1f: {  	s9 =	smul.u32 $0xF7A, s1;
	s8 =	simm.s32 @!p0 $0x1BF5;
	p2 =	por !p2, p0  }
0x20: {  	[sflag:s8] =	ssyncset.s32 @!p0 $0xFFFFF086;
	s6 =	sadd.s32 @!p0 s3, s7;
	s7 =	simm.s32 @!p0 $0x108  }
0x21: {  	s3 =	sadd.s32 s3, s9;
	s6 =	sadd.s32 @!p0 $0x88, s6;
	s7 =	simm.s32 @p2 $0x1082  }
0x22: {  	[simem:s7], [sflag:s8] =	dma.local @!p0 [hbm:s6], $0xF7A  }
0x23: {  	s9 =	sor.u32 $0xD0000000, s2;
	s6 =	simm.s32 $0x108;
	_ =	swait.ge @!p0 [sflag:s8], $0x0  }
0x24: {  	s3 =	sadd.s32 $0x88, s3;
	s6 =	simm.s32 @!p1 $0x1082;
	[sflag:s4] =	ssyncset.s32 $0xFFFFF086  }
0x25: {  	[simem:s6], [sflag:s4] =	dma.local [hbm:s3], $0xF7A  }
0x26: {  	[smem:$0x3F96] =	sst s1;
	(tag) =	ssettag s2;
	_ =	strace s9  }
0x27: {  	s1 =	sld [smem:$0x3FA6]  }
0x28: {  	s2 =	sld [smem:$0x3FA7]  }
0x29: {  	s4 =	sld [smem:$0x3FA9]  }
0x2a: {  	p0 =	seq.s32 s5, $0x0;
	s5 =	sld [smem:$0x3FAA]  }
0x2b: {  	s6 =	sld [smem:$0x3FAB]  }
0x2c: {  	s7 =	sld [smem:$0x3FAC]  }
0x2d: {  	s3 =	simm.s32 $0x108;
	s8 =	sld [smem:$0x3FAD]  }
0x2e: {  	s3 =	simm.s32 @!p0 $0x1082;
	s9 =	sld [smem:$0x3FAE]  }
0x2f: {  	lr =	sadd.s32 s0, s3;
	s0 =	sld [smem:$0x3FA5]  }
0x30: {  	s3 =	sld [smem:$0x3FA8]  }
0x31: {  	[smem:$0x3FB1] =	sst s10  }
0x32: {  	s10 =	sld [smem:$0x3FAF];
	_ =	sdelay $0x3  }
0x33: {  	p0 =	seq.s32 s10, $0x1;
	s10 =	sld [smem:$0x3FB1];
	_ =	sdelay $0x3  }
0x34: {  	[smem:$0x3FB1] =	sst s10  }
0x35: {  	s10 =	sld [smem:$0x3FB0];
	_ =	sdelay $0x3  }
0x36: {  	p1 =	seq.s32 s10, $0x1;
	s10 =	sld [smem:$0x3FB1];
	_ =	sdelay $0x3  }
0x37: {  	[smem:$0x3FB1] =	sst s10  }
0x38: {  	s10 =	sld [smem:$0x3FB2]  }
0x39: {  	_ = 	snop;
	(pc) =	sbr.ind lr, $3  }
0x3a: {  	_ = 	snop  }
0x3b: {  	_ = 	snop  }
0x3c: {  	p2 =	seq.s32 s10, $0x1;
	s10 =	sld [smem:$0x3FB1]  }
0x3d: {  	_ =	shalt  }
0x3e: {  	_ =	shalt  }
0x3f: {  	_ =	shalt  }
0x40: {  	_ =	shalt  }
0x41: {  	_ =	shalt  }
0x42: {  	_ =	shalt  }
0x43: {  	_ =	shalt  }
0x44: {  	_ =	shalt  }
0x45: {  	_ =	shalt  }
0x46: {  	_ =	shalt  }
0x47: {  	_ =	shalt  }
0x48: {  	_ =	shalt  }
0x49: {  	_ =	shalt  }
0x4a: {  	_ =	shalt  }
0x4b: {  	_ =	shalt  }
0x4c: {  	_ =	shalt  }
0x4d: {  	_ =	shalt  }
0x4e: {  	_ =	shalt  }
0x4f: {  	_ =	shalt  }
0x50: {  	_ =	shalt  }
0x51: {  	_ =	shalt  }
0x52: {  	_ =	shalt  }
0x53: {  	_ =	shalt  }
0x54: {  	_ =	shalt  }
0x55: {  	_ =	shalt  }
0x56: {  	_ =	shalt  }
0x57: {  	_ =	shalt  }
0x58: {  	_ =	shalt  }
0x59: {  	_ =	shalt  }
0x5a: {  	_ =	shalt  }
0x5b: {  	_ =	shalt  }
0x5c: {  	_ =	shalt  }
0x5d: {  	_ =	shalt  }
0x5e: {  	_ =	shalt  }
0x5f: {  	_ =	shalt  }
0x60: {  	_ =	shalt  }
0x61: {  	_ =	shalt  }
0x62: {  	_ =	shalt  }
0x63: {  	_ =	shalt  }
0x64: {  	_ =	shalt  }
0x65: {  	_ =	shalt  }
0x66: {  	_ =	shalt  }
0x67: {  	_ =	shalt  }
0x68: {  	_ =	shalt  }
0x69: {  	_ =	shalt  }
0x6a: {  	_ =	shalt  }
0x6b: {  	_ =	shalt  }
0x6c: {  	_ =	shalt  }
0x6d: {  	_ =	shalt  }
0x6e: {  	_ =	shalt  }
0x6f: {  	_ =	shalt  }
0x70: {  	_ =	shalt  }
0x71: {  	_ =	shalt  }
0x72: {  	_ =	shalt  }
0x73: {  	_ =	shalt  }
0x74: {  	_ =	shalt  }
0x75: {  	_ =	shalt  }
0x76: {  	_ =	shalt  }
0x77: {  	_ =	shalt  }
0x78: {  	_ =	shalt  }
0x79: {  	_ =	shalt  }
0x7a: {  	_ =	shalt  }
0x7b: {  	_ =	shalt  }
0x7c: {  	_ =	shalt  }
0x7d: {  	_ =	shalt  }
0x7e: {  	_ =	shalt  }
0x7f: {  	_ =	shalt  }
0x80: {  	_ =	shalt  }
0x81: {  	_ =	shalt  }
0x82: {  	_ =	shalt  }
0x83: {  	_ =	shalt  }
0x84: {  	_ =	shalt  }
0x85: {  	_ =	shalt  }
0x86: {  	_ =	shalt  }
0x87: {  	_ =	shalt  }
.Lfunc_end0:
.L_simem_size_0:
called_computation.1_lowered:
.L_overlay_start_0:
0x88: {  	s2 =	sld [smem:$0x3FD9]  }
0x89: {  	s3 =	sld [smem:$0x3FFE];
	_ =	sdelay $0x1  }
0x8a: {  	s1 =	srdreg.scid  }
0x8b: {  	s0 =	sand.u32 $0x1, s1  }
0x8c: {  	s16 =	sshll.u32 s0, $0xA;
	s2 =	sadd.s32 s3, s2  }
0x8d: {  	s2 =	sadd.s32 s2, s16  }
0x8e: {  	[smem:$0x3FBD] =	sst s2  }
0x8f: {  	_ = 	snop  }
0x90: {  	(tm) =	ssettm $0x1  }
0x91: {  	s17 =	sld [smem:$0x3FFB];
	_ =	sdelay $0x3  }
0x92: {  	_ =	strace s17  }
0x93: {  	s2 =	sld [smem:$0x3FFC];
	_ =	sdelay $0x3  }
0x94: {  	_ =	strace s2  }
0x95: {  	s2 =	sld [smem:$0x3FFD];
	_ =	sdelay $0x3  }
0x96: {  	_ =	strace s2  }
0x97: {  	_ =	strace $0x8FFFFFFF  }
0x98: {  	s18 =	sld [smem:$0x3FDB];
	_ =	sdelay $0x1  }
0x99: {  	s19 =	simm.s32 $_scs_section_size  }
0x9a: {  	s4 =	simm.s32 $_size__tile_overlayer_lowered;
	s5 =	simm.s32 $_tile_overlayer_lowered  }
0x9b: {  	s22 =	simm.s32 $0x1BFF;
	s21 =	sshll.u32 s5, $0x1;
	s2 =	sadd.s32 s19, s18  }
0x9c: {  	s6 =	simm.s32 $0x0;
	s20 =	sshll.u32 s4, $0x1;
	s4 =	sadd.s32 s21, s2  }
0x9d: {  	[timem:s6], [sflag:s22] =	dma.local [hbm:s4], s20  }
0x9e: {  	_ =	swait.ge [sflag:s22], s20  }
0x9f: {  	s3 =	ssub.s32 $0x0, s20;
	[sflag:s22] =	ssyncset.done $0x0  }
0xa0: {  	[sflag:s22] =	ssyncadd.s32 s3;
	_ =	sdelay $0x1  }
0xa1: {  	s23 =	simm.s32 $0x1B8B  }
0xa2: {  	_ =	swait.ge [sflag:s23], $0x1  }
0xa3: {  	[sflag:s23] =	ssyncset.done $0x0  }
0xa4: {  	s25 =	simm.s32 $0x1B8E;
	s24 =	sld [smem:$0x3FFE];
	[sflag:s23] =	ssyncadd.s32 $0xFFFFFFFF  }
0xa5: {  	s26 =	simm.s32 $execute0_lowered;
	[smem:$0x3FD2] =	sst s25  }
0xa6: {  	s4 =	sshll.u32 s26, $0x1;
	_ =	strace $0x80000049;
	[dreg:$0x1] =	wrdreg $0xFFFFFFFF  }
0xa7: {  	s28 =	simm.s32 $_size_execute0_lowered;
	s2 =	sadd.s32 s2, s4;
	[dreg:$0x0] =	wrdreg $0x0  }
0xa8: {  	s4 =	sshll.u32 s28, $0x1;
	[dreg:$0x2] =	wrdreg s2  }
0xa9: {  	[dreg:$0x3] =	wrdreg s4  }
0xaa: {  	[dreg:$0x4] =	wrdreg $0xC0  }
0xab: {  	_ =	task [dreg:s6], $0x5FFFF  }
0xac: {  	[dreg:$0x1] =	wrdreg $0xFFFFFFFF  }
0xad: {  	[dreg:$0x0] =	wrdreg $0x60  }
0xae: {  	[dreg:$0x2] =	wrdreg s24  }
0xaf: {  	[dreg:$0x3] =	wrdreg $0xA0000  }
0xb0: {  	[dreg:$0x4] =	wrdreg $0x9  }
0xb1: {  	_ =	task.clear_ibuf [dreg:s6], $0x5FFFF;
	_ =	strace $0x90000049  }
0xb2: {  	s29 =	simm.s32 $0x9;
	_ =	strace $0x8000004B  }
0xb3: {  	_ =	swait.ge [sflag:s29], $0x1  }
0xb4: {  	[sflag:s29] =	ssyncadd.s32 $0xFFFFFFFF  }
0xb5: {  	_ =	strace $0x9000004B  }
0xb6: {  	_ =	sfence  }
0xb7: {  	s30 =	sld [smem:$0x0];
	_ =	sdelay $0x2  }
0xb8: {  	s31 =	sshll.u32 s1, $0xD;
	s1 =	sshrl.u32 s1, $0x2  }
0xb9: {  	s3 =	sand.u32 $0x4000, s31;
	s1 =	sadd.s32 s1, s30  }
0xba: {  	s0 =	sor.u32 s3, s0;
	s1 =	sshll.u32 s1, $0x11  }
0xbb: {  	s0 =	sor.u32 s1, s0  }
0xbc: {  	s0 =	sadd.s32 $0x8F2B, s0  }
0xbd: {  	[sflag:s0] =	ssyncadd.remote.s32 $0x1  }
0xbe: {  	_ =	sfence.sel $0xFFFF  }
0xbf: {  	[dreg:$0x0] =	wrdreg $0xFFFFFFFF;
	(pc) =	sbr.abs _section_cstart, $3  }
0xc0: {  	[dreg:$0x1] =	wrdreg $0xFFFFFFFF  }
0xc1: {  	_ =	task.clear_ibuf [dreg:s6], $0x2FFFF;
	_ =	strace $0x9FFFFFFF  }
0xc2: {  	(tm) =	ssettm $0x7FFFFFFF  }
0xc3: {  	_ =	shalt  }
tec
execute0_lowered:
.L_overlay_start_1:
0x0: {  	(tag) =	ssettag $0x1  }
0x1: {  	s0 =	rddreg [dreg:$0x0]  }
0x2: {  	s1 =	rddreg [dreg:$0x1]  }
0x3: {  	s2 =	simm.s32 $0x0;
	s3 =	srdreg.scid;
	s12 =	stileid.u32  }
0x4: {  	s17 =	simm.s32 $0x3;
	s28 =	simm.s32 $0x2;
	s29 =	simm.s32 $0x0  }
0x5: {  	[smem:$0x7FF] =	sst s2;
	s4 =	sadd.s32 $0x17000, s0;
	s9 =	smul.u32 $0x50000, s12  }
0x6: {  	s3 =	sand.u32 $0x1, s3;
	s5 =	sadd.s32 $0x3000, s0;
	s11 =	smul.u32 $0x500, s12  }
0x7: {  	s6 =	sadd.s32 $0xD000, s0;
	s10 =	sadd.s32 $0x14F800, s0;
	s31 =	smul.u32 $0x2800, s12  }
0x8: {  	s23 =	sshll.u32 s12, $0x6;
	_ =	strace $0x8000004A;
	s7 =	smul.u32 $0x28000, s3  }
0x9: {  	s8 =	ssub.s32 $0x2, s3;
	[dreg:$0x4] =	wrdreg s10;
	p0 =	seq.s32 s3, $0x0  }
0xa: {  	[dreg:$0x5] =	wrdreg s23;
	s20 =	sshrl.u32 s8, $0x1;
	s22 =	sshrl.u32 s9, $0x2  }
0xb: {  	s3 =	sadd.s32 $0x5000, s11;
	s9 =	sor.u32 $0x1C04, s23;
	s23 =	simm.s32 $0x6000  }
0xc: {  	s0 =	sadd.s32 s7, s0;
	s21 =	ssub.s32 s8, s20;
	s8 =	sadd.s32 s22, s1  }
0xd: {  	[dreg:$0x6] =	wrdreg s9;
	s3 =	smov.u32 @p0 s11;
	s20 =	simm.s32 $0x80  }
0xe: {  	s22 =	simm.s32 $0x4;
	s24 =	sadd.s32 s5, s3;
	s25 =	sadd.s32 s6, s3  }
0xf: {  	s26 =	sadd.s32 $0x100, s3;
	s0 =	sadd.s32 $0x152000, s0;
	s14 =	smax.u32 s21, $0x1  }
0x10: {  	s3 =	sadd.s32 $0x200, s3;
	s15 =	sshrl.u32 s8, $0x3;
	[dreg:$0x7] =	wrdreg s24  }
0x11: {  	s21 =	simm.s32 $0x2000;
	[dreg:$0x8] =	wrdreg s25;
	s30 =	sadd.s32 s5, s26  }
0x12: {  	s13 =	sadd.s32 s6, s26;
	[dreg:$0x3] =	wrdreg s3;
	s24 =	sadd.s32 s31, s0  }
0x13: {  	s25 =	simm.s32 $0x1;
	s26 =	simm.s32 $0x5;
	[dreg:$0x9] =	wrdreg s30  }
.LBB2_1:
0x14: {  	s0 =	rddreg [dreg:$0x4]  }
0x15: {  	s3 =	rddreg [dreg:$0x6]  }
0x16: {  	[spmem:s15], [sflag:s3] =	dma.local [hbm:s0], $0x2800  }
0x17: {  	s0 =	rddreg [dreg:$0x7]  }
0x18: {  	[tilespmem:s2], [sflag:$0x3] =	stream.linear.gather [hbm4b:s0+s2], $0x800, $0x38;
	[tilespmem:$0x1E000] =	vst v63  }
0x19: {  	s11 =	simm.s32 $0x1000;
	s10 =	rddreg [dreg:$0x8]  }
0x1a: {  	[tilespmem:s11], [sflag:$0x3] =	stream.linear.gather [hbm4b:s10+s2], $0x800, $0x38;
	[tilespmem:$0x1E000] =	vst v63  }
0x1b: {  	_ =	swait.ge [sflag:s17], $0x800  }
0x1c: {  	[sflag:s17] =	ssyncset.done $0x0  }
0x1d: {  	[sflag:s17] =	ssyncadd.s32 $0xFFFFF800  }
0x1e: {  	_ =	swait.ge [sflag:s17], $0x800  }
0x1f: {  	[sflag:s17] =	ssyncset.done $0x0  }
0x20: {  	s16 =	simm.s32 $0x800;
	s12 =	rddreg [dreg:$0x9];
	[sflag:s17] =	ssyncadd.s32 $0xFFFFF800  }
0x21: {  	[tilespmem:s16], [sflag:$0x3] =	stream.linear.gather [hbm4b:s12+s2], $0x800, $0x38;
	[tilespmem:$0x1E000] =	vst v63  }
0x22: {  	s18 =	simm.s32 $0x1800  }
0x23: {  	[tilespmem:s18], [sflag:$0x3] =	stream.linear.gather [hbm4b:s13+s2], $0x800, $0x38;
	[tilespmem:$0x1E000] =	vst v63  }
0x24: {  	_ = 	snop  }
0x25: {  	[tilespmem:s21], [sflag:$0x1] =	stream.indirect.gather [hbm4b:s4+s20], $0x80, s2, s20, $0xb8;
	[tilespmem:$0x1E000] =	vst v63  }
0x26: {  	s19 =	simm.s32 $0x0;
	s7 =	sand.u32 $0x7, s2;
	_ =	swait.ge [sflag:s22], $0x2800  }
0x27: {  	s8 =	sshll.u32 s7, $0x8;
	s3 =	sand.u32 $0x800, s19;
	[sflag:s22] =	ssyncset.done $0x0  }
0x28: {  	s0 =	sor.u32 s3, s8;
	[sflag:s22] =	ssyncadd.s32 $0xFFFFD800  }
0x29: {  	p0 =	seq.s32 s7, $0x7;
	s0 =	sor.u32 $0x80, s0;
	[bflag:$0x0] =	sbarrier.arrive $0xFFFF  }
0x2a: {  	[tilespmem:s23], [sflag:$0x2] =	stream.indirect.gather [hbm4b:s4+s20], $0x80, s0, s20, $0xb8;
	[tilespmem:$0x1E000] =	vst v63  }
0x2b: {  	s31 =	sor.u32 $0x1000, s3;
	s8 =	sshll.u32 s7, $0xA;
	_ =	swait.ge [sflag:s25], $0x4000  }
0x2c: {  	s9 =	sshrl.u32 @!p0 s8, $0x2;
	s8 =	sshrl.u32 s8, $0x2;
	[sflag:s25] =	ssyncset.done $0x0  }
0x2d: {  	s8 =	sor.u32 s8, s31;
	[sflag:s25] =	ssyncadd.s32 $0xFFFFC000  }
0x2e: {  	[spmem:s1] =	stream.indirect.scatter.add.f32 [tilespmem:s21], [sflag:$0x5], $0x80, s8, s20, $0xb8;
	[tilespmem:$0x1E000] =	vst v63  }
0x2f: {  	s9 =	sadd.s32 @!p0 s9, s3;
	s10 =	sand.u32 $0x27, s2;
	_ =	swait.ge [sflag:s26], $0x4000  }
0x30: {  	s11 =	simm.s32 @!p0 $0x80;
	p1 =	sne.s32 s10, $0x7;
	[sflag:s26] =	ssyncset.done $0x0  }
0x31: {  	s8 =	sadd.s32 @!p0 $0x100, s9;
	s9 =	simm.s32 @!p0 $0x2000;
	[sflag:s26] =	ssyncadd.s32 $0xFFFFC000  }
0x32: {  	[tilespmem:s9], [sflag:$0x1] =	stream.indirect.gather @!p0 [hbm4b:s4+s11], $0x80, s8, s11, $0xb8;
	[tilespmem:$0x1E000] =	vst v63  }
0x33: {  	s8 =	simm.s32 @!p1 $0x3  }
0x34: {  	_ =	swait.ge @!p1 [sflag:s8], $0x800  }
0x35: {  	[sflag:s8] =	ssyncset.done @!p1 $0x0  }
0x36: {  	[sflag:s8] =	ssyncadd.s32 @!p1 $0xFFFFF800  }
0x37: {  	_ =	swait.ge @!p1 [sflag:s8], $0x800  }
0x38: {  	s10 =	simm.s32 @!p1 $0x2000;
	[sflag:s8] =	ssyncset.done @!p1 $0x0  }
0x39: {  	s9 =	sxor.u32 @!p1 $0x800, s3;
	[sflag:s8] =	ssyncadd.s32 @!p1 $0xFFFFF800;
	s8 =	simm.s32 @!p1 $0x80  }
0x3a: {  	[tilespmem:s10], [sflag:$0x1] =	stream.indirect.gather @!p1 [hbm4b:s4+s8], $0x80, s9, s8, $0xb8;
	[tilespmem:$0x1E000] =	vst v63  }
0x3b: {  	s30 =	simm.s32 $0x1;
	_ =	swait.ge [sflag:s28], $0x4000  }
0x3c: {  	s16 =	simm.s32 $0x2;
	p0 =	por $0x0, $0x0;
	[sflag:s28] =	ssyncset.done $0x0  }
0x3d: {  	s0 =	sor.u32 $0x1000, s0;
	p1 =	sne.s32 @!p0 s7, $0x7;
	[sflag:s28] =	ssyncadd.s32 $0xFFFFC000  }
0x3e: {  	[spmem:s1] =	stream.indirect.scatter.add.f32 [tilespmem:s23], [sflag:$0x5], $0x80, s0, s20, $0xb8;
	[tilespmem:$0x1E000] =	vst v63  }
0x3f: {  	s10 =	simm.s32 $0x100;
	p2 =	por p1, p0;
	s0 =	sand.u32 $0x7, s30  }
0x40: {  	s7 =	simm.s32 @!p2 $0x0;
	_ =	swait.ge [sflag:s26], $0x4000;
	s19 =	sshll.u32 s0, $0xA  }
0x41: {  	p0 =	seq.s32 s0, $0x7;
	s11 =	sshll.u32 s0, $0x8;
	s8 =	rddreg [dreg:$0x3]  }
0x42: {  	[sflag:s26] =	ssyncset.done $0x0;
	s9 =	sshrl.u32 @!p0 s19, $0x2;
	s8 =	sadd.s32 @!p2 $0x0, s8  }
.LBB2_2:
0x43: {  	s10 =	sand.u32 $0x800, s10;
	[sflag:s26] =	ssyncadd.s32 $0xFFFFC000;
	s12 =	sadd.s32 @!p2 s5, s8  }
0x44: {  	[tilespmem:s3], [sflag:$0x3] =	stream.linear.gather @!p2 [hbm4b:s12+s7], $0x800, $0x38;
	[tilespmem:$0x1E000] =	vst v63  }
0x45: {  	s8 =	sadd.s32 @!p2 s6, s8;
	s12 =	sor.u32 s10, s11  }
0x46: {  	[tilespmem:s31], [sflag:$0x3] =	stream.linear.gather @!p2 [hbm4b:s8+s7], $0x800, $0x38;
	[tilespmem:$0x1E000] =	vst v63  }
0x47: {  	s7 =	sor.u32 $0x80, s12  }
0x48: {  	[tilespmem:s23], [sflag:$0x2] =	stream.indirect.gather [hbm4b:s4+s20], $0x80, s7, s20, $0xb8;
	[tilespmem:$0x1E000] =	vst v63  }
0x49: {  	_ =	swait.ge [sflag:s25], $0x4000  }
0x4a: {  	s11 =	sshrl.u32 s19, $0x2;
	s31 =	sor.u32 $0x1000, s10;
	[sflag:s25] =	ssyncset.done $0x0  }
0x4b: {  	s9 =	sadd.s32 @!p0 s9, s10;
	s12 =	sor.u32 s11, s31;
	[sflag:s25] =	ssyncadd.s32 $0xFFFFC000  }
0x4c: {  	[spmem:s1] =	stream.indirect.scatter.add.f32 [tilespmem:s21], [sflag:$0x5], $0x80, s12, s20, $0xb8;
	[tilespmem:$0x1E000] =	vst v63  }
0x4d: {  	s3 =	smov.u32 s10;
	s19 =	sand.u32 $0x27, s30;
	_ =	swait.ge [sflag:s26], $0x4000  }
0x4e: {  	s8 =	sadd.s32 @!p0 $0x100, s9;
	s9 =	simm.s32 @!p0 $0x2000;
	[sflag:s26] =	ssyncset.done $0x0  }
0x4f: {  	s10 =	simm.s32 @!p0 $0x80;
	p2 =	sne.s32 s19, $0x7;
	[sflag:s26] =	ssyncadd.s32 $0xFFFFC000  }
0x50: {  	[tilespmem:s9], [sflag:$0x1] =	stream.indirect.gather @!p0 [hbm4b:s4+s10], $0x80, s8, s10, $0xb8;
	[tilespmem:$0x1E000] =	vst v63  }
0x51: {  	s8 =	simm.s32 @!p2 $0x3  }
0x52: {  	_ =	swait.ge @!p2 [sflag:s8], $0x800  }
0x53: {  	[sflag:s8] =	ssyncset.done @!p2 $0x0  }
0x54: {  	s18 =	smov.u32 s16;
	s16 =	sadd.s32 $0x1, s16;
	[sflag:s8] =	ssyncadd.s32 @!p2 $0xFFFFF800  }
0x55: {  	p1 =	sne.s32 s16, $0x28;
	_ =	swait.ge @!p2 [sflag:s8], $0x800  }
0x56: {  	s9 =	sxor.u32 @!p2 $0x800, s3;
	s10 =	simm.s32 @!p2 $0x2000;
	[sflag:s8] =	ssyncset.done @!p2 $0x0  }
0x57: {  	p0 =	sgt.u32 s30, $0x17;
	[sflag:s8] =	ssyncadd.s32 @!p2 $0xFFFFF800;
	s8 =	simm.s32 @!p2 $0x80  }
0x58: {  	[tilespmem:s10], [sflag:$0x1] =	stream.indirect.gather @!p2 [hbm4b:s4+s8], $0x80, s9, s8, $0xb8;
	[tilespmem:$0x1E000] =	vst v63  }
0x59: {  	s7 =	sor.u32 $0x1000, s7;
	p2 =	sne.s32 @!p0 s0, $0x7;
	s0 =	sshrl.u32 s30, $0x3  }
0x5a: {  	s10 =	sshll.u32 s18, $0x8;
	_ =	swait.ge [sflag:s28], $0x4000;
	p2 =	por p2, p0  }
0x5b: {  	s30 =	smov.u32 s18;
	[sflag:s28] =	ssyncset.done $0x0;
	s8 =	sshll.u32 @!p2 s0, $0x8  }
.Ltmp0:
0x5c: {  	s0 =	sand.u32 $0x7, s18;
	[sflag:s28] =	ssyncadd.s32 $0xFFFFC000;
	(pc) =	sbr.rel @p1 .LBB2_2-.Ltmp0, $4  }
0x5d: {  	[spmem:s1] =	stream.indirect.scatter.add.f32 [tilespmem:s23], [sflag:$0x5], $0x80, s7, s20, $0xb8;
	[tilespmem:$0x1E000] =	vst v63  }
0x5e: {  	s19 =	sshll.u32 s0, $0xA;
	p0 =	seq.s32 s0, $0x7;
	_ =	swait.ge [sflag:s26], $0x4000  }
0x5f: {  	s11 =	sshll.u32 s0, $0x8;
	s7 =	simm.s32 @!p2 $0x0;
	s12 =	rddreg [dreg:$0x3]  }
0x60: {  	s9 =	sshrl.u32 @!p0 s19, $0x2;
	[sflag:s26] =	ssyncset.done $0x0;
	s8 =	sadd.s32 @!p2 s12, s8  }
0x61: {  	s10 =	sand.u32 $0x800, s10;
	[sflag:s26] =	ssyncadd.s32 $0xFFFFC000;
	s12 =	sadd.s32 @!p2 s5, s8  }
0x62: {  	[tilespmem:s3], [sflag:$0x3] =	stream.linear.gather @!p2 [hbm4b:s12+s7], $0x800, $0x38;
	[tilespmem:$0x1E000] =	vst v63  }
0x63: {  	s8 =	sadd.s32 @!p2 s6, s8;
	s16 =	sor.u32 s10, s11  }
0x64: {  	[tilespmem:s31], [sflag:$0x3] =	stream.linear.gather @!p2 [hbm4b:s8+s7], $0x800, $0x38;
	[tilespmem:$0x1E000] =	vst v63  }
0x65: {  	s3 =	sor.u32 $0x80, s16  }
0x66: {  	[tilespmem:s23], [sflag:$0x2] =	stream.indirect.gather [hbm4b:s4+s20], $0x80, s3, s20, $0xb8;
	[tilespmem:$0x1E000] =	vst v63  }
0x67: {  	_ =	swait.ge [sflag:s25], $0x4000  }
0x68: {  	s18 =	sshrl.u32 s19, $0x2;
	s7 =	sor.u32 $0x1000, s10;
	[sflag:s25] =	ssyncset.done $0x0  }
0x69: {  	s8 =	sor.u32 s18, s7;
	[sflag:s25] =	ssyncadd.s32 $0xFFFFC000  }
0x6a: {  	[spmem:s1] =	stream.indirect.scatter.add.f32 [tilespmem:s21], [sflag:$0x5], $0x80, s8, s20, $0xb8;
	[tilespmem:$0x1E000] =	vst v63  }
0x6b: {  	s19 =	sand.u32 $0x27, s30;
	s9 =	sadd.s32 @!p0 s9, s10;
	_ =	swait.ge [sflag:s26], $0x4000  }
0x6c: {  	s12 =	simm.s32 @!p0 $0x80;
	p1 =	sne.s32 s19, $0x7;
	[sflag:s26] =	ssyncset.done $0x0  }
0x6d: {  	s8 =	sadd.s32 @!p0 $0x100, s9;
	s9 =	simm.s32 @!p0 $0x2000;
	[sflag:s26] =	ssyncadd.s32 $0xFFFFC000  }
0x6e: {  	[tilespmem:s9], [sflag:$0x1] =	stream.indirect.gather @!p0 [hbm4b:s4+s12], $0x80, s8, s12, $0xb8;
	[tilespmem:$0x1E000] =	vst v63  }
0x6f: {  	s8 =	simm.s32 @!p1 $0x3  }
0x70: {  	_ =	swait.ge @!p1 [sflag:s8], $0x800  }
0x71: {  	[sflag:s8] =	ssyncset.done @!p1 $0x0  }
0x72: {  	[sflag:s8] =	ssyncadd.s32 @!p1 $0xFFFFF800  }
0x73: {  	_ =	swait.ge @!p1 [sflag:s8], $0x800  }
0x74: {  	s11 =	simm.s32 @!p1 $0x2000;
	[sflag:s8] =	ssyncset.done @!p1 $0x0  }
0x75: {  	s9 =	sxor.u32 @!p1 $0x800, s10;
	[sflag:s8] =	ssyncadd.s32 @!p1 $0xFFFFF800;
	s8 =	simm.s32 @!p1 $0x80  }
0x76: {  	[tilespmem:s11], [sflag:$0x1] =	stream.indirect.gather @!p1 [hbm4b:s4+s8], $0x80, s9, s8, $0xb8;
	[tilespmem:$0x1E000] =	vst v63  }
0x77: {  	_ =	swait.ge [sflag:s28], $0x4000  }
0x78: {  	p0 =	sgt.u32 s30, $0x17;
	[sflag:s28] =	ssyncset.done $0x0  }
0x79: {  	s3 =	sor.u32 $0x1000, s3;
	p1 =	sne.s32 @!p0 s0, $0x7;
	[sflag:s28] =	ssyncadd.s32 $0xFFFFC000  }
0x7a: {  	[spmem:s1] =	stream.indirect.scatter.add.f32 [tilespmem:s23], [sflag:$0x5], $0x80, s3, s20, $0xb8;
	[tilespmem:$0x1E000] =	vst v63  }
0x7b: {  	p0 =	por p1, p0;
	s3 =	sshrl.u32 s30, $0x3;
	_ =	swait.ge [sflag:s26], $0x4000  }
0x7c: {  	s3 =	sshll.u32 @!p0 s3, $0x8;
	s0 =	rddreg [dreg:$0x3]  }
0x7d: {  	[sflag:s26] =	ssyncset.done $0x0;
	s0 =	sadd.s32 @!p0 s0, s3  }
0x7e: {  	s3 =	simm.s32 @!p0 $0x0;
	[sflag:s26] =	ssyncadd.s32 $0xFFFFC000;
	s8 =	sadd.s32 @!p0 s5, s0  }
0x7f: {  	[tilespmem:s10], [sflag:$0x3] =	stream.linear.gather @!p0 [hbm4b:s8+s3], $0x800, $0x38;
	[tilespmem:$0x1E000] =	vst v63  }
0x80: {  	s0 =	sadd.s32 @!p0 s6, s0  }
0x81: {  	[tilespmem:s7], [sflag:$0x3] =	stream.linear.gather @!p0 [hbm4b:s0+s3], $0x800, $0x38;
	[tilespmem:$0x1E000] =	vst v63  }
0x82: {  	s29 =	sadd.s32 $0x1, s29;
	[bflag:$0x0] =	sbarrier.arrive $0xFFFF  }
0x83: {  	p0 =	sne.s32 s29, s14;
	s31 =	rddreg [dreg:$0x5]  }
.Ltmp1:
0x84: {  	s0 =	sor.u32 $0x1C05, s31;
	(pc) =	sbr.rel @p0 .LBB2_1-.Ltmp1, $4  }
0x85: {  	[hbm:s24], [sflag:s0] =	dma.local [spmem:s15], $0x2800  }
0x86: {  	_ =	swait.ge [sflag:s26], $0x2800  }
0x87: {  	[sflag:s26] =	ssyncset.done $0x0  }
0x88: {  	[sflag:s26] =	ssyncadd.s32 $0xFFFFD800  }
0x89: {  	_ =	sfence.sel $0x180000  }
0x8a: {  	[bflag:$0x0] =	sbarrier.arrive $0xFFFF  }
0x8b: {  	_ =	strace $0x9000004A  }
0x8c: {  	s0 =	stileid.u32;
	[bflag:$0x2] =	sbarrier.arrive $0xFFFF  }
0x8d: {  	p0 =	sne.s32 s0, $0x0;
	s0 =	rddreg [dreg:$0x2]  }
0x8e: {  	s0 =	sadd.s32 @!p0 $0x100000, s0  }
0x8f: {  	[sflag:s0] =	ssyncadd.tile.s32 @!p0 $0x1;
	_ =	shalt  }
.Lfunc_end2:
_tile_overlayer_lowered:
.L_overlay_start_2:
0x90: {  	(tag) =	ssettag $0x2  }
0x91: {  	s0 =	rddreg [dreg:$0x0];
	s2 =	stileid.u32  }
0x92: {  	s1 =	rddreg [dreg:$0x1];
	p0 =	sne.s32 s2, $0x0  }
0x93: {  	s3 =	rddreg [dreg:$0x2];
	[bflag:$0x3] =	sbarrier.arrive $0xFFFF;
	s2 =	simm.s32 @!p0 $0x1C05  }
0x94: {  	[timem:s3], [sflag:s2] =	dma.local @!p0 [hbm:s0], s1  }
0x95: {  	s0 =	simm.s32 @!p0 $0x5  }
0x96: {  	_ =	swait.ge @!p0 [sflag:s0], s1  }
0x97: {  	s1 =	ssub.s32 @!p0 $0x0, s1;
	[sflag:s0] =	ssyncset.done @!p0 $0x0  }
0x98: {  	[sflag:s0] =	ssyncadd.s32 @!p0 s1  }
0x99: {  	[bflag:$0x3] =	sbarrier.arrive $0xFFFF  }
0x9a: {  	_ =	shalt  }

// kernel: kernel.8.cloned.1.call-start
scs
__scs_entry_jumppad:
0x0: {  	(pc) =	sbr.rel $0x88, $3  }
0x1: {  	(tag) =	ssettag $0x0;
	lr =	simm.s32 $0x1  }
0x2: {  	[smem:$0x3F96] =	sst lr;
	_ =	strace $0xD0000000  }
0x3: {  	_ = 	snop  }
0x4: {  	_ = 	snop  }
0x5: {  	_ = 	snop  }
0x6: {  	_ = 	snop  }
0x7: {  	_ = 	snop  }
__scs_overlays_trampoline_lowered:
0x8: {  	[smem:$0x3FA5] =	sst s0  }
0x9: {  	[smem:$0x3FA6] =	sst s1  }
0xa: {  	[smem:$0x3FA7] =	sst s2  }
0xb: {  	[smem:$0x3FA8] =	sst s3  }
0xc: {  	[smem:$0x3FA9] =	sst s4  }
0xd: {  	[smem:$0x3FAA] =	sst s5  }
0xe: {  	[smem:$0x3FAB] =	sst s6  }
0xf: {  	[smem:$0x3FAC] =	sst s7  }
0x10: {  	[smem:$0x3FAD] =	sst s8  }
0x11: {  	[smem:$0x3FAE] =	sst s9;
	s0 =	simm.s32 @!p0 $0x0  }
0x12: {  	s1 =	sld [smem:$0x3F94];
	s0 =	simm.s32 @p0 $0x1  }
0x13: {  	[smem:$0x3FAF] =	sst s0;
	s0 =	simm.s32 @!p1 $0x0  }
0x14: {  	s2 =	sld [smem:$0x3F93];
	s0 =	simm.s32 @p1 $0x1  }
0x15: {  	[smem:$0x3FB0] =	sst s0;
	s0 =	simm.s32 @!p2 $0x0  }
0x16: {  	s3 =	sld [smem:$0x3FDB];
	s0 =	simm.s32 @p2 $0x1  }
0x17: {  	s4 =	simm.s32 $0x1BF5;
	[smem:$0x3FB2] =	sst s0  }
0x18: {  	s0 =	sld [smem:$0x3F95];
	_ =	swait.ge [sflag:s4], $0x0  }
0x19: {  	s7 =	sld [smem:$0x3F96]  }
0x1a: {  	s8 =	sadd.s32 $0xFFFFE003, lr  }
0x1b: {  	s9 =	sadd.s32 $0xFFFFFEF7, lr;
	s5 =	simm.s32 $0xFFFFFFFF;
	p2 =	slt.u32 s8, $0xFFFFF086  }
0x1c: {  	p1 =	slt.u32 s9, $0xF7A;
	s5 =	simm.s32 @!p2 $0x0  }
0x1d: {  	s5 =	simm.s32 @p1 $0x1;
	p0 =	seq.s32 s7, s2  }
0x1e: {  	s7 =	smul.u32 @!p0 $0xF7A, s2;
	p2 =	seq.s32 @!p0 s5, $0x0  }
0x1f: {  	s9 =	smul.u32 $0xF7A, s1;
	s8 =	simm.s32 @!p0 $0x1BF5;
	p2 =	por !p2, p0  }
0x20: {  	[sflag:s8] =	ssyncset.s32 @!p0 $0xFFFFF086;
	s6 =	sadd.s32 @!p0 s3, s7;
	s7 =	simm.s32 @!p0 $0x108  }
0x21: {  	s3 =	sadd.s32 s3, s9;
	s6 =	sadd.s32 @!p0 $0x88, s6;
	s7 =	simm.s32 @p2 $0x1082  }
0x22: {  	[simem:s7], [sflag:s8] =	dma.local @!p0 [hbm:s6], $0xF7A  }
0x23: {  	s9 =	sor.u32 $0xD0000000, s2;
	s6 =	simm.s32 $0x108;
	_ =	swait.ge @!p0 [sflag:s8], $0x0  }
0x24: {  	s3 =	sadd.s32 $0x88, s3;
	s6 =	simm.s32 @!p1 $0x1082;
	[sflag:s4] =	ssyncset.s32 $0xFFFFF086  }
0x25: {  	[simem:s6], [sflag:s4] =	dma.local [hbm:s3], $0xF7A  }
0x26: {  	[smem:$0x3F96] =	sst s1;
	(tag) =	ssettag s2;
	_ =	strace s9  }
0x27: {  	s1 =	sld [smem:$0x3FA6]  }
0x28: {  	s2 =	sld [smem:$0x3FA7]  }
0x29: {  	s4 =	sld [smem:$0x3FA9]  }
0x2a: {  	p0 =	seq.s32 s5, $0x0;
	s5 =	sld [smem:$0x3FAA]  }
0x2b: {  	s6 =	sld [smem:$0x3FAB]  }
0x2c: {  	s7 =	sld [smem:$0x3FAC]  }
0x2d: {  	s3 =	simm.s32 $0x108;
	s8 =	sld [smem:$0x3FAD]  }
0x2e: {  	s3 =	simm.s32 @!p0 $0x1082;
	s9 =	sld [smem:$0x3FAE]  }
0x2f: {  	lr =	sadd.s32 s0, s3;
	s0 =	sld [smem:$0x3FA5]  }
0x30: {  	s3 =	sld [smem:$0x3FA8]  }
0x31: {  	[smem:$0x3FB1] =	sst s10  }
0x32: {  	s10 =	sld [smem:$0x3FAF];
	_ =	sdelay $0x3  }
0x33: {  	p0 =	seq.s32 s10, $0x1;
	s10 =	sld [smem:$0x3FB1];
	_ =	sdelay $0x3  }
0x34: {  	[smem:$0x3FB1] =	sst s10  }
0x35: {  	s10 =	sld [smem:$0x3FB0];
	_ =	sdelay $0x3  }
0x36: {  	p1 =	seq.s32 s10, $0x1;
	s10 =	sld [smem:$0x3FB1];
	_ =	sdelay $0x3  }
0x37: {  	[smem:$0x3FB1] =	sst s10  }
0x38: {  	s10 =	sld [smem:$0x3FB2]  }
0x39: {  	_ = 	snop;
	(pc) =	sbr.ind lr, $3  }
0x3a: {  	_ = 	snop  }
0x3b: {  	_ = 	snop  }
0x3c: {  	p2 =	seq.s32 s10, $0x1;
	s10 =	sld [smem:$0x3FB1]  }
0x3d: {  	_ =	shalt  }
0x3e: {  	_ =	shalt  }
0x3f: {  	_ =	shalt  }
0x40: {  	_ =	shalt  }
0x41: {  	_ =	shalt  }
0x42: {  	_ =	shalt  }
0x43: {  	_ =	shalt  }
0x44: {  	_ =	shalt  }
0x45: {  	_ =	shalt  }
0x46: {  	_ =	shalt  }
0x47: {  	_ =	shalt  }
0x48: {  	_ =	shalt  }
0x49: {  	_ =	shalt  }
0x4a: {  	_ =	shalt  }
0x4b: {  	_ =	shalt  }
0x4c: {  	_ =	shalt  }
0x4d: {  	_ =	shalt  }
0x4e: {  	_ =	shalt  }
0x4f: {  	_ =	shalt  }
0x50: {  	_ =	shalt  }
0x51: {  	_ =	shalt  }
0x52: {  	_ =	shalt  }
0x53: {  	_ =	shalt  }
0x54: {  	_ =	shalt  }
0x55: {  	_ =	shalt  }
0x56: {  	_ =	shalt  }
0x57: {  	_ =	shalt  }
0x58: {  	_ =	shalt  }
0x59: {  	_ =	shalt  }
0x5a: {  	_ =	shalt  }
0x5b: {  	_ =	shalt  }
0x5c: {  	_ =	shalt  }
0x5d: {  	_ =	shalt  }
0x5e: {  	_ =	shalt  }
0x5f: {  	_ =	shalt  }
0x60: {  	_ =	shalt  }
0x61: {  	_ =	shalt  }
0x62: {  	_ =	shalt  }
0x63: {  	_ =	shalt  }
0x64: {  	_ =	shalt  }
0x65: {  	_ =	shalt  }
0x66: {  	_ =	shalt  }
0x67: {  	_ =	shalt  }
0x68: {  	_ =	shalt  }
0x69: {  	_ =	shalt  }
0x6a: {  	_ =	shalt  }
0x6b: {  	_ =	shalt  }
0x6c: {  	_ =	shalt  }
0x6d: {  	_ =	shalt  }
0x6e: {  	_ =	shalt  }
0x6f: {  	_ =	shalt  }
0x70: {  	_ =	shalt  }
0x71: {  	_ =	shalt  }
0x72: {  	_ =	shalt  }
0x73: {  	_ =	shalt  }
0x74: {  	_ =	shalt  }
0x75: {  	_ =	shalt  }
0x76: {  	_ =	shalt  }
0x77: {  	_ =	shalt  }
0x78: {  	_ =	shalt  }
0x79: {  	_ =	shalt  }
0x7a: {  	_ =	shalt  }
0x7b: {  	_ =	shalt  }
0x7c: {  	_ =	shalt  }
0x7d: {  	_ =	shalt  }
0x7e: {  	_ =	shalt  }
0x7f: {  	_ =	shalt  }
0x80: {  	_ =	shalt  }
0x81: {  	_ =	shalt  }
0x82: {  	_ =	shalt  }
0x83: {  	_ =	shalt  }
0x84: {  	_ =	shalt  }
0x85: {  	_ =	shalt  }
0x86: {  	_ =	shalt  }
0x87: {  	_ =	shalt  }
.Lfunc_end0:
.L_simem_size_0:
called_computation_lowered:
.L_overlay_start_0:
0x88: {  	s2 =	sld [smem:$0x3FD9]  }
0x89: {  	s3 =	sld [smem:$0x3FFE];
	_ =	sdelay $0x1  }
0x8a: {  	s1 =	srdreg.scid  }
0x8b: {  	s0 =	sand.u32 $0x1, s1  }
0x8c: {  	s16 =	sshll.u32 s0, $0xA;
	s2 =	sadd.s32 s3, s2  }
0x8d: {  	s2 =	sadd.s32 s2, s16  }
0x8e: {  	[smem:$0x3FBD] =	sst s2  }
0x8f: {  	_ = 	snop  }
0x90: {  	(tm) =	ssettm $0x1  }
0x91: {  	s17 =	sld [smem:$0x3FFB];
	_ =	sdelay $0x3  }
0x92: {  	_ =	strace s17  }
0x93: {  	s2 =	sld [smem:$0x3FFC];
	_ =	sdelay $0x3  }
0x94: {  	_ =	strace s2  }
0x95: {  	s2 =	sld [smem:$0x3FFD];
	_ =	sdelay $0x3  }
0x96: {  	_ =	strace s2  }
0x97: {  	_ =	strace $0x8FFFFFFF  }
0x98: {  	s18 =	sld [smem:$0x3FDB];
	_ =	sdelay $0x1  }
0x99: {  	s19 =	simm.s32 $_scs_section_size  }
0x9a: {  	s4 =	simm.s32 $_size__tile_overlayer_lowered;
	s5 =	simm.s32 $_tile_overlayer_lowered  }
0x9b: {  	s22 =	simm.s32 $0x1BFF;
	s21 =	sshll.u32 s5, $0x1;
	s2 =	sadd.s32 s19, s18  }
0x9c: {  	s6 =	simm.s32 $0x0;
	s20 =	sshll.u32 s4, $0x1;
	s4 =	sadd.s32 s21, s2  }
0x9d: {  	[timem:s6], [sflag:s22] =	dma.local [hbm:s4], s20  }
0x9e: {  	_ =	swait.ge [sflag:s22], s20  }
0x9f: {  	s3 =	ssub.s32 $0x0, s20;
	[sflag:s22] =	ssyncset.done $0x0  }
0xa0: {  	[sflag:s22] =	ssyncadd.s32 s3;
	_ =	sdelay $0x1  }
0xa1: {  	s23 =	simm.s32 $0x1B8B  }
0xa2: {  	_ =	swait.ge [sflag:s23], $0x1  }
0xa3: {  	[sflag:s23] =	ssyncset.done $0x0  }
0xa4: {  	s25 =	simm.s32 $0x1B8E;
	s24 =	sld [smem:$0x3FFE];
	[sflag:s23] =	ssyncadd.s32 $0xFFFFFFFF  }
0xa5: {  	s26 =	simm.s32 $execute0_lowered;
	[smem:$0x3FD2] =	sst s25  }
0xa6: {  	s4 =	sshll.u32 s26, $0x1;
	_ =	strace $0x80000046;
	[dreg:$0x1] =	wrdreg $0xFFFFFFFF  }
0xa7: {  	s28 =	simm.s32 $_size_execute0_lowered;
	s2 =	sadd.s32 s2, s4;
	[dreg:$0x0] =	wrdreg $0x0  }
0xa8: {  	s4 =	sshll.u32 s28, $0x1;
	[dreg:$0x2] =	wrdreg s2  }
0xa9: {  	[dreg:$0x3] =	wrdreg s4  }
0xaa: {  	[dreg:$0x4] =	wrdreg $0xC0  }
0xab: {  	_ =	task [dreg:s6], $0x5FFFF  }
0xac: {  	[dreg:$0x1] =	wrdreg $0xFFFFFFFF  }
0xad: {  	[dreg:$0x0] =	wrdreg $0x60  }
0xae: {  	[dreg:$0x2] =	wrdreg s24  }
0xaf: {  	[dreg:$0x3] =	wrdreg $0xA0000  }
0xb0: {  	[dreg:$0x4] =	wrdreg $0x9  }
0xb1: {  	_ =	task.clear_ibuf [dreg:s6], $0x5FFFF;
	_ =	strace $0x90000046  }
0xb2: {  	s29 =	simm.s32 $0x9;
	_ =	strace $0x80000048  }
0xb3: {  	_ =	swait.ge [sflag:s29], $0x1  }
0xb4: {  	[sflag:s29] =	ssyncadd.s32 $0xFFFFFFFF  }
0xb5: {  	_ =	strace $0x90000048  }
0xb6: {  	_ =	sfence  }
0xb7: {  	s30 =	sld [smem:$0x0];
	_ =	sdelay $0x2  }
0xb8: {  	s31 =	sshll.u32 s1, $0xD;
	s1 =	sshrl.u32 s1, $0x2  }
0xb9: {  	s3 =	sand.u32 $0x4000, s31;
	s1 =	sadd.s32 s1, s30  }
0xba: {  	s0 =	sor.u32 s3, s0;
	s1 =	sshll.u32 s1, $0x11  }
0xbb: {  	s0 =	sor.u32 s1, s0  }
0xbc: {  	s0 =	sadd.s32 $0x8F2B, s0  }
0xbd: {  	[sflag:s0] =	ssyncadd.remote.s32 $0x1  }
0xbe: {  	_ =	sfence.sel $0xFFFF  }
0xbf: {  	[dreg:$0x0] =	wrdreg $0xFFFFFFFF;
	(pc) =	sbr.abs _section_cstart, $3  }
0xc0: {  	[dreg:$0x1] =	wrdreg $0xFFFFFFFF  }
0xc1: {  	_ =	task.clear_ibuf [dreg:s6], $0x2FFFF;
	_ =	strace $0x9FFFFFFF  }
0xc2: {  	(tm) =	ssettm $0x7FFFFFFF  }
0xc3: {  	_ =	shalt  }
tec
execute0_lowered:
.L_overlay_start_1:
0x0: {  	(tag) =	ssettag $0x1  }
0x1: {  	s0 =	rddreg [dreg:$0x0]  }
0x2: {  	s1 =	rddreg [dreg:$0x1]  }
0x3: {  	s2 =	simm.s32 $0x0;
	s3 =	srdreg.scid;
	s12 =	stileid.u32  }
0x4: {  	s17 =	simm.s32 $0x3;
	s28 =	simm.s32 $0x2;
	s29 =	simm.s32 $0x0  }
0x5: {  	[smem:$0x7FF] =	sst s2;
	s4 =	sadd.s32 $0x17000, s0;
	s9 =	smul.u32 $0x50000, s12  }
0x6: {  	s3 =	sand.u32 $0x1, s3;
	s5 =	sadd.s32 $0x3000, s0;
	s11 =	smul.u32 $0x500, s12  }
0x7: {  	s6 =	sadd.s32 $0xD000, s0;
	s10 =	sadd.s32 $0x14F800, s0;
	s31 =	smul.u32 $0x2800, s12  }
0x8: {  	s23 =	sshll.u32 s12, $0x6;
	_ =	strace $0x80000047;
	s7 =	smul.u32 $0x28000, s3  }
0x9: {  	s8 =	ssub.s32 $0x2, s3;
	[dreg:$0x4] =	wrdreg s10;
	p0 =	seq.s32 s3, $0x0  }
0xa: {  	[dreg:$0x5] =	wrdreg s23;
	s20 =	sshrl.u32 s8, $0x1;
	s22 =	sshrl.u32 s9, $0x2  }
0xb: {  	s3 =	sadd.s32 $0x5000, s11;
	s9 =	sor.u32 $0x1C04, s23;
	s23 =	simm.s32 $0x6000  }
0xc: {  	s0 =	sadd.s32 s7, s0;
	s21 =	ssub.s32 s8, s20;
	s8 =	sadd.s32 s22, s1  }
0xd: {  	[dreg:$0x6] =	wrdreg s9;
	s3 =	smov.u32 @p0 s11;
	s20 =	simm.s32 $0x80  }
0xe: {  	s22 =	simm.s32 $0x4;
	s24 =	sadd.s32 s5, s3;
	s25 =	sadd.s32 s6, s3  }
0xf: {  	s26 =	sadd.s32 $0x100, s3;
	s0 =	sadd.s32 $0x152000, s0;
	s14 =	smax.u32 s21, $0x1  }
0x10: {  	s3 =	sadd.s32 $0x200, s3;
	s15 =	sshrl.u32 s8, $0x3;
	[dreg:$0x7] =	wrdreg s24  }
0x11: {  	s21 =	simm.s32 $0x2000;
	[dreg:$0x8] =	wrdreg s25;
	s30 =	sadd.s32 s5, s26  }
0x12: {  	s13 =	sadd.s32 s6, s26;
	[dreg:$0x3] =	wrdreg s3;
	s24 =	sadd.s32 s31, s0  }
0x13: {  	s25 =	simm.s32 $0x1;
	s26 =	simm.s32 $0x5;
	[dreg:$0x9] =	wrdreg s30  }
.LBB2_1:
0x14: {  	s0 =	rddreg [dreg:$0x4]  }
0x15: {  	s3 =	rddreg [dreg:$0x6]  }
0x16: {  	[spmem:s15], [sflag:s3] =	dma.local [hbm:s0], $0x2800  }
0x17: {  	s0 =	rddreg [dreg:$0x7]  }
0x18: {  	[tilespmem:s2], [sflag:$0x3] =	stream.linear.gather [hbm4b:s0+s2], $0x800, $0x38;
	[tilespmem:$0x1E000] =	vst v63  }
0x19: {  	s11 =	simm.s32 $0x1000;
	s10 =	rddreg [dreg:$0x8]  }
0x1a: {  	[tilespmem:s11], [sflag:$0x3] =	stream.linear.gather [hbm4b:s10+s2], $0x800, $0x38;
	[tilespmem:$0x1E000] =	vst v63  }
0x1b: {  	_ =	swait.ge [sflag:s17], $0x800  }
0x1c: {  	[sflag:s17] =	ssyncset.done $0x0  }
0x1d: {  	[sflag:s17] =	ssyncadd.s32 $0xFFFFF800  }
0x1e: {  	_ =	swait.ge [sflag:s17], $0x800  }
0x1f: {  	[sflag:s17] =	ssyncset.done $0x0  }
0x20: {  	s16 =	simm.s32 $0x800;
	s12 =	rddreg [dreg:$0x9];
	[sflag:s17] =	ssyncadd.s32 $0xFFFFF800  }
0x21: {  	[tilespmem:s16], [sflag:$0x3] =	stream.linear.gather [hbm4b:s12+s2], $0x800, $0x38;
	[tilespmem:$0x1E000] =	vst v63  }
0x22: {  	s18 =	simm.s32 $0x1800  }
0x23: {  	[tilespmem:s18], [sflag:$0x3] =	stream.linear.gather [hbm4b:s13+s2], $0x800, $0x38;
	[tilespmem:$0x1E000] =	vst v63  }
0x24: {  	_ = 	snop  }
0x25: {  	[tilespmem:s21], [sflag:$0x1] =	stream.indirect.gather [hbm4b:s4+s20], $0x80, s2, s20, $0xb8;
	[tilespmem:$0x1E000] =	vst v63  }
0x26: {  	s19 =	simm.s32 $0x0;
	s7 =	sand.u32 $0x7, s2;
	_ =	swait.ge [sflag:s22], $0x2800  }
0x27: {  	s8 =	sshll.u32 s7, $0x8;
	s3 =	sand.u32 $0x800, s19;
	[sflag:s22] =	ssyncset.done $0x0  }
0x28: {  	s0 =	sor.u32 s3, s8;
	[sflag:s22] =	ssyncadd.s32 $0xFFFFD800  }
0x29: {  	p0 =	seq.s32 s7, $0x7;
	s0 =	sor.u32 $0x80, s0;
	[bflag:$0x0] =	sbarrier.arrive $0xFFFF  }
0x2a: {  	[tilespmem:s23], [sflag:$0x2] =	stream.indirect.gather [hbm4b:s4+s20], $0x80, s0, s20, $0xb8;
	[tilespmem:$0x1E000] =	vst v63  }
0x2b: {  	s31 =	sor.u32 $0x1000, s3;
	s8 =	sshll.u32 s7, $0xA;
	_ =	swait.ge [sflag:s25], $0x4000  }
0x2c: {  	s9 =	sshrl.u32 @!p0 s8, $0x2;
	s8 =	sshrl.u32 s8, $0x2;
	[sflag:s25] =	ssyncset.done $0x0  }
0x2d: {  	s8 =	sor.u32 s8, s31;
	[sflag:s25] =	ssyncadd.s32 $0xFFFFC000  }
0x2e: {  	[spmem:s1] =	stream.indirect.scatter.add.f32 [tilespmem:s21], [sflag:$0x5], $0x80, s8, s20, $0xb8;
	[tilespmem:$0x1E000] =	vst v63  }
0x2f: {  	s9 =	sadd.s32 @!p0 s9, s3;
	s10 =	sand.u32 $0x27, s2;
	_ =	swait.ge [sflag:s26], $0x4000  }
0x30: {  	s11 =	simm.s32 @!p0 $0x80;
	p1 =	sne.s32 s10, $0x7;
	[sflag:s26] =	ssyncset.done $0x0  }
0x31: {  	s8 =	sadd.s32 @!p0 $0x100, s9;
	s9 =	simm.s32 @!p0 $0x2000;
	[sflag:s26] =	ssyncadd.s32 $0xFFFFC000  }
0x32: {  	[tilespmem:s9], [sflag:$0x1] =	stream.indirect.gather @!p0 [hbm4b:s4+s11], $0x80, s8, s11, $0xb8;
	[tilespmem:$0x1E000] =	vst v63  }
0x33: {  	s8 =	simm.s32 @!p1 $0x3  }
0x34: {  	_ =	swait.ge @!p1 [sflag:s8], $0x800  }
0x35: {  	[sflag:s8] =	ssyncset.done @!p1 $0x0  }
0x36: {  	[sflag:s8] =	ssyncadd.s32 @!p1 $0xFFFFF800  }
0x37: {  	_ =	swait.ge @!p1 [sflag:s8], $0x800  }
0x38: {  	s10 =	simm.s32 @!p1 $0x2000;
	[sflag:s8] =	ssyncset.done @!p1 $0x0  }
0x39: {  	s9 =	sxor.u32 @!p1 $0x800, s3;
	[sflag:s8] =	ssyncadd.s32 @!p1 $0xFFFFF800;
	s8 =	simm.s32 @!p1 $0x80  }
0x3a: {  	[tilespmem:s10], [sflag:$0x1] =	stream.indirect.gather @!p1 [hbm4b:s4+s8], $0x80, s9, s8, $0xb8;
	[tilespmem:$0x1E000] =	vst v63  }
0x3b: {  	s30 =	simm.s32 $0x1;
	_ =	swait.ge [sflag:s28], $0x4000  }
0x3c: {  	s16 =	simm.s32 $0x2;
	p0 =	por $0x0, $0x0;
	[sflag:s28] =	ssyncset.done $0x0  }
0x3d: {  	s0 =	sor.u32 $0x1000, s0;
	p1 =	sne.s32 @!p0 s7, $0x7;
	[sflag:s28] =	ssyncadd.s32 $0xFFFFC000  }
0x3e: {  	[spmem:s1] =	stream.indirect.scatter.add.f32 [tilespmem:s23], [sflag:$0x5], $0x80, s0, s20, $0xb8;
	[tilespmem:$0x1E000] =	vst v63  }
0x3f: {  	s10 =	simm.s32 $0x100;
	p2 =	por p1, p0;
	s0 =	sand.u32 $0x7, s30  }
0x40: {  	s7 =	simm.s32 @!p2 $0x0;
	_ =	swait.ge [sflag:s26], $0x4000;
	s19 =	sshll.u32 s0, $0xA  }
0x41: {  	p0 =	seq.s32 s0, $0x7;
	s11 =	sshll.u32 s0, $0x8;
	s8 =	rddreg [dreg:$0x3]  }
0x42: {  	[sflag:s26] =	ssyncset.done $0x0;
	s9 =	sshrl.u32 @!p0 s19, $0x2;
	s8 =	sadd.s32 @!p2 $0x0, s8  }
.LBB2_2:
0x43: {  	s10 =	sand.u32 $0x800, s10;
	[sflag:s26] =	ssyncadd.s32 $0xFFFFC000;
	s12 =	sadd.s32 @!p2 s5, s8  }
0x44: {  	[tilespmem:s3], [sflag:$0x3] =	stream.linear.gather @!p2 [hbm4b:s12+s7], $0x800, $0x38;
	[tilespmem:$0x1E000] =	vst v63  }
0x45: {  	s8 =	sadd.s32 @!p2 s6, s8;
	s12 =	sor.u32 s10, s11  }
0x46: {  	[tilespmem:s31], [sflag:$0x3] =	stream.linear.gather @!p2 [hbm4b:s8+s7], $0x800, $0x38;
	[tilespmem:$0x1E000] =	vst v63  }
0x47: {  	s7 =	sor.u32 $0x80, s12  }
0x48: {  	[tilespmem:s23], [sflag:$0x2] =	stream.indirect.gather [hbm4b:s4+s20], $0x80, s7, s20, $0xb8;
	[tilespmem:$0x1E000] =	vst v63  }
0x49: {  	_ =	swait.ge [sflag:s25], $0x4000  }
0x4a: {  	s11 =	sshrl.u32 s19, $0x2;
	s31 =	sor.u32 $0x1000, s10;
	[sflag:s25] =	ssyncset.done $0x0  }
0x4b: {  	s9 =	sadd.s32 @!p0 s9, s10;
	s12 =	sor.u32 s11, s31;
	[sflag:s25] =	ssyncadd.s32 $0xFFFFC000  }
0x4c: {  	[spmem:s1] =	stream.indirect.scatter.add.f32 [tilespmem:s21], [sflag:$0x5], $0x80, s12, s20, $0xb8;
	[tilespmem:$0x1E000] =	vst v63  }
0x4d: {  	s3 =	smov.u32 s10;
	s19 =	sand.u32 $0x27, s30;
	_ =	swait.ge [sflag:s26], $0x4000  }
0x4e: {  	s8 =	sadd.s32 @!p0 $0x100, s9;
	s9 =	simm.s32 @!p0 $0x2000;
	[sflag:s26] =	ssyncset.done $0x0  }
0x4f: {  	s10 =	simm.s32 @!p0 $0x80;
	p2 =	sne.s32 s19, $0x7;
	[sflag:s26] =	ssyncadd.s32 $0xFFFFC000  }
0x50: {  	[tilespmem:s9], [sflag:$0x1] =	stream.indirect.gather @!p0 [hbm4b:s4+s10], $0x80, s8, s10, $0xb8;
	[tilespmem:$0x1E000] =	vst v63  }
0x51: {  	s8 =	simm.s32 @!p2 $0x3  }
0x52: {  	_ =	swait.ge @!p2 [sflag:s8], $0x800  }
0x53: {  	[sflag:s8] =	ssyncset.done @!p2 $0x0  }
0x54: {  	s18 =	smov.u32 s16;
	s16 =	sadd.s32 $0x1, s16;
	[sflag:s8] =	ssyncadd.s32 @!p2 $0xFFFFF800  }
0x55: {  	p1 =	sne.s32 s16, $0x28;
	_ =	swait.ge @!p2 [sflag:s8], $0x800  }
0x56: {  	s9 =	sxor.u32 @!p2 $0x800, s3;
	s10 =	simm.s32 @!p2 $0x2000;
	[sflag:s8] =	ssyncset.done @!p2 $0x0  }
0x57: {  	p0 =	sgt.u32 s30, $0x17;
	[sflag:s8] =	ssyncadd.s32 @!p2 $0xFFFFF800;
	s8 =	simm.s32 @!p2 $0x80  }
0x58: {  	[tilespmem:s10], [sflag:$0x1] =	stream.indirect.gather @!p2 [hbm4b:s4+s8], $0x80, s9, s8, $0xb8;
	[tilespmem:$0x1E000] =	vst v63  }
0x59: {  	s7 =	sor.u32 $0x1000, s7;
	p2 =	sne.s32 @!p0 s0, $0x7;
	s0 =	sshrl.u32 s30, $0x3  }
0x5a: {  	s10 =	sshll.u32 s18, $0x8;
	_ =	swait.ge [sflag:s28], $0x4000;
	p2 =	por p2, p0  }
0x5b: {  	s30 =	smov.u32 s18;
	[sflag:s28] =	ssyncset.done $0x0;
	s8 =	sshll.u32 @!p2 s0, $0x8  }
.Ltmp0:
0x5c: {  	s0 =	sand.u32 $0x7, s18;
	[sflag:s28] =	ssyncadd.s32 $0xFFFFC000;
	(pc) =	sbr.rel @p1 .LBB2_2-.Ltmp0, $4  }
0x5d: {  	[spmem:s1] =	stream.indirect.scatter.add.f32 [tilespmem:s23], [sflag:$0x5], $0x80, s7, s20, $0xb8;
	[tilespmem:$0x1E000] =	vst v63  }
0x5e: {  	s19 =	sshll.u32 s0, $0xA;
	p0 =	seq.s32 s0, $0x7;
	_ =	swait.ge [sflag:s26], $0x4000  }
0x5f: {  	s11 =	sshll.u32 s0, $0x8;
	s7 =	simm.s32 @!p2 $0x0;
	s12 =	rddreg [dreg:$0x3]  }
0x60: {  	s9 =	sshrl.u32 @!p0 s19, $0x2;
	[sflag:s26] =	ssyncset.done $0x0;
	s8 =	sadd.s32 @!p2 s12, s8  }
0x61: {  	s10 =	sand.u32 $0x800, s10;
	[sflag:s26] =	ssyncadd.s32 $0xFFFFC000;
	s12 =	sadd.s32 @!p2 s5, s8  }
0x62: {  	[tilespmem:s3], [sflag:$0x3] =	stream.linear.gather @!p2 [hbm4b:s12+s7], $0x800, $0x38;
	[tilespmem:$0x1E000] =	vst v63  }
0x63: {  	s8 =	sadd.s32 @!p2 s6, s8;
	s16 =	sor.u32 s10, s11  }
0x64: {  	[tilespmem:s31], [sflag:$0x3] =	stream.linear.gather @!p2 [hbm4b:s8+s7], $0x800, $0x38;
	[tilespmem:$0x1E000] =	vst v63  }
0x65: {  	s3 =	sor.u32 $0x80, s16  }
0x66: {  	[tilespmem:s23], [sflag:$0x2] =	stream.indirect.gather [hbm4b:s4+s20], $0x80, s3, s20, $0xb8;
	[tilespmem:$0x1E000] =	vst v63  }
0x67: {  	_ =	swait.ge [sflag:s25], $0x4000  }
0x68: {  	s18 =	sshrl.u32 s19, $0x2;
	s7 =	sor.u32 $0x1000, s10;
	[sflag:s25] =	ssyncset.done $0x0  }
0x69: {  	s8 =	sor.u32 s18, s7;
	[sflag:s25] =	ssyncadd.s32 $0xFFFFC000  }
0x6a: {  	[spmem:s1] =	stream.indirect.scatter.add.f32 [tilespmem:s21], [sflag:$0x5], $0x80, s8, s20, $0xb8;
	[tilespmem:$0x1E000] =	vst v63  }
0x6b: {  	s19 =	sand.u32 $0x27, s30;
	s9 =	sadd.s32 @!p0 s9, s10;
	_ =	swait.ge [sflag:s26], $0x4000  }
0x6c: {  	s12 =	simm.s32 @!p0 $0x80;
	p1 =	sne.s32 s19, $0x7;
	[sflag:s26] =	ssyncset.done $0x0  }
0x6d: {  	s8 =	sadd.s32 @!p0 $0x100, s9;
	s9 =	simm.s32 @!p0 $0x2000;
	[sflag:s26] =	ssyncadd.s32 $0xFFFFC000  }
0x6e: {  	[tilespmem:s9], [sflag:$0x1] =	stream.indirect.gather @!p0 [hbm4b:s4+s12], $0x80, s8, s12, $0xb8;
	[tilespmem:$0x1E000] =	vst v63  }
0x6f: {  	s8 =	simm.s32 @!p1 $0x3  }
0x70: {  	_ =	swait.ge @!p1 [sflag:s8], $0x800  }
0x71: {  	[sflag:s8] =	ssyncset.done @!p1 $0x0  }
0x72: {  	[sflag:s8] =	ssyncadd.s32 @!p1 $0xFFFFF800  }
0x73: {  	_ =	swait.ge @!p1 [sflag:s8], $0x800  }
0x74: {  	s11 =	simm.s32 @!p1 $0x2000;
	[sflag:s8] =	ssyncset.done @!p1 $0x0  }
0x75: {  	s9 =	sxor.u32 @!p1 $0x800, s10;
	[sflag:s8] =	ssyncadd.s32 @!p1 $0xFFFFF800;
	s8 =	simm.s32 @!p1 $0x80  }
0x76: {  	[tilespmem:s11], [sflag:$0x1] =	stream.indirect.gather @!p1 [hbm4b:s4+s8], $0x80, s9, s8, $0xb8;
	[tilespmem:$0x1E000] =	vst v63  }
0x77: {  	_ =	swait.ge [sflag:s28], $0x4000  }
0x78: {  	p0 =	sgt.u32 s30, $0x17;
	[sflag:s28] =	ssyncset.done $0x0  }
0x79: {  	s3 =	sor.u32 $0x1000, s3;
	p1 =	sne.s32 @!p0 s0, $0x7;
	[sflag:s28] =	ssyncadd.s32 $0xFFFFC000  }
0x7a: {  	[spmem:s1] =	stream.indirect.scatter.add.f32 [tilespmem:s23], [sflag:$0x5], $0x80, s3, s20, $0xb8;
	[tilespmem:$0x1E000] =	vst v63  }
0x7b: {  	p0 =	por p1, p0;
	s3 =	sshrl.u32 s30, $0x3;
	_ =	swait.ge [sflag:s26], $0x4000  }
0x7c: {  	s3 =	sshll.u32 @!p0 s3, $0x8;
	s0 =	rddreg [dreg:$0x3]  }
0x7d: {  	[sflag:s26] =	ssyncset.done $0x0;
	s0 =	sadd.s32 @!p0 s0, s3  }
0x7e: {  	s3 =	simm.s32 @!p0 $0x0;
	[sflag:s26] =	ssyncadd.s32 $0xFFFFC000;
	s8 =	sadd.s32 @!p0 s5, s0  }
0x7f: {  	[tilespmem:s10], [sflag:$0x3] =	stream.linear.gather @!p0 [hbm4b:s8+s3], $0x800, $0x38;
	[tilespmem:$0x1E000] =	vst v63  }
0x80: {  	s0 =	sadd.s32 @!p0 s6, s0  }
0x81: {  	[tilespmem:s7], [sflag:$0x3] =	stream.linear.gather @!p0 [hbm4b:s0+s3], $0x800, $0x38;
	[tilespmem:$0x1E000] =	vst v63  }
0x82: {  	s29 =	sadd.s32 $0x1, s29;
	[bflag:$0x0] =	sbarrier.arrive $0xFFFF  }
0x83: {  	p0 =	sne.s32 s29, s14;
	s31 =	rddreg [dreg:$0x5]  }
.Ltmp1:
0x84: {  	s0 =	sor.u32 $0x1C05, s31;
	(pc) =	sbr.rel @p0 .LBB2_1-.Ltmp1, $4  }
0x85: {  	[hbm:s24], [sflag:s0] =	dma.local [spmem:s15], $0x2800  }
0x86: {  	_ =	swait.ge [sflag:s26], $0x2800  }
0x87: {  	[sflag:s26] =	ssyncset.done $0x0  }
0x88: {  	[sflag:s26] =	ssyncadd.s32 $0xFFFFD800  }
0x89: {  	_ =	sfence.sel $0x180000  }
0x8a: {  	[bflag:$0x0] =	sbarrier.arrive $0xFFFF  }
0x8b: {  	_ =	strace $0x90000047  }
0x8c: {  	s0 =	stileid.u32;
	[bflag:$0x2] =	sbarrier.arrive $0xFFFF  }
0x8d: {  	p0 =	sne.s32 s0, $0x0;
	s0 =	rddreg [dreg:$0x2]  }
0x8e: {  	s0 =	sadd.s32 @!p0 $0x100000, s0  }
0x8f: {  	[sflag:s0] =	ssyncadd.tile.s32 @!p0 $0x1;
	_ =	shalt  }
.Lfunc_end2:
_tile_overlayer_lowered:
.L_overlay_start_2:
0x90: {  	(tag) =	ssettag $0x2  }
0x91: {  	s0 =	rddreg [dreg:$0x0];
	s2 =	stileid.u32  }
0x92: {  	s1 =	rddreg [dreg:$0x1];
	p0 =	sne.s32 s2, $0x0  }
0x93: {  	s3 =	rddreg [dreg:$0x2];
	[bflag:$0x3] =	sbarrier.arrive $0xFFFF;
	s2 =	simm.s32 @!p0 $0x1C05  }
0x94: {  	[timem:s3], [sflag:s2] =	dma.local @!p0 [hbm:s0], s1  }
0x95: {  	s0 =	simm.s32 @!p0 $0x5  }
0x96: {  	_ =	swait.ge @!p0 [sflag:s0], s1  }
0x97: {  	s1 =	ssub.s32 @!p0 $0x0, s1;
	[sflag:s0] =	ssyncset.done @!p0 $0x0  }
0x98: {  	[sflag:s0] =	ssyncadd.s32 @!p0 s1  }
0x99: {  	[bflag:$0x3] =	sbarrier.arrive $0xFFFF  }
0x9a: {  	_ =	shalt  }

</sc_bundles>
